<compile_context>
chip_gen: v7x
topology: tpu7x:2x2x1
jax: 0.10.2.dev20260603
libtpu: 0.0.44.dev20260713+nightly
codegen_flags: <defaults>
</compile_context>

<pallas_src>
import functools

import jax
import jax.numpy as jnp
from jax import lax
from jax.experimental import pallas as pl
from jax.experimental.pallas import tpu as pltpu
from jax.experimental.pallas import tpu_sc as plsc

N = 10000
E = 320000
IN_DIM = 128
HID = 64
LAT = 16
NF = N // 2
FD = 2 * HID

NC = 2
NS = 16
NW = NC * NS
EPW = E // NW
WIN = 128
NWIN = EPW // WIN
TAIL = EPW - NWIN * WIN
PIPE = 6
NBLK = NWIN // PIPE
SLICE = N // NS
NPADD = 10240
DSLICE = NPADD // NS

_mesh = plsc.VectorSubcoreMesh(core_axis_name="c", subcore_axis_name="s")
_sc_params = pltpu.CompilerParams(use_tc_tiling_on_sc=False)


@functools.partial(
    pl.kernel,
    out_type=(
        jax.ShapeDtypeStruct((NC, NPADD), jnp.float32),
        jax.ShapeDtypeStruct((NC, NPADD), jnp.float32),
    ),
    mesh=_mesh,
    compiler_params=_sc_params,
    scratch_types=[
        pltpu.VMEM((EPW,), jnp.int32),
        pltpu.VMEM((EPW,), jnp.int32),
        pltpu.VMEM((WIN,), jnp.float32),
        pltpu.VMEM((DSLICE,), jnp.float32),
        pltpu.VMEM_SHARED((NPADD,), jnp.float32),
        pltpu.VMEM_SHARED((NPADD,), jnp.float32),
    ]
    + [pltpu.SemaphoreType.DMA] * (2 * PIPE),
)
def _deg_kernel(src_hbm, dst_hbm, dout_hbm, din_hbm,
                src_v, dst_v, ones_v, zero_v, dout_sp, din_sp, *sems):
    c = lax.axis_index("c")
    s = lax.axis_index("s")
    w = c * NS + s
    for j in range(DSLICE // 16):
        zero_v[pl.ds(16 * j, 16)] = jnp.zeros((16,), jnp.float32)
    for j in range(WIN // 16):
        ones_v[pl.ds(16 * j, 16)] = jnp.ones((16,), jnp.float32)
    pltpu.sync_copy(zero_v, dout_sp.at[pl.ds(s * DSLICE, DSLICE)])
    pltpu.sync_copy(zero_v, din_sp.at[pl.ds(s * DSLICE, DSLICE)])
    pltpu.sync_copy(src_hbm.at[w], src_v)
    pltpu.sync_copy(dst_hbm.at[w], dst_v)
    plsc.subcore_barrier()
    pltpu.sync_copy(ones_v.at[pl.ds(0, TAIL)],
                    dout_sp.at[src_v.at[pl.ds(NWIN * WIN, TAIL)]], add=True)
    pltpu.sync_copy(ones_v.at[pl.ds(0, TAIL)],
                    din_sp.at[dst_v.at[pl.ds(NWIN * WIN, TAIL)]], add=True)

    def body(k, carry):
        ds = []
        for b in range(PIPE):
            j = k * PIPE + b
            ds.append(pltpu.async_copy(
                ones_v, dout_sp.at[src_v.at[pl.ds(j * WIN, WIN)]],
                sems[b], add=True))
            ds.append(pltpu.async_copy(
                ones_v, din_sp.at[dst_v.at[pl.ds(j * WIN, WIN)]],
                sems[PIPE + b], add=True))
        for d in ds:
            d.wait()
        return carry

    lax.fori_loop(0, NBLK, body, 0)
    plsc.subcore_barrier()
    pltpu.sync_copy(dout_sp.at[pl.ds(s * DSLICE, DSLICE)],
                    dout_hbm.at[c, pl.ds(s * DSLICE, DSLICE)])
    pltpu.sync_copy(din_sp.at[pl.ds(s * DSLICE, DSLICE)],
                    din_hbm.at[c, pl.ds(s * DSLICE, DSLICE)])


@functools.partial(
    pl.kernel,
    out_type=jax.ShapeDtypeStruct((NC, N, HID), jnp.float32),
    mesh=_mesh,
    compiler_params=_sc_params,
    scratch_types=[
        pltpu.VMEM((EPW,), jnp.int32),
        pltpu.VMEM((EPW,), jnp.int32),
        pltpu.VMEM((TAIL, HID), jnp.float32),
        pltpu.VMEM_SHARED((N, HID), jnp.float32),
    ]
    + [pltpu.VMEM((WIN, HID), jnp.float32)] * PIPE
    + [pltpu.SemaphoreType.DMA] * PIPE,
)
def _scatter_kernel(t_hbm, src_hbm, dst_hbm, zeros_hbm,
                    out_hbm, src_v, dst_v, tail_buf, acc_sp, *bufs_and_sems):
    bufs = bufs_and_sems[:PIPE]
    gsem = bufs_and_sems[PIPE:]
    c = lax.axis_index("c")
    s = lax.axis_index("s")
    w = c * NS + s
    pltpu.sync_copy(zeros_hbm.at[pl.ds(s * SLICE, SLICE)],
                    acc_sp.at[pl.ds(s * SLICE, SLICE)])
    pltpu.sync_copy(src_hbm.at[w], src_v)
    pltpu.sync_copy(dst_hbm.at[w], dst_v)
    plsc.subcore_barrier()
    pltpu.sync_copy(t_hbm.at[src_v.at[pl.ds(NWIN * WIN, TAIL)]], tail_buf)
    pltpu.sync_copy(tail_buf, acc_sp.at[dst_v.at[pl.ds(NWIN * WIN, TAIL)]],
                    add=True)
    for b in range(PIPE):
        pltpu.async_copy(t_hbm.at[src_v.at[pl.ds(b * WIN, WIN)]],
                         bufs[b], gsem[b])

    def body(k, carry):
        for b in range(PIPE):
            j = k * PIPE + b
            pltpu.make_async_copy(
                t_hbm.at[src_v.at[pl.ds(j * WIN, WIN)]], bufs[b],
                gsem[b]).wait()
            pltpu.sync_copy(bufs[b],
                            acc_sp.at[dst_v.at[pl.ds(j * WIN, WIN)]],
                            add=True)

            @pl.when(j + PIPE < NWIN)
            def _():
                pltpu.async_copy(
                    t_hbm.at[src_v.at[pl.ds((j + PIPE) * WIN, WIN)]],
                    bufs[b], gsem[b])
        return carry

    lax.fori_loop(0, NBLK, body, 0)
    plsc.subcore_barrier()
    pltpu.sync_copy(acc_sp.at[pl.ds(s * SLICE, SLICE)],
                    out_hbm.at[c, pl.ds(s * SLICE, SLICE)])


def _tc_mm1(xf, W1d, doutf):
    def body(x_ref, w_ref, dg_ref, o_ref):
        o_ref[...] = jnp.dot(x_ref[...], w_ref[...],
                             preferred_element_type=jnp.float32) * dg_ref[...]

    return pl.pallas_call(
        body,
        out_shape=jax.ShapeDtypeStruct((NF, FD), jnp.float32),
    )(xf, W1d, doutf)


def _tc_mm2(aggf, dinf, b1d, W2d, doutf):
    def body(a_ref, din_ref, b_ref, w_ref, dout_ref, o_ref):
        h = jnp.maximum(a_ref[...] * din_ref[...] + b_ref[...], 0.0)
        o_ref[...] = jnp.dot(h, w_ref[...],
                             preferred_element_type=jnp.float32) * dout_ref[...]

    return pl.pallas_call(
        body,
        out_shape=jax.ShapeDtypeStruct((NF, FD), jnp.float32),
    )(aggf, dinf, b1d, W2d, doutf)


def _tc_head(aggf, dinf, b2d, Wmu, bmu_row, Wlv, blv_row):
    def body(a_ref, din_ref, b_ref, wmu_ref, bmu_ref, wlv_ref, blv_ref, o_ref):
        h = jnp.maximum(a_ref[...] * din_ref[...] + b_ref[...], 0.0)
        hs = jnp.sum(h, axis=0, keepdims=True)
        hg = (hs[:, :HID] + hs[:, HID:]) * (1.0 / N)
        mu = jnp.dot(hg, wmu_ref[...], preferred_element_type=jnp.float32)
        lv = jnp.dot(hg, wlv_ref[...], preferred_element_type=jnp.float32)
        o_ref[...] = jnp.concatenate([mu + bmu_ref[...], lv + blv_ref[...]],
                                     axis=0)

    return pl.pallas_call(
        body,
        out_shape=jax.ShapeDtypeStruct((2, LAT), jnp.float32),
    )(aggf, dinf, b2d, Wmu, bmu_row, Wlv, blv_row)


def kernel(x, edge_index, edge_feat, W1, b1, W2, b2, We, be, Wmu, bmu, Wlv, blv):
    src2 = edge_index[0].reshape(NW, EPW)
    dst2 = edge_index[1].reshape(NW, EPW)
    zeros2d = jnp.zeros((N, HID), jnp.float32)

    W1d = jnp.zeros((2 * IN_DIM, FD), jnp.float32)
    W1d = W1d.at[:IN_DIM, :HID].set(W1).at[IN_DIM:, HID:].set(W1)
    W2d = jnp.zeros((FD, FD), jnp.float32)
    W2d = W2d.at[:HID, :HID].set(W2).at[HID:, HID:].set(W2)
    b1d = jnp.concatenate([b1, b1]).reshape(1, FD)
    b2d = jnp.concatenate([b2, b2]).reshape(1, FD)
    xf = x.reshape(NF, 2 * IN_DIM)

    deg_out2, deg_in2 = _deg_kernel(src2, dst2)
    doutf = lax.rsqrt(jnp.maximum(
        deg_out2[0, :N] + deg_out2[1, :N], 1.0))[:, None]
    doutf = jnp.broadcast_to(doutf, (N, HID)).reshape(NF, FD)
    dinf = lax.rsqrt(jnp.maximum(
        deg_in2[0, :N] + deg_in2[1, :N], 1.0))[:, None]
    dinf = jnp.broadcast_to(dinf, (N, HID)).reshape(NF, FD)

    t1 = _tc_mm1(xf, W1d, doutf).reshape(N, HID)
    acc1 = _scatter_kernel(t1, src2, dst2, zeros2d)
    agg1f = (acc1[0] + acc1[1]).reshape(NF, FD)
    t2 = _tc_mm2(agg1f, dinf, b1d, W2d, doutf).reshape(N, HID)
    acc2 = _scatter_kernel(t2, src2, dst2, zeros2d)
    agg2f = (acc2[0] + acc2[1]).reshape(NF, FD)
    out = _tc_head(agg2f, dinf, b2d,
                   Wmu, bmu.reshape(1, LAT), Wlv, blv.reshape(1, LAT))
    return out[0:1], out[1:2]

# --- scband reference (transcript-rebuilt; emitter-appended) ---
"""Pipeline reference for scband-graph-vaeencoder-56934086476461 (READ-ONLY COPY).

The authoritative reference and input builder live on the scoring server;
editing this copy changes nothing except your own understanding.
"""

import jax, jax.numpy as jnp
import numpy as np

N = 10000
E = 320000
IN_DIM = 128
EDGE_DIM = 16
HID = 64
LAT = 16


def _glorot(k, shape):
    s = (6.0 / (shape[0] + shape[1])) ** 0.5
    return jax.random.uniform(k, shape, jnp.float32, -s, s)


def setup_inputs(seed: int = 0) -> dict:
    key = jax.random.key(seed)
    ks = jax.random.split(key, 10)
    x = jax.random.normal(ks[0], (N, IN_DIM), dtype=jnp.float32)
    edge_index = jax.random.randint(ks[1], (2, E), 0, N, dtype=jnp.int32)
    edge_feat = jax.random.normal(ks[2], (E, EDGE_DIM), dtype=jnp.float32)
    W1 = _glorot(ks[3], (IN_DIM, HID)); b1 = jnp.zeros((HID,), jnp.float32)
    W2 = _glorot(ks[4], (HID, HID)); b2 = jnp.zeros((HID,), jnp.float32)
    We = _glorot(ks[5], (EDGE_DIM, HID)); be = jnp.zeros((HID,), jnp.float32)
    Wmu = _glorot(ks[6], (HID, LAT)); bmu = jnp.zeros((LAT,), jnp.float32)
    Wlv = _glorot(ks[7], (HID, LAT)); blv = jnp.zeros((LAT,), jnp.float32)
    return dict(x=x, edge_index=edge_index, edge_feat=edge_feat,
                W1=W1, b1=b1, W2=W2, b2=b2, We=We, be=be,
                Wmu=Wmu, bmu=bmu, Wlv=Wlv, blv=blv)


def _graph_conv(h, edge_index, W, b):
    # DGL GraphConv with norm='both', allow_zero_in_degree=True:
    # h' = relu( D_in^{-1/2} A (D_out^{-1/2} h) W + b ), degrees clamped min=1
    n = h.shape[0]
    src = edge_index[0]
    dst = edge_index[1]
    ones = jnp.ones((edge_index.shape[1],), jnp.float32)
    deg_out = jnp.maximum(jnp.zeros((n,), jnp.float32).at[src].add(ones), 1.0)
    deg_in = jnp.maximum(jnp.zeros((n,), jnp.float32).at[dst].add(ones), 1.0)
    h = h * (deg_out ** -0.5)[:, None]
    agg = jnp.zeros((n, h.shape[1]), h.dtype).at[dst].add(h[src])
    agg = agg * (deg_in ** -0.5)[:, None]
    return jax.nn.relu(agg @ W + b)


def reference(x, edge_index, edge_feat, W1, b1, W2, b2, We, be, Wmu, bmu, Wlv, blv):
    h = _graph_conv(x, edge_index, W1, b1)
    h = _graph_conv(h, edge_index, W2, b2)
    # edge features are projected and stored in g.edata['features'] but never
    # used downstream in the original forward; compute faithfully anyway.
    edge_h = edge_feat @ We + be
    _ = edge_h
    # dgl.mean_nodes over a single graph -> [1, HID]
    h_graph = jnp.mean(h, axis=0, keepdims=True)
    mu = h_graph @ Wmu + bmu
    logvar = h_graph @ Wlv + blv
    return (mu, logvar)

if __name__ == "__main__":
    import jax
    _d = setup_inputs()
    print(jax.jit(kernel)(*tuple(_d.values())))

</pallas_src>

<mosaic_0001>
#map = affine_map<(d0, d1) -> (0, 0)>
#map1 = affine_map<(d0, d1) -> (0, 0, 0)>
module attributes {stable_mosaic.version = 14 : i64} {
  func.func @_scatter_kernel(%arg0: i32, %arg1: i32, %arg2: memref<10000x64xf32, #tpu.memory_space<hbm>>, %arg3: memref<32x10000xi32, #tpu.memory_space<hbm>>, %arg4: memref<32x10000xi32, #tpu.memory_space<hbm>>, %arg5: memref<10000x64xf32, #tpu.memory_space<hbm>>, %arg6: memref<2x10000x64xf32, #tpu.memory_space<hbm>>, %arg7: memref<10000xi32, #tpu.memory_space<vmem>>, %arg8: memref<10000xi32, #tpu.memory_space<vmem>>, %arg9: memref<16x64xf32, #tpu.memory_space<vmem>>, %arg10: memref<10000x64xf32, #tpu.memory_space<vmem_shared>>, %arg11: memref<128x64xf32, #tpu.memory_space<vmem>>, %arg12: memref<128x64xf32, #tpu.memory_space<vmem>>, %arg13: memref<128x64xf32, #tpu.memory_space<vmem>>, %arg14: memref<128x64xf32, #tpu.memory_space<vmem>>, %arg15: memref<128x64xf32, #tpu.memory_space<vmem>>, %arg16: memref<128x64xf32, #tpu.memory_space<vmem>>, %arg17: memref<!tpu.dma_semaphore, #tpu.memory_space<semaphore_mem>>, %arg18: memref<!tpu.dma_semaphore, #tpu.memory_space<semaphore_mem>>, %arg19: memref<!tpu.dma_semaphore, #tpu.memory_space<semaphore_mem>>, %arg20: memref<!tpu.dma_semaphore, #tpu.memory_space<semaphore_mem>>, %arg21: memref<!tpu.dma_semaphore, #tpu.memory_space<semaphore_mem>>, %arg22: memref<!tpu.dma_semaphore, #tpu.memory_space<semaphore_mem>>) attributes {dimension_semantics = [#tpu.dimension_semantics<core_parallel>, #tpu.dimension_semantics<subcore_parallel>], iteration_bounds = array<i64: 2, 16>, scalar_prefetch = 0 : i64, scratch_operands = 16 : i64, tpu.core_type = #tpu.core_type<sc_vector_subcore>, window_params = [{transform_indices = #map}, {transform_indices = #map}, {transform_indices = #map}, {transform_indices = #map}, {transform_indices = #map1}]} {
    %mul3A = arith.constant 16 : i32
    %mul3A_0 = arith.muli %arg0, %mul3A : i32
    %add3A = arith.addi %mul3A_0, %arg1 : i32
    %mul3A_1 = arith.constant 625 : i32
    %mul3A_2 = arith.muli %arg1, %mul3A_1 : i32
    %mul3A_3 = arith.constant 625 : i32
    %mul3A_4 = arith.muli %arg1, %mul3A_3 : i32
    "tpu.region"() ({
      %run_scoped3A = tpu.sem_alloc : memref<!tpu.dma_semaphore, #tpu.memory_space<semaphore_mem>>
      %dma_start3A_44 = arith.constant 0 : i32
      %dma_start3A_45 = tpu.memref_slice %arg10[%mul3A_4, %dma_start3A_44] : memref<10000x64xf32, #tpu.memory_space<vmem_shared>> -> memref<625x64xf32, #tpu.memory_space<vmem_shared>>
      %dma_start3A_46 = arith.constant 0 : i32
      %dma_start3A_47 = tpu.memref_slice %arg5[%mul3A_2, %dma_start3A_46] : memref<10000x64xf32, #tpu.memory_space<hbm>> -> memref<625x64xf32, #tpu.memory_space<hbm>>
      tpu.enqueue_dma source(%dma_start3A_47 : memref<625x64xf32, #tpu.memory_space<hbm>>) target(%dma_start3A_45 : memref<625x64xf32, #tpu.memory_space<vmem_shared>>) target_semaphore(%run_scoped3A : memref<!tpu.dma_semaphore, #tpu.memory_space<semaphore_mem>>)
      %dma_wait3A = arith.constant 0 : i32
      %dma_wait3A_48 = tpu.memref_slice %arg10[%mul3A_4, %dma_wait3A] : memref<10000x64xf32, #tpu.memory_space<vmem_shared>> -> memref<625x64xf32, #tpu.memory_space<vmem_shared>>
      %dma_wait3A_49 = arith.constant 0 : i32
      %dma_wait3A_50 = tpu.memref_slice %arg5[%mul3A_2, %dma_wait3A_49] : memref<10000x64xf32, #tpu.memory_space<hbm>> -> memref<625x64xf32, #tpu.memory_space<hbm>>
      tpu.wait_dma2 semaphore(%run_scoped3A : memref<!tpu.dma_semaphore, #tpu.memory_space<semaphore_mem>>) src(%dma_wait3A_50 : memref<625x64xf32, #tpu.memory_space<hbm>>) dst(%dma_wait3A_48 : memref<625x64xf32, #tpu.memory_space<vmem_shared>>)
      tpu.yield
    }) : () -> ()
    "tpu.region"() ({
      %run_scoped3A = tpu.sem_alloc : memref<!tpu.dma_semaphore, #tpu.memory_space<semaphore_mem>>
      %dma_start3A_44 = arith.constant 0 : i32
      %dma_start3A_45 = tpu.memref_slice %arg3[%add3A, %dma_start3A_44] : memref<32x10000xi32, #tpu.memory_space<hbm>> -> memref<1x10000xi32, #tpu.memory_space<hbm>>
      %dma_start3A_46 = tpu.memref_squeeze %dma_start3A_45 : memref<1x10000xi32, #tpu.memory_space<hbm>> -> memref<10000xi32, #tpu.memory_space<hbm>>
      %dma_start3A_47 = arith.constant 0 : i32
      %dma_start3A_48 = tpu.memref_slice %arg3[%add3A, %dma_start3A_47] : memref<32x10000xi32, #tpu.memory_space<hbm>> -> memref<1x10000xi32, #tpu.memory_space<hbm>>
      %dma_start3A_49 = tpu.memref_squeeze %dma_start3A_48 : memref<1x10000xi32, #tpu.memory_space<hbm>> -> memref<10000xi32, #tpu.memory_space<hbm>>
      tpu.enqueue_dma source(%dma_start3A_49 : memref<10000xi32, #tpu.memory_space<hbm>>) target(%arg7 : memref<10000xi32, #tpu.memory_space<vmem>>) target_semaphore(%run_scoped3A : memref<!tpu.dma_semaphore, #tpu.memory_space<semaphore_mem>>)
      %dma_wait3A = arith.constant 0 : i32
      %dma_wait3A_50 = tpu.memref_slice %arg3[%add3A, %dma_wait3A] : memref<32x10000xi32, #tpu.memory_space<hbm>> -> memref<1x10000xi32, #tpu.memory_space<hbm>>
      %dma_wait3A_51 = tpu.memref_squeeze %dma_wait3A_50 : memref<1x10000xi32, #tpu.memory_space<hbm>> -> memref<10000xi32, #tpu.memory_space<hbm>>
      %dma_wait3A_52 = arith.constant 0 : i32
      %dma_wait3A_53 = tpu.memref_slice %arg3[%add3A, %dma_wait3A_52] : memref<32x10000xi32, #tpu.memory_space<hbm>> -> memref<1x10000xi32, #tpu.memory_space<hbm>>
      %dma_wait3A_54 = tpu.memref_squeeze %dma_wait3A_53 : memref<1x10000xi32, #tpu.memory_space<hbm>> -> memref<10000xi32, #tpu.memory_space<hbm>>
      tpu.wait_dma2 semaphore(%run_scoped3A : memref<!tpu.dma_semaphore, #tpu.memory_space<semaphore_mem>>) src(%dma_wait3A_54 : memref<10000xi32, #tpu.memory_space<hbm>>) dst(%arg7 : memref<10000xi32, #tpu.memory_space<vmem>>)
      tpu.yield
    }) : () -> ()
    "tpu.region"() ({
      %run_scoped3A = tpu.sem_alloc : memref<!tpu.dma_semaphore, #tpu.memory_space<semaphore_mem>>
      %dma_start3A_44 = arith.constant 0 : i32
      %dma_start3A_45 = tpu.memref_slice %arg4[%add3A, %dma_start3A_44] : memref<32x10000xi32, #tpu.memory_space<hbm>> -> memref<1x10000xi32, #tpu.memory_space<hbm>>
      %dma_start3A_46 = tpu.memref_squeeze %dma_start3A_45 : memref<1x10000xi32, #tpu.memory_space<hbm>> -> memref<10000xi32, #tpu.memory_space<hbm>>
      %dma_start3A_47 = arith.constant 0 : i32
      %dma_start3A_48 = tpu.memref_slice %arg4[%add3A, %dma_start3A_47] : memref<32x10000xi32, #tpu.memory_space<hbm>> -> memref<1x10000xi32, #tpu.memory_space<hbm>>
      %dma_start3A_49 = tpu.memref_squeeze %dma_start3A_48 : memref<1x10000xi32, #tpu.memory_space<hbm>> -> memref<10000xi32, #tpu.memory_space<hbm>>
      tpu.enqueue_dma source(%dma_start3A_49 : memref<10000xi32, #tpu.memory_space<hbm>>) target(%arg8 : memref<10000xi32, #tpu.memory_space<vmem>>) target_semaphore(%run_scoped3A : memref<!tpu.dma_semaphore, #tpu.memory_space<semaphore_mem>>)
      %dma_wait3A = arith.constant 0 : i32
      %dma_wait3A_50 = tpu.memref_slice %arg4[%add3A, %dma_wait3A] : memref<32x10000xi32, #tpu.memory_space<hbm>> -> memref<1x10000xi32, #tpu.memory_space<hbm>>
      %dma_wait3A_51 = tpu.memref_squeeze %dma_wait3A_50 : memref<1x10000xi32, #tpu.memory_space<hbm>> -> memref<10000xi32, #tpu.memory_space<hbm>>
      %dma_wait3A_52 = arith.constant 0 : i32
      %dma_wait3A_53 = tpu.memref_slice %arg4[%add3A, %dma_wait3A_52] : memref<32x10000xi32, #tpu.memory_space<hbm>> -> memref<1x10000xi32, #tpu.memory_space<hbm>>
      %dma_wait3A_54 = tpu.memref_squeeze %dma_wait3A_53 : memref<1x10000xi32, #tpu.memory_space<hbm>> -> memref<10000xi32, #tpu.memory_space<hbm>>
      tpu.wait_dma2 semaphore(%run_scoped3A : memref<!tpu.dma_semaphore, #tpu.memory_space<semaphore_mem>>) src(%dma_wait3A_54 : memref<10000xi32, #tpu.memory_space<hbm>>) dst(%arg8 : memref<10000xi32, #tpu.memory_space<vmem>>)
      tpu.yield
    }) : () -> ()
    %barrier3A = arith.constant 0 : index
    tpu.barrier barrier_id(%barrier3A)
    "tpu.region"() ({
      %run_scoped3A = tpu.sem_alloc : memref<!tpu.dma_semaphore, #tpu.memory_space<semaphore_mem>>
      %dma_start3A_44 = arith.constant 9984 : i32
      %dma_start3A_45 = tpu.memref_slice %arg7[%dma_start3A_44] : memref<10000xi32, #tpu.memory_space<vmem>> -> memref<16xi32, #tpu.memory_space<vmem>>
      %dma_start3A_46 = arith.constant 0 : i32
      %dma_start3A_47 = arith.constant 0 : i32
      %dma_start3A_48 = tpu.memref_slice %arg2[%dma_start3A_46, %dma_start3A_47] : memref<10000x64xf32, #tpu.memory_space<hbm>> -> memref<10000x64xf32, #tpu.memory_space<hbm>>
      tpu.enqueue_indirect_dma source(%dma_start3A_48 : memref<10000x64xf32, #tpu.memory_space<hbm>>) target(%arg9 : memref<16x64xf32, #tpu.memory_space<vmem>>) offsets(%dma_start3A_45 : memref<16xi32, #tpu.memory_space<vmem>>) semaphore(%run_scoped3A : memref<!tpu.dma_semaphore, #tpu.memory_space<semaphore_mem>>)
      %dma_wait3A = arith.constant 9984 : i32
      %dma_wait3A_49 = tpu.memref_slice %arg7[%dma_wait3A] : memref<10000xi32, #tpu.memory_space<vmem>> -> memref<16xi32, #tpu.memory_space<vmem>>
      %dma_wait3A_50 = arith.constant 0 : i32
      %dma_wait3A_51 = arith.constant 0 : i32
      %dma_wait3A_52 = tpu.memref_slice %arg2[%dma_wait3A_50, %dma_wait3A_51] : memref<10000x64xf32, #tpu.memory_space<hbm>> -> memref<10000x64xf32, #tpu.memory_space<hbm>>
      tpu.wait_indirect_dma semaphore(%run_scoped3A : memref<!tpu.dma_semaphore, #tpu.memory_space<semaphore_mem>>) src(%dma_wait3A_52 : memref<10000x64xf32, #tpu.memory_space<hbm>>) dst(%arg9 : memref<16x64xf32, #tpu.memory_space<vmem>>)
      tpu.yield
    }) : () -> ()
    "tpu.region"() ({
      %run_scoped3A = tpu.sem_alloc : memref<!tpu.dma_semaphore, #tpu.memory_space<semaphore_mem>>
      %dma_start3A_44 = arith.constant 9984 : i32
      %dma_start3A_45 = tpu.memref_slice %arg8[%dma_start3A_44] : memref<10000xi32, #tpu.memory_space<vmem>> -> memref<16xi32, #tpu.memory_space<vmem>>
      %dma_start3A_46 = arith.constant 0 : i32
      %dma_start3A_47 = arith.constant 0 : i32
      %dma_start3A_48 = tpu.memref_slice %arg10[%dma_start3A_46, %dma_start3A_47] : memref<10000x64xf32, #tpu.memory_space<vmem_shared>> -> memref<10000x64xf32, #tpu.memory_space<vmem_shared>>
      tpu.enqueue_indirect_dma source(%arg9 : memref<16x64xf32, #tpu.memory_space<vmem>>) target(%dma_start3A_48 : memref<10000x64xf32, #tpu.memory_space<vmem_shared>>) offsets(%dma_start3A_45 : memref<16xi32, #tpu.memory_space<vmem>>) semaphore(%run_scoped3A : memref<!tpu.dma_semaphore, #tpu.memory_space<semaphore_mem>>) {add = true}
      %dma_wait3A = arith.constant 9984 : i32
      %dma_wait3A_49 = tpu.memref_slice %arg8[%dma_wait3A] : memref<10000xi32, #tpu.memory_space<vmem>> -> memref<16xi32, #tpu.memory_space<vmem>>
      %dma_wait3A_50 = arith.constant 0 : i32
      %dma_wait3A_51 = arith.constant 0 : i32
      %dma_wait3A_52 = tpu.memref_slice %arg10[%dma_wait3A_50, %dma_wait3A_51] : memref<10000x64xf32, #tpu.memory_space<vmem_shared>> -> memref<10000x64xf32, #tpu.memory_space<vmem_shared>>
      tpu.wait_indirect_dma semaphore(%run_scoped3A : memref<!tpu.dma_semaphore, #tpu.memory_space<semaphore_mem>>) src(%arg9 : memref<16x64xf32, #tpu.memory_space<vmem>>) dst(%dma_wait3A_52 : memref<10000x64xf32, #tpu.memory_space<vmem_shared>>)
      tpu.yield
    }) : () -> ()
    %dma_start3A = arith.constant 0 : i32
    %dma_start3A_5 = tpu.memref_slice %arg7[%dma_start3A] : memref<10000xi32, #tpu.memory_space<vmem>> -> memref<128xi32, #tpu.memory_space<vmem>>
    %dma_start3A_6 = arith.constant 0 : i32
    %dma_start3A_7 = arith.constant 0 : i32
    %dma_start3A_8 = tpu.memref_slice %arg2[%dma_start3A_6, %dma_start3A_7] : memref<10000x64xf32, #tpu.memory_space<hbm>> -> memref<10000x64xf32, #tpu.memory_space<hbm>>
    tpu.enqueue_indirect_dma source(%dma_start3A_8 : memref<10000x64xf32, #tpu.memory_space<hbm>>) target(%arg11 : memref<128x64xf32, #tpu.memory_space<vmem>>) offsets(%dma_start3A_5 : memref<128xi32, #tpu.memory_space<vmem>>) semaphore(%arg17 : memref<!tpu.dma_semaphore, #tpu.memory_space<semaphore_mem>>)
    %dma_start3A_9 = arith.constant 128 : i32
    %dma_start3A_10 = tpu.memref_slice %arg7[%dma_start3A_9] : memref<10000xi32, #tpu.memory_space<vmem>> -> memref<128xi32, #tpu.memory_space<vmem>>
    %dma_start3A_11 = arith.constant 0 : i32
    %dma_start3A_12 = arith.constant 0 : i32
    %dma_start3A_13 = tpu.memref_slice %arg2[%dma_start3A_11, %dma_start3A_12] : memref<10000x64xf32, #tpu.memory_space<hbm>> -> memref<10000x64xf32, #tpu.memory_space<hbm>>
    tpu.enqueue_indirect_dma source(%dma_start3A_13 : memref<10000x64xf32, #tpu.memory_space<hbm>>) target(%arg12 : memref<128x64xf32, #tpu.memory_space<vmem>>) offsets(%dma_start3A_10 : memref<128xi32, #tpu.memory_space<vmem>>) semaphore(%arg18 : memref<!tpu.dma_semaphore, #tpu.memory_space<semaphore_mem>>)
    %dma_start3A_14 = arith.constant 256 : i32
    %dma_start3A_15 = tpu.memref_slice %arg7[%dma_start3A_14] : memref<10000xi32, #tpu.memory_space<vmem>> -> memref<128xi32, #tpu.memory_space<vmem>>
    %dma_start3A_16 = arith.constant 0 : i32
    %dma_start3A_17 = arith.constant 0 : i32
    %dma_start3A_18 = tpu.memref_slice %arg2[%dma_start3A_16, %dma_start3A_17] : memref<10000x64xf32, #tpu.memory_space<hbm>> -> memref<10000x64xf32, #tpu.memory_space<hbm>>
    tpu.enqueue_indirect_dma source(%dma_start3A_18 : memref<10000x64xf32, #tpu.memory_space<hbm>>) target(%arg13 : memref<128x64xf32, #tpu.memory_space<vmem>>) offsets(%dma_start3A_15 : memref<128xi32, #tpu.memory_space<vmem>>) semaphore(%arg19 : memref<!tpu.dma_semaphore, #tpu.memory_space<semaphore_mem>>)
    %dma_start3A_19 = arith.constant 384 : i32
    %dma_start3A_20 = tpu.memref_slice %arg7[%dma_start3A_19] : memref<10000xi32, #tpu.memory_space<vmem>> -> memref<128xi32, #tpu.memory_space<vmem>>
    %dma_start3A_21 = arith.constant 0 : i32
    %dma_start3A_22 = arith.constant 0 : i32
    %dma_start3A_23 = tpu.memref_slice %arg2[%dma_start3A_21, %dma_start3A_22] : memref<10000x64xf32, #tpu.memory_space<hbm>> -> memref<10000x64xf32, #tpu.memory_space<hbm>>
    tpu.enqueue_indirect_dma source(%dma_start3A_23 : memref<10000x64xf32, #tpu.memory_space<hbm>>) target(%arg14 : memref<128x64xf32, #tpu.memory_space<vmem>>) offsets(%dma_start3A_20 : memref<128xi32, #tpu.memory_space<vmem>>) semaphore(%arg20 : memref<!tpu.dma_semaphore, #tpu.memory_space<semaphore_mem>>)
    %dma_start3A_24 = arith.constant 512 : i32
    %dma_start3A_25 = tpu.memref_slice %arg7[%dma_start3A_24] : memref<10000xi32, #tpu.memory_space<vmem>> -> memref<128xi32, #tpu.memory_space<vmem>>
    %dma_start3A_26 = arith.constant 0 : i32
    %dma_start3A_27 = arith.constant 0 : i32
    %dma_start3A_28 = tpu.memref_slice %arg2[%dma_start3A_26, %dma_start3A_27] : memref<10000x64xf32, #tpu.memory_space<hbm>> -> memref<10000x64xf32, #tpu.memory_space<hbm>>
    tpu.enqueue_indirect_dma source(%dma_start3A_28 : memref<10000x64xf32, #tpu.memory_space<hbm>>) target(%arg15 : memref<128x64xf32, #tpu.memory_space<vmem>>) offsets(%dma_start3A_25 : memref<128xi32, #tpu.memory_space<vmem>>) semaphore(%arg21 : memref<!tpu.dma_semaphore, #tpu.memory_space<semaphore_mem>>)
    %dma_start3A_29 = arith.constant 640 : i32
    %dma_start3A_30 = tpu.memref_slice %arg7[%dma_start3A_29] : memref<10000xi32, #tpu.memory_space<vmem>> -> memref<128xi32, #tpu.memory_space<vmem>>
    %dma_start3A_31 = arith.constant 0 : i32
    %dma_start3A_32 = arith.constant 0 : i32
    %dma_start3A_33 = tpu.memref_slice %arg2[%dma_start3A_31, %dma_start3A_32] : memref<10000x64xf32, #tpu.memory_space<hbm>> -> memref<10000x64xf32, #tpu.memory_space<hbm>>
    tpu.enqueue_indirect_dma source(%dma_start3A_33 : memref<10000x64xf32, #tpu.memory_space<hbm>>) target(%arg16 : memref<128x64xf32, #tpu.memory_space<vmem>>) offsets(%dma_start3A_30 : memref<128xi32, #tpu.memory_space<vmem>>) semaphore(%arg22 : memref<!tpu.dma_semaphore, #tpu.memory_space<semaphore_mem>>)
    %scan3A = arith.constant 0 : i32
    %scan3A_34 = arith.constant 0 : i32
    %scan3A_35 = arith.constant 13 : i32
    %scan3A_36 = arith.addi %scan3A_34, %scan3A_35 : i32
    %scan3A_37 = arith.constant 1 : i32
    scf.for %scan3A_44 = %scan3A_34 to %scan3A_36 step %scan3A_37  : i32 {
      %mul3A_45 = arith.constant 6 : i32
      %mul3A_46 = arith.muli %scan3A_44, %mul3A_45 : i32
      %add3A_47 = arith.constant 0 : i32
      %add3A_48 = arith.addi %mul3A_46, %add3A_47 : i32
      %mul3A_49 = arith.constant 128 : i32
      %mul3A_50 = arith.muli %add3A_48, %mul3A_49 : i32
      %dma_wait3A = tpu.memref_slice %arg7[%mul3A_50] : memref<10000xi32, #tpu.memory_space<vmem>> -> memref<128xi32, #tpu.memory_space<vmem>>
      %dma_wait3A_51 = arith.constant 0 : i32
      %dma_wait3A_52 = arith.constant 0 : i32
      %dma_wait3A_53 = tpu.memref_slice %arg2[%dma_wait3A_51, %dma_wait3A_52] : memref<10000x64xf32, #tpu.memory_space<hbm>> -> memref<10000x64xf32, #tpu.memory_space<hbm>>
      tpu.wait_indirect_dma semaphore(%arg17 : memref<!tpu.dma_semaphore, #tpu.memory_space<semaphore_mem>>) src(%dma_wait3A_53 : memref<10000x64xf32, #tpu.memory_space<hbm>>) dst(%arg11 : memref<128x64xf32, #tpu.memory_space<vmem>>)
      %mul3A_54 = arith.constant 128 : i32
      %mul3A_55 = arith.muli %add3A_48, %mul3A_54 : i32
      "tpu.region"() ({
        %run_scoped3A = tpu.sem_alloc : memref<!tpu.dma_semaphore, #tpu.memory_space<semaphore_mem>>
        %dma_start3A_155 = tpu.memref_slice %arg8[%mul3A_55] : memref<10000xi32, #tpu.memory_space<vmem>> -> memref<128xi32, #tpu.memory_space<vmem>>
        %dma_start3A_156 = arith.constant 0 : i32
        %dma_start3A_157 = arith.constant 0 : i32
        %dma_start3A_158 = tpu.memref_slice %arg10[%dma_start3A_156, %dma_start3A_157] : memref<10000x64xf32, #tpu.memory_space<vmem_shared>> -> memref<10000x64xf32, #tpu.memory_space<vmem_shared>>
        tpu.enqueue_indirect_dma source(%arg11 : memref<128x64xf32, #tpu.memory_space<vmem>>) target(%dma_start3A_158 : memref<10000x64xf32, #tpu.memory_space<vmem_shared>>) offsets(%dma_start3A_155 : memref<128xi32, #tpu.memory_space<vmem>>) semaphore(%run_scoped3A : memref<!tpu.dma_semaphore, #tpu.memory_space<semaphore_mem>>) {add = true}
        %dma_wait3A_159 = tpu.memref_slice %arg8[%mul3A_55] : memref<10000xi32, #tpu.memory_space<vmem>> -> memref<128xi32, #tpu.memory_space<vmem>>
        %dma_wait3A_160 = arith.constant 0 : i32
        %dma_wait3A_161 = arith.constant 0 : i32
        %dma_wait3A_162 = tpu.memref_slice %arg10[%dma_wait3A_160, %dma_wait3A_161] : memref<10000x64xf32, #tpu.memory_space<vmem_shared>> -> memref<10000x64xf32, #tpu.memory_space<vmem_shared>>
        tpu.wait_indirect_dma semaphore(%run_scoped3A : memref<!tpu.dma_semaphore, #tpu.memory_space<semaphore_mem>>) src(%arg11 : memref<128x64xf32, #tpu.memory_space<vmem>>) dst(%dma_wait3A_162 : memref<10000x64xf32, #tpu.memory_space<vmem_shared>>)
        tpu.yield
      }) : () -> ()
      %add3A_56 = arith.constant 6 : i32
      %add3A_57 = arith.addi %add3A_48, %add3A_56 : i32
      %lt3A = arith.constant 78 : i32
      %lt3A_58 = arith.cmpi slt, %add3A_57, %lt3A : i32
      %convert_element_type3A = arith.extui %lt3A_58 : i1 to i32
      %cond3A = arith.constant 0 : i32
      %cond3A_59 = arith.cmpi ne, %convert_element_type3A, %cond3A : i32
      scf.if %cond3A_59 {
        %add3A_155 = arith.constant 6 : i32
        %add3A_156 = arith.addi %add3A_48, %add3A_155 : i32
        %mul3A_157 = arith.constant 128 : i32
        %mul3A_158 = arith.muli %add3A_156, %mul3A_157 : i32
        %dma_start3A_159 = tpu.memref_slice %arg7[%mul3A_158] : memref<10000xi32, #tpu.memory_space<vmem>> -> memref<128xi32, #tpu.memory_space<vmem>>
        %dma_start3A_160 = arith.constant 0 : i32
        %dma_start3A_161 = arith.constant 0 : i32
        %dma_start3A_162 = tpu.memref_slice %arg2[%dma_start3A_160, %dma_start3A_161] : memref<10000x64xf32, #tpu.memory_space<hbm>> -> memref<10000x64xf32, #tpu.memory_space<hbm>>
        tpu.enqueue_indirect_dma source(%dma_start3A_162 : memref<10000x64xf32, #tpu.memory_space<hbm>>) target(%arg11 : memref<128x64xf32, #tpu.memory_space<vmem>>) offsets(%dma_start3A_159 : memref<128xi32, #tpu.memory_space<vmem>>) semaphore(%arg17 : memref<!tpu.dma_semaphore, #tpu.memory_space<semaphore_mem>>)
      } else {
      }
      %mul3A_60 = arith.constant 6 : i32
      %mul3A_61 = arith.muli %scan3A_44, %mul3A_60 : i32
      %add3A_62 = arith.constant 1 : i32
      %add3A_63 = arith.addi %mul3A_61, %add3A_62 : i32
      %mul3A_64 = arith.constant 128 : i32
      %mul3A_65 = arith.muli %add3A_63, %mul3A_64 : i32
      %dma_wait3A_66 = tpu.memref_slice %arg7[%mul3A_65] : memref<10000xi32, #tpu.memory_space<vmem>> -> memref<128xi32, #tpu.memory_space<vmem>>
      %dma_wait3A_67 = arith.constant 0 : i32
      %dma_wait3A_68 = arith.constant 0 : i32
      %dma_wait3A_69 = tpu.memref_slice %arg2[%dma_wait3A_67, %dma_wait3A_68] : memref<10000x64xf32, #tpu.memory_space<hbm>> -> memref<10000x64xf32, #tpu.memory_space<hbm>>
      tpu.wait_indirect_dma semaphore(%arg18 : memref<!tpu.dma_semaphore, #tpu.memory_space<semaphore_mem>>) src(%dma_wait3A_69 : memref<10000x64xf32, #tpu.memory_space<hbm>>) dst(%arg12 : memref<128x64xf32, #tpu.memory_space<vmem>>)
      %mul3A_70 = arith.constant 128 : i32
      %mul3A_71 = arith.muli %add3A_63, %mul3A_70 : i32
      "tpu.region"() ({
        %run_scoped3A = tpu.sem_alloc : memref<!tpu.dma_semaphore, #tpu.memory_space<semaphore_mem>>
        %dma_start3A_155 = tpu.memref_slice %arg8[%mul3A_71] : memref<10000xi32, #tpu.memory_space<vmem>> -> memref<128xi32, #tpu.memory_space<vmem>>
        %dma_start3A_156 = arith.constant 0 : i32
        %dma_start3A_157 = arith.constant 0 : i32
        %dma_start3A_158 = tpu.memref_slice %arg10[%dma_start3A_156, %dma_start3A_157] : memref<10000x64xf32, #tpu.memory_space<vmem_shared>> -> memref<10000x64xf32, #tpu.memory_space<vmem_shared>>
        tpu.enqueue_indirect_dma source(%arg12 : memref<128x64xf32, #tpu.memory_space<vmem>>) target(%dma_start3A_158 : memref<10000x64xf32, #tpu.memory_space<vmem_shared>>) offsets(%dma_start3A_155 : memref<128xi32, #tpu.memory_space<vmem>>) semaphore(%run_scoped3A : memref<!tpu.dma_semaphore, #tpu.memory_space<semaphore_mem>>) {add = true}
        %dma_wait3A_159 = tpu.memref_slice %arg8[%mul3A_71] : memref<10000xi32, #tpu.memory_space<vmem>> -> memref<128xi32, #tpu.memory_space<vmem>>
        %dma_wait3A_160 = arith.constant 0 : i32
        %dma_wait3A_161 = arith.constant 0 : i32
        %dma_wait3A_162 = tpu.memref_slice %arg10[%dma_wait3A_160, %dma_wait3A_161] : memref<10000x64xf32, #tpu.memory_space<vmem_shared>> -> memref<10000x64xf32, #tpu.memory_space<vmem_shared>>
        tpu.wait_indirect_dma semaphore(%run_scoped3A : memref<!tpu.dma_semaphore, #tpu.memory_space<semaphore_mem>>) src(%arg12 : memref<128x64xf32, #tpu.memory_space<vmem>>) dst(%dma_wait3A_162 : memref<10000x64xf32, #tpu.memory_space<vmem_shared>>)
        tpu.yield
      }) : () -> ()
      %add3A_72 = arith.constant 6 : i32
      %add3A_73 = arith.addi %add3A_63, %add3A_72 : i32
      %lt3A_74 = arith.constant 78 : i32
      %lt3A_75 = arith.cmpi slt, %add3A_73, %lt3A_74 : i32
      %convert_element_type3A_76 = arith.extui %lt3A_75 : i1 to i32
      %cond3A_77 = arith.constant 0 : i32
      %cond3A_78 = arith.cmpi ne, %convert_element_type3A_76, %cond3A_77 : i32
      scf.if %cond3A_78 {
        %add3A_155 = arith.constant 6 : i32
        %add3A_156 = arith.addi %add3A_63, %add3A_155 : i32
        %mul3A_157 = arith.constant 128 : i32
        %mul3A_158 = arith.muli %add3A_156, %mul3A_157 : i32
        %dma_start3A_159 = tpu.memref_slice %arg7[%mul3A_158] : memref<10000xi32, #tpu.memory_space<vmem>> -> memref<128xi32, #tpu.memory_space<vmem>>
        %dma_start3A_160 = arith.constant 0 : i32
        %dma_start3A_161 = arith.constant 0 : i32
        %dma_start3A_162 = tpu.memref_slice %arg2[%dma_start3A_160, %dma_start3A_161] : memref<10000x64xf32, #tpu.memory_space<hbm>> -> memref<10000x64xf32, #tpu.memory_space<hbm>>
        tpu.enqueue_indirect_dma source(%dma_start3A_162 : memref<10000x64xf32, #tpu.memory_space<hbm>>) target(%arg12 : memref<128x64xf32, #tpu.memory_space<vmem>>) offsets(%dma_start3A_159 : memref<128xi32, #tpu.memory_space<vmem>>) semaphore(%arg18 : memref<!tpu.dma_semaphore, #tpu.memory_space<semaphore_mem>>)
      } else {
      }
      %mul3A_79 = arith.constant 6 : i32
      %mul3A_80 = arith.muli %scan3A_44, %mul3A_79 : i32
      %add3A_81 = arith.constant 2 : i32
      %add3A_82 = arith.addi %mul3A_80, %add3A_81 : i32
      %mul3A_83 = arith.constant 128 : i32
      %mul3A_84 = arith.muli %add3A_82, %mul3A_83 : i32
      %dma_wait3A_85 = tpu.memref_slice %arg7[%mul3A_84] : memref<10000xi32, #tpu.memory_space<vmem>> -> memref<128xi32, #tpu.memory_space<vmem>>
      %dma_wait3A_86 = arith.constant 0 : i32
      %dma_wait3A_87 = arith.constant 0 : i32
      %dma_wait3A_88 = tpu.memref_slice %arg2[%dma_wait3A_86, %dma_wait3A_87] : memref<10000x64xf32, #tpu.memory_space<hbm>> -> memref<10000x64xf32, #tpu.memory_space<hbm>>
      tpu.wait_indirect_dma semaphore(%arg19 : memref<!tpu.dma_semaphore, #tpu.memory_space<semaphore_mem>>) src(%dma_wait3A_88 : memref<10000x64xf32, #tpu.memory_space<hbm>>) dst(%arg13 : memref<128x64xf32, #tpu.memory_space<vmem>>)
      %mul3A_89 = arith.constant 128 : i32
      %mul3A_90 = arith.muli %add3A_82, %mul3A_89 : i32
      "tpu.region"() ({
        %run_scoped3A = tpu.sem_alloc : memref<!tpu.dma_semaphore, #tpu.memory_space<semaphore_mem>>
        %dma_start3A_155 = tpu.memref_slice %arg8[%mul3A_90] : memref<10000xi32, #tpu.memory_space<vmem>> -> memref<128xi32, #tpu.memory_space<vmem>>
        %dma_start3A_156 = arith.constant 0 : i32
        %dma_start3A_157 = arith.constant 0 : i32
        %dma_start3A_158 = tpu.memref_slice %arg10[%dma_start3A_156, %dma_start3A_157] : memref<10000x64xf32, #tpu.memory_space<vmem_shared>> -> memref<10000x64xf32, #tpu.memory_space<vmem_shared>>
        tpu.enqueue_indirect_dma source(%arg13 : memref<128x64xf32, #tpu.memory_space<vmem>>) target(%dma_start3A_158 : memref<10000x64xf32, #tpu.memory_space<vmem_shared>>) offsets(%dma_start3A_155 : memref<128xi32, #tpu.memory_space<vmem>>) semaphore(%run_scoped3A : memref<!tpu.dma_semaphore, #tpu.memory_space<semaphore_mem>>) {add = true}
        %dma_wait3A_159 = tpu.memref_slice %arg8[%mul3A_90] : memref<10000xi32, #tpu.memory_space<vmem>> -> memref<128xi32, #tpu.memory_space<vmem>>
        %dma_wait3A_160 = arith.constant 0 : i32
        %dma_wait3A_161 = arith.constant 0 : i32
        %dma_wait3A_162 = tpu.memref_slice %arg10[%dma_wait3A_160, %dma_wait3A_161] : memref<10000x64xf32, #tpu.memory_space<vmem_shared>> -> memref<10000x64xf32, #tpu.memory_space<vmem_shared>>
        tpu.wait_indirect_dma semaphore(%run_scoped3A : memref<!tpu.dma_semaphore, #tpu.memory_space<semaphore_mem>>) src(%arg13 : memref<128x64xf32, #tpu.memory_space<vmem>>) dst(%dma_wait3A_162 : memref<10000x64xf32, #tpu.memory_space<vmem_shared>>)
        tpu.yield
      }) : () -> ()
      %add3A_91 = arith.constant 6 : i32
      %add3A_92 = arith.addi %add3A_82, %add3A_91 : i32
      %lt3A_93 = arith.constant 78 : i32
      %lt3A_94 = arith.cmpi slt, %add3A_92, %lt3A_93 : i32
      %convert_element_type3A_95 = arith.extui %lt3A_94 : i1 to i32
      %cond3A_96 = arith.constant 0 : i32
      %cond3A_97 = arith.cmpi ne, %convert_element_type3A_95, %cond3A_96 : i32
      scf.if %cond3A_97 {
        %add3A_155 = arith.constant 6 : i32
        %add3A_156 = arith.addi %add3A_82, %add3A_155 : i32
        %mul3A_157 = arith.constant 128 : i32
        %mul3A_158 = arith.muli %add3A_156, %mul3A_157 : i32
        %dma_start3A_159 = tpu.memref_slice %arg7[%mul3A_158] : memref<10000xi32, #tpu.memory_space<vmem>> -> memref<128xi32, #tpu.memory_space<vmem>>
        %dma_start3A_160 = arith.constant 0 : i32
        %dma_start3A_161 = arith.constant 0 : i32
        %dma_start3A_162 = tpu.memref_slice %arg2[%dma_start3A_160, %dma_start3A_161] : memref<10000x64xf32, #tpu.memory_space<hbm>> -> memref<10000x64xf32, #tpu.memory_space<hbm>>
        tpu.enqueue_indirect_dma source(%dma_start3A_162 : memref<10000x64xf32, #tpu.memory_space<hbm>>) target(%arg13 : memref<128x64xf32, #tpu.memory_space<vmem>>) offsets(%dma_start3A_159 : memref<128xi32, #tpu.memory_space<vmem>>) semaphore(%arg19 : memref<!tpu.dma_semaphore, #tpu.memory_space<semaphore_mem>>)
      } else {
      }
      %mul3A_98 = arith.constant 6 : i32
      %mul3A_99 = arith.muli %scan3A_44, %mul3A_98 : i32
      %add3A_100 = arith.constant 3 : i32
      %add3A_101 = arith.addi %mul3A_99, %add3A_100 : i32
      %mul3A_102 = arith.constant 128 : i32
      %mul3A_103 = arith.muli %add3A_101, %mul3A_102 : i32
      %dma_wait3A_104 = tpu.memref_slice %arg7[%mul3A_103] : memref<10000xi32, #tpu.memory_space<vmem>> -> memref<128xi32, #tpu.memory_space<vmem>>
      %dma_wait3A_105 = arith.constant 0 : i32
      %dma_wait3A_106 = arith.constant 0 : i32
      %dma_wait3A_107 = tpu.memref_slice %arg2[%dma_wait3A_105, %dma_wait3A_106] : memref<10000x64xf32, #tpu.memory_space<hbm>> -> memref<10000x64xf32, #tpu.memory_space<hbm>>
      tpu.wait_indirect_dma semaphore(%arg20 : memref<!tpu.dma_semaphore, #tpu.memory_space<semaphore_mem>>) src(%dma_wait3A_107 : memref<10000x64xf32, #tpu.memory_space<hbm>>) dst(%arg14 : memref<128x64xf32, #tpu.memory_space<vmem>>)
      %mul3A_108 = arith.constant 128 : i32
      %mul3A_109 = arith.muli %add3A_101, %mul3A_108 : i32
      "tpu.region"() ({
        %run_scoped3A = tpu.sem_alloc : memref<!tpu.dma_semaphore, #tpu.memory_space<semaphore_mem>>
        %dma_start3A_155 = tpu.memref_slice %arg8[%mul3A_109] : memref<10000xi32, #tpu.memory_space<vmem>> -> memref<128xi32, #tpu.memory_space<vmem>>
        %dma_start3A_156 = arith.constant 0 : i32
        %dma_start3A_157 = arith.constant 0 : i32
        %dma_start3A_158 = tpu.memref_slice %arg10[%dma_start3A_156, %dma_start3A_157] : memref<10000x64xf32, #tpu.memory_space<vmem_shared>> -> memref<10000x64xf32, #tpu.memory_space<vmem_shared>>
        tpu.enqueue_indirect_dma source(%arg14 : memref<128x64xf32, #tpu.memory_space<vmem>>) target(%dma_start3A_158 : memref<10000x64xf32, #tpu.memory_space<vmem_shared>>) offsets(%dma_start3A_155 : memref<128xi32, #tpu.memory_space<vmem>>) semaphore(%run_scoped3A : memref<!tpu.dma_semaphore, #tpu.memory_space<semaphore_mem>>) {add = true}
        %dma_wait3A_159 = tpu.memref_slice %arg8[%mul3A_109] : memref<10000xi32, #tpu.memory_space<vmem>> -> memref<128xi32, #tpu.memory_space<vmem>>
        %dma_wait3A_160 = arith.constant 0 : i32
        %dma_wait3A_161 = arith.constant 0 : i32
        %dma_wait3A_162 = tpu.memref_slice %arg10[%dma_wait3A_160, %dma_wait3A_161] : memref<10000x64xf32, #tpu.memory_space<vmem_shared>> -> memref<10000x64xf32, #tpu.memory_space<vmem_shared>>
        tpu.wait_indirect_dma semaphore(%run_scoped3A : memref<!tpu.dma_semaphore, #tpu.memory_space<semaphore_mem>>) src(%arg14 : memref<128x64xf32, #tpu.memory_space<vmem>>) dst(%dma_wait3A_162 : memref<10000x64xf32, #tpu.memory_space<vmem_shared>>)
        tpu.yield
      }) : () -> ()
      %add3A_110 = arith.constant 6 : i32
      %add3A_111 = arith.addi %add3A_101, %add3A_110 : i32
      %lt3A_112 = arith.constant 78 : i32
      %lt3A_113 = arith.cmpi slt, %add3A_111, %lt3A_112 : i32
      %convert_element_type3A_114 = arith.extui %lt3A_113 : i1 to i32
      %cond3A_115 = arith.constant 0 : i32
      %cond3A_116 = arith.cmpi ne, %convert_element_type3A_114, %cond3A_115 : i32
      scf.if %cond3A_116 {
        %add3A_155 = arith.constant 6 : i32
        %add3A_156 = arith.addi %add3A_101, %add3A_155 : i32
        %mul3A_157 = arith.constant 128 : i32
        %mul3A_158 = arith.muli %add3A_156, %mul3A_157 : i32
        %dma_start3A_159 = tpu.memref_slice %arg7[%mul3A_158] : memref<10000xi32, #tpu.memory_space<vmem>> -> memref<128xi32, #tpu.memory_space<vmem>>
        %dma_start3A_160 = arith.constant 0 : i32
        %dma_start3A_161 = arith.constant 0 : i32
        %dma_start3A_162 = tpu.memref_slice %arg2[%dma_start3A_160, %dma_start3A_161] : memref<10000x64xf32, #tpu.memory_space<hbm>> -> memref<10000x64xf32, #tpu.memory_space<hbm>>
        tpu.enqueue_indirect_dma source(%dma_start3A_162 : memref<10000x64xf32, #tpu.memory_space<hbm>>) target(%arg14 : memref<128x64xf32, #tpu.memory_space<vmem>>) offsets(%dma_start3A_159 : memref<128xi32, #tpu.memory_space<vmem>>) semaphore(%arg20 : memref<!tpu.dma_semaphore, #tpu.memory_space<semaphore_mem>>)
      } else {
      }
      %mul3A_117 = arith.constant 6 : i32
      %mul3A_118 = arith.muli %scan3A_44, %mul3A_117 : i32
      %add3A_119 = arith.constant 4 : i32
      %add3A_120 = arith.addi %mul3A_118, %add3A_119 : i32
      %mul3A_121 = arith.constant 128 : i32
      %mul3A_122 = arith.muli %add3A_120, %mul3A_121 : i32
      %dma_wait3A_123 = tpu.memref_slice %arg7[%mul3A_122] : memref<10000xi32, #tpu.memory_space<vmem>> -> memref<128xi32, #tpu.memory_space<vmem>>
      %dma_wait3A_124 = arith.constant 0 : i32
      %dma_wait3A_125 = arith.constant 0 : i32
      %dma_wait3A_126 = tpu.memref_slice %arg2[%dma_wait3A_124, %dma_wait3A_125] : memref<10000x64xf32, #tpu.memory_space<hbm>> -> memref<10000x64xf32, #tpu.memory_space<hbm>>
      tpu.wait_indirect_dma semaphore(%arg21 : memref<!tpu.dma_semaphore, #tpu.memory_space<semaphore_mem>>) src(%dma_wait3A_126 : memref<10000x64xf32, #tpu.memory_space<hbm>>) dst(%arg15 : memref<128x64xf32, #tpu.memory_space<vmem>>)
      %mul3A_127 = arith.constant 128 : i32
      %mul3A_128 = arith.muli %add3A_120, %mul3A_127 : i32
      "tpu.region"() ({
        %run_scoped3A = tpu.sem_alloc : memref<!tpu.dma_semaphore, #tpu.memory_space<semaphore_mem>>
        %dma_start3A_155 = tpu.memref_slice %arg8[%mul3A_128] : memref<10000xi32, #tpu.memory_space<vmem>> -> memref<128xi32, #tpu.memory_space<vmem>>
        %dma_start3A_156 = arith.constant 0 : i32
        %dma_start3A_157 = arith.constant 0 : i32
        %dma_start3A_158 = tpu.memref_slice %arg10[%dma_start3A_156, %dma_start3A_157] : memref<10000x64xf32, #tpu.memory_space<vmem_shared>> -> memref<10000x64xf32, #tpu.memory_space<vmem_shared>>
        tpu.enqueue_indirect_dma source(%arg15 : memref<128x64xf32, #tpu.memory_space<vmem>>) target(%dma_start3A_158 : memref<10000x64xf32, #tpu.memory_space<vmem_shared>>) offsets(%dma_start3A_155 : memref<128xi32, #tpu.memory_space<vmem>>) semaphore(%run_scoped3A : memref<!tpu.dma_semaphore, #tpu.memory_space<semaphore_mem>>) {add = true}
        %dma_wait3A_159 = tpu.memref_slice %arg8[%mul3A_128] : memref<10000xi32, #tpu.memory_space<vmem>> -> memref<128xi32, #tpu.memory_space<vmem>>
        %dma_wait3A_160 = arith.constant 0 : i32
        %dma_wait3A_161 = arith.constant 0 : i32
        %dma_wait3A_162 = tpu.memref_slice %arg10[%dma_wait3A_160, %dma_wait3A_161] : memref<10000x64xf32, #tpu.memory_space<vmem_shared>> -> memref<10000x64xf32, #tpu.memory_space<vmem_shared>>
        tpu.wait_indirect_dma semaphore(%run_scoped3A : memref<!tpu.dma_semaphore, #tpu.memory_space<semaphore_mem>>) src(%arg15 : memref<128x64xf32, #tpu.memory_space<vmem>>) dst(%dma_wait3A_162 : memref<10000x64xf32, #tpu.memory_space<vmem_shared>>)
        tpu.yield
      }) : () -> ()
      %add3A_129 = arith.constant 6 : i32
      %add3A_130 = arith.addi %add3A_120, %add3A_129 : i32
      %lt3A_131 = arith.constant 78 : i32
      %lt3A_132 = arith.cmpi slt, %add3A_130, %lt3A_131 : i32
      %convert_element_type3A_133 = arith.extui %lt3A_132 : i1 to i32
      %cond3A_134 = arith.constant 0 : i32
      %cond3A_135 = arith.cmpi ne, %convert_element_type3A_133, %cond3A_134 : i32
      scf.if %cond3A_135 {
        %add3A_155 = arith.constant 6 : i32
        %add3A_156 = arith.addi %add3A_120, %add3A_155 : i32
        %mul3A_157 = arith.constant 128 : i32
        %mul3A_158 = arith.muli %add3A_156, %mul3A_157 : i32
        %dma_start3A_159 = tpu.memref_slice %arg7[%mul3A_158] : memref<10000xi32, #tpu.memory_space<vmem>> -> memref<128xi32, #tpu.memory_space<vmem>>
        %dma_start3A_160 = arith.constant 0 : i32
        %dma_start3A_161 = arith.constant 0 : i32
        %dma_start3A_162 = tpu.memref_slice %arg2[%dma_start3A_160, %dma_start3A_161] : memref<10000x64xf32, #tpu.memory_space<hbm>> -> memref<10000x64xf32, #tpu.memory_space<hbm>>
        tpu.enqueue_indirect_dma source(%dma_start3A_162 : memref<10000x64xf32, #tpu.memory_space<hbm>>) target(%arg15 : memref<128x64xf32, #tpu.memory_space<vmem>>) offsets(%dma_start3A_159 : memref<128xi32, #tpu.memory_space<vmem>>) semaphore(%arg21 : memref<!tpu.dma_semaphore, #tpu.memory_space<semaphore_mem>>)
      } else {
      }
      %mul3A_136 = arith.constant 6 : i32
      %mul3A_137 = arith.muli %scan3A_44, %mul3A_136 : i32
      %add3A_138 = arith.constant 5 : i32
      %add3A_139 = arith.addi %mul3A_137, %add3A_138 : i32
      %mul3A_140 = arith.constant 128 : i32
      %mul3A_141 = arith.muli %add3A_139, %mul3A_140 : i32
      %dma_wait3A_142 = tpu.memref_slice %arg7[%mul3A_141] : memref<10000xi32, #tpu.memory_space<vmem>> -> memref<128xi32, #tpu.memory_space<vmem>>
      %dma_wait3A_143 = arith.constant 0 : i32
      %dma_wait3A_144 = arith.constant 0 : i32
      %dma_wait3A_145 = tpu.memref_slice %arg2[%dma_wait3A_143, %dma_wait3A_144] : memref<10000x64xf32, #tpu.memory_space<hbm>> -> memref<10000x64xf32, #tpu.memory_space<hbm>>
      tpu.wait_indirect_dma semaphore(%arg22 : memref<!tpu.dma_semaphore, #tpu.memory_space<semaphore_mem>>) src(%dma_wait3A_145 : memref<10000x64xf32, #tpu.memory_space<hbm>>) dst(%arg16 : memref<128x64xf32, #tpu.memory_space<vmem>>)
      %mul3A_146 = arith.constant 128 : i32
      %mul3A_147 = arith.muli %add3A_139, %mul3A_146 : i32
      "tpu.region"() ({
        %run_scoped3A = tpu.sem_alloc : memref<!tpu.dma_semaphore, #tpu.memory_space<semaphore_mem>>
        %dma_start3A_155 = tpu.memref_slice %arg8[%mul3A_147] : memref<10000xi32, #tpu.memory_space<vmem>> -> memref<128xi32, #tpu.memory_space<vmem>>
        %dma_start3A_156 = arith.constant 0 : i32
        %dma_start3A_157 = arith.constant 0 : i32
        %dma_start3A_158 = tpu.memref_slice %arg10[%dma_start3A_156, %dma_start3A_157] : memref<10000x64xf32, #tpu.memory_space<vmem_shared>> -> memref<10000x64xf32, #tpu.memory_space<vmem_shared>>
        tpu.enqueue_indirect_dma source(%arg16 : memref<128x64xf32, #tpu.memory_space<vmem>>) target(%dma_start3A_158 : memref<10000x64xf32, #tpu.memory_space<vmem_shared>>) offsets(%dma_start3A_155 : memref<128xi32, #tpu.memory_space<vmem>>) semaphore(%run_scoped3A : memref<!tpu.dma_semaphore, #tpu.memory_space<semaphore_mem>>) {add = true}
        %dma_wait3A_159 = tpu.memref_slice %arg8[%mul3A_147] : memref<10000xi32, #tpu.memory_space<vmem>> -> memref<128xi32, #tpu.memory_space<vmem>>
        %dma_wait3A_160 = arith.constant 0 : i32
        %dma_wait3A_161 = arith.constant 0 : i32
        %dma_wait3A_162 = tpu.memref_slice %arg10[%dma_wait3A_160, %dma_wait3A_161] : memref<10000x64xf32, #tpu.memory_space<vmem_shared>> -> memref<10000x64xf32, #tpu.memory_space<vmem_shared>>
        tpu.wait_indirect_dma semaphore(%run_scoped3A : memref<!tpu.dma_semaphore, #tpu.memory_space<semaphore_mem>>) src(%arg16 : memref<128x64xf32, #tpu.memory_space<vmem>>) dst(%dma_wait3A_162 : memref<10000x64xf32, #tpu.memory_space<vmem_shared>>)
        tpu.yield
      }) : () -> ()
      %add3A_148 = arith.constant 6 : i32
      %add3A_149 = arith.addi %add3A_139, %add3A_148 : i32
      %lt3A_150 = arith.constant 78 : i32
      %lt3A_151 = arith.cmpi slt, %add3A_149, %lt3A_150 : i32
      %convert_element_type3A_152 = arith.extui %lt3A_151 : i1 to i32
      %cond3A_153 = arith.constant 0 : i32
      %cond3A_154 = arith.cmpi ne, %convert_element_type3A_152, %cond3A_153 : i32
      scf.if %cond3A_154 {
        %add3A_155 = arith.constant 6 : i32
        %add3A_156 = arith.addi %add3A_139, %add3A_155 : i32
        %mul3A_157 = arith.constant 128 : i32
        %mul3A_158 = arith.muli %add3A_156, %mul3A_157 : i32
        %dma_start3A_159 = tpu.memref_slice %arg7[%mul3A_158] : memref<10000xi32, #tpu.memory_space<vmem>> -> memref<128xi32, #tpu.memory_space<vmem>>
        %dma_start3A_160 = arith.constant 0 : i32
        %dma_start3A_161 = arith.constant 0 : i32
        %dma_start3A_162 = tpu.memref_slice %arg2[%dma_start3A_160, %dma_start3A_161] : memref<10000x64xf32, #tpu.memory_space<hbm>> -> memref<10000x64xf32, #tpu.memory_space<hbm>>
        tpu.enqueue_indirect_dma source(%dma_start3A_162 : memref<10000x64xf32, #tpu.memory_space<hbm>>) target(%arg16 : memref<128x64xf32, #tpu.memory_space<vmem>>) offsets(%dma_start3A_159 : memref<128xi32, #tpu.memory_space<vmem>>) semaphore(%arg22 : memref<!tpu.dma_semaphore, #tpu.memory_space<semaphore_mem>>)
      } else {
      }
    }
    %scan3A_38 = arith.constant 13 : i32
    %barrier3A_39 = arith.constant 0 : index
    tpu.barrier barrier_id(%barrier3A_39)
    %mul3A_40 = arith.constant 625 : i32
    %mul3A_41 = arith.muli %arg1, %mul3A_40 : i32
    %mul3A_42 = arith.constant 625 : i32
    %mul3A_43 = arith.muli %arg1, %mul3A_42 : i32
    "tpu.region"() ({
      %run_scoped3A = tpu.sem_alloc : memref<!tpu.dma_semaphore, #tpu.memory_space<semaphore_mem>>
      %dma_start3A_44 = arith.constant 0 : i32
      %dma_start3A_45 = tpu.memref_slice %arg6[%arg0, %mul3A_43, %dma_start3A_44] : memref<2x10000x64xf32, #tpu.memory_space<hbm>> -> memref<1x625x64xf32, #tpu.memory_space<hbm>>
      %dma_start3A_46 = tpu.memref_squeeze %dma_start3A_45 : memref<1x625x64xf32, #tpu.memory_space<hbm>> -> memref<625x64xf32, #tpu.memory_space<hbm>>
      %dma_start3A_47 = arith.constant 0 : i32
      %dma_start3A_48 = tpu.memref_slice %arg10[%mul3A_41, %dma_start3A_47] : memref<10000x64xf32, #tpu.memory_space<vmem_shared>> -> memref<625x64xf32, #tpu.memory_space<vmem_shared>>
      tpu.enqueue_dma source(%dma_start3A_48 : memref<625x64xf32, #tpu.memory_space<vmem_shared>>) target(%dma_start3A_46 : memref<625x64xf32, #tpu.memory_space<hbm>>) target_semaphore(%run_scoped3A : memref<!tpu.dma_semaphore, #tpu.memory_space<semaphore_mem>>)
      %dma_wait3A = arith.constant 0 : i32
      %dma_wait3A_49 = tpu.memref_slice %arg6[%arg0, %mul3A_43, %dma_wait3A] : memref<2x10000x64xf32, #tpu.memory_space<hbm>> -> memref<1x625x64xf32, #tpu.memory_space<hbm>>
      %dma_wait3A_50 = tpu.memref_squeeze %dma_wait3A_49 : memref<1x625x64xf32, #tpu.memory_space<hbm>> -> memref<625x64xf32, #tpu.memory_space<hbm>>
      %dma_wait3A_51 = arith.constant 0 : i32
      %dma_wait3A_52 = tpu.memref_slice %arg10[%mul3A_41, %dma_wait3A_51] : memref<10000x64xf32, #tpu.memory_space<vmem_shared>> -> memref<625x64xf32, #tpu.memory_space<vmem_shared>>
      tpu.wait_dma2 semaphore(%run_scoped3A : memref<!tpu.dma_semaphore, #tpu.memory_space<semaphore_mem>>) src(%dma_wait3A_52 : memref<625x64xf32, #tpu.memory_space<vmem_shared>>) dst(%dma_wait3A_50 : memref<625x64xf32, #tpu.memory_space<hbm>>)
      tpu.yield
    }) : () -> ()
    return
  }
}

#map = affine_map<(d0, d1) -> (0, 0)>
#map1 = affine_map<(d0, d1) -> (0, 0, 0)>
module attributes {stable_mosaic.version = 14 : i64} {
  func.func @_scatter_kernel(%arg0: i32, %arg1: i32, %arg2: memref<10000x64xf32, #tpu.memory_space<hbm>>, %arg3: memref<32x10000xi32, #tpu.memory_space<hbm>>, %arg4: memref<32x10000xi32, #tpu.memory_space<hbm>>, %arg5: memref<10000x64xf32, #tpu.memory_space<hbm>>, %arg6: memref<2x10000x64xf32, #tpu.memory_space<hbm>>, %arg7: memref<10000xi32, #tpu.memory_space<vmem>>, %arg8: memref<10000xi32, #tpu.memory_space<vmem>>, %arg9: memref<16x64xf32, #tpu.memory_space<vmem>>, %arg10: memref<10000x64xf32, #tpu.memory_space<vmem_shared>>, %arg11: memref<128x64xf32, #tpu.memory_space<vmem>>, %arg12: memref<128x64xf32, #tpu.memory_space<vmem>>, %arg13: memref<128x64xf32, #tpu.memory_space<vmem>>, %arg14: memref<128x64xf32, #tpu.memory_space<vmem>>, %arg15: memref<128x64xf32, #tpu.memory_space<vmem>>, %arg16: memref<128x64xf32, #tpu.memory_space<vmem>>, %arg17: memref<!tpu.dma_semaphore, #tpu.memory_space<semaphore_mem>>, %arg18: memref<!tpu.dma_semaphore, #tpu.memory_space<semaphore_mem>>, %arg19: memref<!tpu.dma_semaphore, #tpu.memory_space<semaphore_mem>>, %arg20: memref<!tpu.dma_semaphore, #tpu.memory_space<semaphore_mem>>, %arg21: memref<!tpu.dma_semaphore, #tpu.memory_space<semaphore_mem>>, %arg22: memref<!tpu.dma_semaphore, #tpu.memory_space<semaphore_mem>>) attributes {dimension_semantics = [#tpu.dimension_semantics<core_parallel>, #tpu.dimension_semantics<subcore_parallel>], iteration_bounds = array<i64: 2, 16>, scalar_prefetch = 0 : i64, scratch_operands = 16 : i64, tpu.core_type = #tpu.core_type<sc_vector_subcore>, window_params = [{transform_indices = #map}, {transform_indices = #map}, {transform_indices = #map}, {transform_indices = #map}, {transform_indices = #map1}]} {
    %mul3A = arith.constant 16 : i32
    %mul3A_0 = arith.muli %arg0, %mul3A : i32
    %add3A = arith.addi %mul3A_0, %arg1 : i32
    %mul3A_1 = arith.constant 625 : i32
    %mul3A_2 = arith.muli %arg1, %mul3A_1 : i32
    %mul3A_3 = arith.constant 625 : i32
    %mul3A_4 = arith.muli %arg1, %mul3A_3 : i32
    "tpu.region"() ({
      %run_scoped3A = tpu.sem_alloc : memref<!tpu.dma_semaphore, #tpu.memory_space<semaphore_mem>>
      %dma_start3A_44 = arith.constant 0 : i32
      %dma_start3A_45 = tpu.memref_slice %arg10[%mul3A_4, %dma_start3A_44] : memref<10000x64xf32, #tpu.memory_space<vmem_shared>> -> memref<625x64xf32, #tpu.memory_space<vmem_shared>>
      %dma_start3A_46 = arith.constant 0 : i32
      %dma_start3A_47 = tpu.memref_slice %arg5[%mul3A_2, %dma_start3A_46] : memref<10000x64xf32, #tpu.memory_space<hbm>> -> memref<625x64xf32, #tpu.memory_space<hbm>>
      tpu.enqueue_dma source(%dma_start3A_47 : memref<625x64xf32, #tpu.memory_space<hbm>>) target(%dma_start3A_45 : memref<625x64xf32, #tpu.memory_space<vmem_shared>>) target_semaphore(%run_scoped3A : memref<!tpu.dma_semaphore, #tpu.memory_space<semaphore_mem>>)
      %dma_wait3A = arith.constant 0 : i32
      %dma_wait3A_48 = tpu.memref_slice %arg10[%mul3A_4, %dma_wait3A] : memref<10000x64xf32, #tpu.memory_space<vmem_shared>> -> memref<625x64xf32, #tpu.memory_space<vmem_shared>>
      %dma_wait3A_49 = arith.constant 0 : i32
      %dma_wait3A_50 = tpu.memref_slice %arg5[%mul3A_2, %dma_wait3A_49] : memref<10000x64xf32, #tpu.memory_space<hbm>> -> memref<625x64xf32, #tpu.memory_space<hbm>>
      tpu.wait_dma2 semaphore(%run_scoped3A : memref<!tpu.dma_semaphore, #tpu.memory_space<semaphore_mem>>) src(%dma_wait3A_50 : memref<625x64xf32, #tpu.memory_space<hbm>>) dst(%dma_wait3A_48 : memref<625x64xf32, #tpu.memory_space<vmem_shared>>)
      tpu.yield
    }) : () -> ()
    "tpu.region"() ({
      %run_scoped3A = tpu.sem_alloc : memref<!tpu.dma_semaphore, #tpu.memory_space<semaphore_mem>>
      %dma_start3A_44 = arith.constant 0 : i32
      %dma_start3A_45 = tpu.memref_slice %arg3[%add3A, %dma_start3A_44] : memref<32x10000xi32, #tpu.memory_space<hbm>> -> memref<1x10000xi32, #tpu.memory_space<hbm>>
      %dma_start3A_46 = tpu.memref_squeeze %dma_start3A_45 : memref<1x10000xi32, #tpu.memory_space<hbm>> -> memref<10000xi32, #tpu.memory_space<hbm>>
      %dma_start3A_47 = arith.constant 0 : i32
      %dma_start3A_48 = tpu.memref_slice %arg3[%add3A, %dma_start3A_47] : memref<32x10000xi32, #tpu.memory_space<hbm>> -> memref<1x10000xi32, #tpu.memory_space<hbm>>
      %dma_start3A_49 = tpu.memref_squeeze %dma_start3A_48 : memref<1x10000xi32, #tpu.memory_space<hbm>> -> memref<10000xi32, #tpu.memory_space<hbm>>
      tpu.enqueue_dma source(%dma_start3A_49 : memref<10000xi32, #tpu.memory_space<hbm>>) target(%arg7 : memref<10000xi32, #tpu.memory_space<vmem>>) target_semaphore(%run_scoped3A : memref<!tpu.dma_semaphore, #tpu.memory_space<semaphore_mem>>)
      %dma_wait3A = arith.constant 0 : i32
      %dma_wait3A_50 = tpu.memref_slice %arg3[%add3A, %dma_wait3A] : memref<32x10000xi32, #tpu.memory_space<hbm>> -> memref<1x10000xi32, #tpu.memory_space<hbm>>
      %dma_wait3A_51 = tpu.memref_squeeze %dma_wait3A_50 : memref<1x10000xi32, #tpu.memory_space<hbm>> -> memref<10000xi32, #tpu.memory_space<hbm>>
      %dma_wait3A_52 = arith.constant 0 : i32
      %dma_wait3A_53 = tpu.memref_slice %arg3[%add3A, %dma_wait3A_52] : memref<32x10000xi32, #tpu.memory_space<hbm>> -> memref<1x10000xi32, #tpu.memory_space<hbm>>
      %dma_wait3A_54 = tpu.memref_squeeze %dma_wait3A_53 : memref<1x10000xi32, #tpu.memory_space<hbm>> -> memref<10000xi32, #tpu.memory_space<hbm>>
      tpu.wait_dma2 semaphore(%run_scoped3A : memref<!tpu.dma_semaphore, #tpu.memory_space<semaphore_mem>>) src(%dma_wait3A_54 : memref<10000xi32, #tpu.memory_space<hbm>>) dst(%arg7 : memref<10000xi32, #tpu.memory_space<vmem>>)
      tpu.yield
    }) : () -> ()
    "tpu.region"() ({
      %run_scoped3A = tpu.sem_alloc : memref<!tpu.dma_semaphore, #tpu.memory_space<semaphore_mem>>
      %dma_start3A_44 = arith.constant 0 : i32
      %dma_start3A_45 = tpu.memref_slice %arg4[%add3A, %dma_start3A_44] : memref<32x10000xi32, #tpu.memory_space<hbm>> -> memref<1x10000xi32, #tpu.memory_space<hbm>>
      %dma_start3A_46 = tpu.memref_squeeze %dma_start3A_45 : memref<1x10000xi32, #tpu.memory_space<hbm>> -> memref<10000xi32, #tpu.memory_space<hbm>>
      %dma_start3A_47 = arith.constant 0 : i32
      %dma_start3A_48 = tpu.memref_slice %arg4[%add3A, %dma_start3A_47] : memref<32x10000xi32, #tpu.memory_space<hbm>> -> memref<1x10000xi32, #tpu.memory_space<hbm>>
      %dma_start3A_49 = tpu.memref_squeeze %dma_start3A_48 : memref<1x10000xi32, #tpu.memory_space<hbm>> -> memref<10000xi32, #tpu.memory_space<hbm>>
      tpu.enqueue_dma source(%dma_start3A_49 : memref<10000xi32, #tpu.memory_space<hbm>>) target(%arg8 : memref<10000xi32, #tpu.memory_space<vmem>>) target_semaphore(%run_scoped3A : memref<!tpu.dma_semaphore, #tpu.memory_space<semaphore_mem>>)
      %dma_wait3A = arith.constant 0 : i32
      %dma_wait3A_50 = tpu.memref_slice %arg4[%add3A, %dma_wait3A] : memref<32x10000xi32, #tpu.memory_space<hbm>> -> memref<1x10000xi32, #tpu.memory_space<hbm>>
      %dma_wait3A_51 = tpu.memref_squeeze %dma_wait3A_50 : memref<1x10000xi32, #tpu.memory_space<hbm>> -> memref<10000xi32, #tpu.memory_space<hbm>>
      %dma_wait3A_52 = arith.constant 0 : i32
      %dma_wait3A_53 = tpu.memref_slice %arg4[%add3A, %dma_wait3A_52] : memref<32x10000xi32, #tpu.memory_space<hbm>> -> memref<1x10000xi32, #tpu.memory_space<hbm>>
      %dma_wait3A_54 = tpu.memref_squeeze %dma_wait3A_53 : memref<1x10000xi32, #tpu.memory_space<hbm>> -> memref<10000xi32, #tpu.memory_space<hbm>>
      tpu.wait_dma2 semaphore(%run_scoped3A : memref<!tpu.dma_semaphore, #tpu.memory_space<semaphore_mem>>) src(%dma_wait3A_54 : memref<10000xi32, #tpu.memory_space<hbm>>) dst(%arg8 : memref<10000xi32, #tpu.memory_space<vmem>>)
      tpu.yield
    }) : () -> ()
    %barrier3A = arith.constant 0 : index
    tpu.barrier barrier_id(%barrier3A)
    "tpu.region"() ({
      %run_scoped3A = tpu.sem_alloc : memref<!tpu.dma_semaphore, #tpu.memory_space<semaphore_mem>>
      %dma_start3A_44 = arith.constant 9984 : i32
      %dma_start3A_45 = tpu.memref_slice %arg7[%dma_start3A_44] : memref<10000xi32, #tpu.memory_space<vmem>> -> memref<16xi32, #tpu.memory_space<vmem>>
      %dma_start3A_46 = arith.constant 0 : i32
      %dma_start3A_47 = arith.constant 0 : i32
      %dma_start3A_48 = tpu.memref_slice %arg2[%dma_start3A_46, %dma_start3A_47] : memref<10000x64xf32, #tpu.memory_space<hbm>> -> memref<10000x64xf32, #tpu.memory_space<hbm>>
      tpu.enqueue_indirect_dma source(%dma_start3A_48 : memref<10000x64xf32, #tpu.memory_space<hbm>>) target(%arg9 : memref<16x64xf32, #tpu.memory_space<vmem>>) offsets(%dma_start3A_45 : memref<16xi32, #tpu.memory_space<vmem>>) semaphore(%run_scoped3A : memref<!tpu.dma_semaphore, #tpu.memory_space<semaphore_mem>>)
      %dma_wait3A = arith.constant 9984 : i32
      %dma_wait3A_49 = tpu.memref_slice %arg7[%dma_wait3A] : memref<10000xi32, #tpu.memory_space<vmem>> -> memref<16xi32, #tpu.memory_space<vmem>>
      %dma_wait3A_50 = arith.constant 0 : i32
      %dma_wait3A_51 = arith.constant 0 : i32
      %dma_wait3A_52 = tpu.memref_slice %arg2[%dma_wait3A_50, %dma_wait3A_51] : memref<10000x64xf32, #tpu.memory_space<hbm>> -> memref<10000x64xf32, #tpu.memory_space<hbm>>
      tpu.wait_indirect_dma semaphore(%run_scoped3A : memref<!tpu.dma_semaphore, #tpu.memory_space<semaphore_mem>>) src(%dma_wait3A_52 : memref<10000x64xf32, #tpu.memory_space<hbm>>) dst(%arg9 : memref<16x64xf32, #tpu.memory_space<vmem>>)
      tpu.yield
    }) : () -> ()
    "tpu.region"() ({
      %run_scoped3A = tpu.sem_alloc : memref<!tpu.dma_semaphore, #tpu.memory_space<semaphore_mem>>
      %dma_start3A_44 = arith.constant 9984 : i32
      %dma_start3A_45 = tpu.memref_slice %arg8[%dma_start3A_44] : memref<10000xi32, #tpu.memory_space<vmem>> -> memref<16xi32, #tpu.memory_space<vmem>>
      %dma_start3A_46 = arith.constant 0 : i32
      %dma_start3A_47 = arith.constant 0 : i32
      %dma_start3A_48 = tpu.memref_slice %arg10[%dma_start3A_46, %dma_start3A_47] : memref<10000x64xf32, #tpu.memory_space<vmem_shared>> -> memref<10000x64xf32, #tpu.memory_space<vmem_shared>>
      tpu.enqueue_indirect_dma source(%arg9 : memref<16x64xf32, #tpu.memory_space<vmem>>) target(%dma_start3A_48 : memref<10000x64xf32, #tpu.memory_space<vmem_shared>>) offsets(%dma_start3A_45 : memref<16xi32, #tpu.memory_space<vmem>>) semaphore(%run_scoped3A : memref<!tpu.dma_semaphore, #tpu.memory_space<semaphore_mem>>) {add = true}
      %dma_wait3A = arith.constant 9984 : i32
      %dma_wait3A_49 = tpu.memref_slice %arg8[%dma_wait3A] : memref<10000xi32, #tpu.memory_space<vmem>> -> memref<16xi32, #tpu.memory_space<vmem>>
      %dma_wait3A_50 = arith.constant 0 : i32
      %dma_wait3A_51 = arith.constant 0 : i32
      %dma_wait3A_52 = tpu.memref_slice %arg10[%dma_wait3A_50, %dma_wait3A_51] : memref<10000x64xf32, #tpu.memory_space<vmem_shared>> -> memref<10000x64xf32, #tpu.memory_space<vmem_shared>>
      tpu.wait_indirect_dma semaphore(%run_scoped3A : memref<!tpu.dma_semaphore, #tpu.memory_space<semaphore_mem>>) src(%arg9 : memref<16x64xf32, #tpu.memory_space<vmem>>) dst(%dma_wait3A_52 : memref<10000x64xf32, #tpu.memory_space<vmem_shared>>)
      tpu.yield
    }) : () -> ()
    %dma_start3A = arith.constant 0 : i32
    %dma_start3A_5 = tpu.memref_slice %arg7[%dma_start3A] : memref<10000xi32, #tpu.memory_space<vmem>> -> memref<128xi32, #tpu.memory_space<vmem>>
    %dma_start3A_6 = arith.constant 0 : i32
    %dma_start3A_7 = arith.constant 0 : i32
    %dma_start3A_8 = tpu.memref_slice %arg2[%dma_start3A_6, %dma_start3A_7] : memref<10000x64xf32, #tpu.memory_space<hbm>> -> memref<10000x64xf32, #tpu.memory_space<hbm>>
    tpu.enqueue_indirect_dma source(%dma_start3A_8 : memref<10000x64xf32, #tpu.memory_space<hbm>>) target(%arg11 : memref<128x64xf32, #tpu.memory_space<vmem>>) offsets(%dma_start3A_5 : memref<128xi32, #tpu.memory_space<vmem>>) semaphore(%arg17 : memref<!tpu.dma_semaphore, #tpu.memory_space<semaphore_mem>>)
    %dma_start3A_9 = arith.constant 128 : i32
    %dma_start3A_10 = tpu.memref_slice %arg7[%dma_start3A_9] : memref<10000xi32, #tpu.memory_space<vmem>> -> memref<128xi32, #tpu.memory_space<vmem>>
    %dma_start3A_11 = arith.constant 0 : i32
    %dma_start3A_12 = arith.constant 0 : i32
    %dma_start3A_13 = tpu.memref_slice %arg2[%dma_start3A_11, %dma_start3A_12] : memref<10000x64xf32, #tpu.memory_space<hbm>> -> memref<10000x64xf32, #tpu.memory_space<hbm>>
    tpu.enqueue_indirect_dma source(%dma_start3A_13 : memref<10000x64xf32, #tpu.memory_space<hbm>>) target(%arg12 : memref<128x64xf32, #tpu.memory_space<vmem>>) offsets(%dma_start3A_10 : memref<128xi32, #tpu.memory_space<vmem>>) semaphore(%arg18 : memref<!tpu.dma_semaphore, #tpu.memory_space<semaphore_mem>>)
    %dma_start3A_14 = arith.constant 256 : i32
    %dma_start3A_15 = tpu.memref_slice %arg7[%dma_start3A_14] : memref<10000xi32, #tpu.memory_space<vmem>> -> memref<128xi32, #tpu.memory_space<vmem>>
    %dma_start3A_16 = arith.constant 0 : i32
    %dma_start3A_17 = arith.constant 0 : i32
    %dma_start3A_18 = tpu.memref_slice %arg2[%dma_start3A_16, %dma_start3A_17] : memref<10000x64xf32, #tpu.memory_space<hbm>> -> memref<10000x64xf32, #tpu.memory_space<hbm>>
    tpu.enqueue_indirect_dma source(%dma_start3A_18 : memref<10000x64xf32, #tpu.memory_space<hbm>>) target(%arg13 : memref<128x64xf32, #tpu.memory_space<vmem>>) offsets(%dma_start3A_15 : memref<128xi32, #tpu.memory_space<vmem>>) semaphore(%arg19 : memref<!tpu.dma_semaphore, #tpu.memory_space<semaphore_mem>>)
    %dma_start3A_19 = arith.constant 384 : i32
    %dma_start3A_20 = tpu.memref_slice %arg7[%dma_start3A_19] : memref<10000xi32, #tpu.memory_space<vmem>> -> memref<128xi32, #tpu.memory_space<vmem>>
    %dma_start3A_21 = arith.constant 0 : i32
    %dma_start3A_22 = arith.constant 0 : i32
    %dma_start3A_23 = tpu.memref_slice %arg2[%dma_start3A_21, %dma_start3A_22] : memref<10000x64xf32, #tpu.memory_space<hbm>> -> memref<10000x64xf32, #tpu.memory_space<hbm>>
    tpu.enqueue_indirect_dma source(%dma_start3A_23 : memref<10000x64xf32, #tpu.memory_space<hbm>>) target(%arg14 : memref<128x64xf32, #tpu.memory_space<vmem>>) offsets(%dma_start3A_20 : memref<128xi32, #tpu.memory_space<vmem>>) semaphore(%arg20 : memref<!tpu.dma_semaphore, #tpu.memory_space<semaphore_mem>>)
    %dma_start3A_24 = arith.constant 512 : i32
    %dma_start3A_25 = tpu.memref_slice %arg7[%dma_start3A_24] : memref<10000xi32, #tpu.memory_space<vmem>> -> memref<128xi32, #tpu.memory_space<vmem>>
    %dma_start3A_26 = arith.constant 0 : i32
    %dma_start3A_27 = arith.constant 0 : i32
    %dma_start3A_28 = tpu.memref_slice %arg2[%dma_start3A_26, %dma_start3A_27] : memref<10000x64xf32, #tpu.memory_space<hbm>> -> memref<10000x64xf32, #tpu.memory_space<hbm>>
    tpu.enqueue_indirect_dma source(%dma_start3A_28 : memref<10000x64xf32, #tpu.memory_space<hbm>>) target(%arg15 : memref<128x64xf32, #tpu.memory_space<vmem>>) offsets(%dma_start3A_25 : memref<128xi32, #tpu.memory_space<vmem>>) semaphore(%arg21 : memref<!tpu.dma_semaphore, #tpu.memory_space<semaphore_mem>>)
    %dma_start3A_29 = arith.constant 640 : i32
    %dma_start3A_30 = tpu.memref_slice %arg7[%dma_start3A_29] : memref<10000xi32, #tpu.memory_space<vmem>> -> memref<128xi32, #tpu.memory_space<vmem>>
    %dma_start3A_31 = arith.constant 0 : i32
    %dma_start3A_32 = arith.constant 0 : i32
    %dma_start3A_33 = tpu.memref_slice %arg2[%dma_start3A_31, %dma_start3A_32] : memref<10000x64xf32, #tpu.memory_space<hbm>> -> memref<10000x64xf32, #tpu.memory_space<hbm>>
    tpu.enqueue_indirect_dma source(%dma_start3A_33 : memref<10000x64xf32, #tpu.memory_space<hbm>>) target(%arg16 : memref<128x64xf32, #tpu.memory_space<vmem>>) offsets(%dma_start3A_30 : memref<128xi32, #tpu.memory_space<vmem>>) semaphore(%arg22 : memref<!tpu.dma_semaphore, #tpu.memory_space<semaphore_mem>>)
    %scan3A = arith.constant 0 : i32
    %scan3A_34 = arith.constant 0 : i32
    %scan3A_35 = arith.constant 13 : i32
    %scan3A_36 = arith.addi %scan3A_34, %scan3A_35 : i32
    %scan3A_37 = arith.constant 1 : i32
    scf.for %scan3A_44 = %scan3A_34 to %scan3A_36 step %scan3A_37  : i32 {
      %mul3A_45 = arith.constant 6 : i32
      %mul3A_46 = arith.muli %scan3A_44, %mul3A_45 : i32
      %add3A_47 = arith.constant 0 : i32
      %add3A_48 = arith.addi %mul3A_46, %add3A_47 : i32
      %mul3A_49 = arith.constant 128 : i32
      %mul3A_50 = arith.muli %add3A_48, %mul3A_49 : i32
      %dma_wait3A = tpu.memref_slice %arg7[%mul3A_50] : memref<10000xi32, #tpu.memory_space<vmem>> -> memref<128xi32, #tpu.memory_space<vmem>>
      %dma_wait3A_51 = arith.constant 0 : i32
      %dma_wait3A_52 = arith.constant 0 : i32
      %dma_wait3A_53 = tpu.memref_slice %arg2[%dma_wait3A_51, %dma_wait3A_52] : memref<10000x64xf32, #tpu.memory_space<hbm>> -> memref<10000x64xf32, #tpu.memory_space<hbm>>
      tpu.wait_indirect_dma semaphore(%arg17 : memref<!tpu.dma_semaphore, #tpu.memory_space<semaphore_mem>>) src(%dma_wait3A_53 : memref<10000x64xf32, #tpu.memory_space<hbm>>) dst(%arg11 : memref<128x64xf32, #tpu.memory_space<vmem>>)
      %mul3A_54 = arith.constant 128 : i32
      %mul3A_55 = arith.muli %add3A_48, %mul3A_54 : i32
      "tpu.region"() ({
        %run_scoped3A = tpu.sem_alloc : memref<!tpu.dma_semaphore, #tpu.memory_space<semaphore_mem>>
        %dma_start3A_155 = tpu.memref_slice %arg8[%mul3A_55] : memref<10000xi32, #tpu.memory_space<vmem>> -> memref<128xi32, #tpu.memory_space<vmem>>
        %dma_start3A_156 = arith.constant 0 : i32
        %dma_start3A_157 = arith.constant 0 : i32
        %dma_start3A_158 = tpu.memref_slice %arg10[%dma_start3A_156, %dma_start3A_157] : memref<10000x64xf32, #tpu.memory_space<vmem_shared>> -> memref<10000x64xf32, #tpu.memory_space<vmem_shared>>
        tpu.enqueue_indirect_dma source(%arg11 : memref<128x64xf32, #tpu.memory_space<vmem>>) target(%dma_start3A_158 : memref<10000x64xf32, #tpu.memory_space<vmem_shared>>) offsets(%dma_start3A_155 : memref<128xi32, #tpu.memory_space<vmem>>) semaphore(%run_scoped3A : memref<!tpu.dma_semaphore, #tpu.memory_space<semaphore_mem>>) {add = true}
        %dma_wait3A_159 = tpu.memref_slice %arg8[%mul3A_55] : memref<10000xi32, #tpu.memory_space<vmem>> -> memref<128xi32, #tpu.memory_space<vmem>>
        %dma_wait3A_160 = arith.constant 0 : i32
        %dma_wait3A_161 = arith.constant 0 : i32
        %dma_wait3A_162 = tpu.memref_slice %arg10[%dma_wait3A_160, %dma_wait3A_161] : memref<10000x64xf32, #tpu.memory_space<vmem_shared>> -> memref<10000x64xf32, #tpu.memory_space<vmem_shared>>
        tpu.wait_indirect_dma semaphore(%run_scoped3A : memref<!tpu.dma_semaphore, #tpu.memory_space<semaphore_mem>>) src(%arg11 : memref<128x64xf32, #tpu.memory_space<vmem>>) dst(%dma_wait3A_162 : memref<10000x64xf32, #tpu.memory_space<vmem_shared>>)
        tpu.yield
      }) : () -> ()
      %add3A_56 = arith.constant 6 : i32
      %add3A_57 = arith.addi %add3A_48, %add3A_56 : i32
      %lt3A = arith.constant 78 : i32
      %lt3A_58 = arith.cmpi slt, %add3A_57, %lt3A : i32
      %convert_element_type3A = arith.extui %lt3A_58 : i1 to i32
      %cond3A = arith.constant 0 : i32
      %cond3A_59 = arith.cmpi ne, %convert_element_type3A, %cond3A : i32
      scf.if %cond3A_59 {
        %add3A_155 = arith.constant 6 : i32
        %add3A_156 = arith.addi %add3A_48, %add3A_155 : i32
        %mul3A_157 = arith.constant 128 : i32
        %mul3A_158 = arith.muli %add3A_156, %mul3A_157 : i32
        %dma_start3A_159 = tpu.memref_slice %arg7[%mul3A_158] : memref<10000xi32, #tpu.memory_space<vmem>> -> memref<128xi32, #tpu.memory_space<vmem>>
        %dma_start3A_160 = arith.constant 0 : i32
        %dma_start3A_161 = arith.constant 0 : i32
        %dma_start3A_162 = tpu.memref_slice %arg2[%dma_start3A_160, %dma_start3A_161] : memref<10000x64xf32, #tpu.memory_space<hbm>> -> memref<10000x64xf32, #tpu.memory_space<hbm>>
        tpu.enqueue_indirect_dma source(%dma_start3A_162 : memref<10000x64xf32, #tpu.memory_space<hbm>>) target(%arg11 : memref<128x64xf32, #tpu.memory_space<vmem>>) offsets(%dma_start3A_159 : memref<128xi32, #tpu.memory_space<vmem>>) semaphore(%arg17 : memref<!tpu.dma_semaphore, #tpu.memory_space<semaphore_mem>>)
      } else {
      }
      %mul3A_60 = arith.constant 6 : i32
      %mul3A_61 = arith.muli %scan3A_44, %mul3A_60 : i32
      %add3A_62 = arith.constant 1 : i32
      %add3A_63 = arith.addi %mul3A_61, %add3A_62 : i32
      %mul3A_64 = arith.constant 128 : i32
      %mul3A_65 = arith.muli %add3A_63, %mul3A_64 : i32
      %dma_wait3A_66 = tpu.memref_slice %arg7[%mul3A_65] : memref<10000xi32, #tpu.memory_space<vmem>> -> memref<128xi32, #tpu.memory_space<vmem>>
      %dma_wait3A_67 = arith.constant 0 : i32
      %dma_wait3A_68 = arith.constant 0 : i32
      %dma_wait3A_69 = tpu.memref_slice %arg2[%dma_wait3A_67, %dma_wait3A_68] : memref<10000x64xf32, #tpu.memory_space<hbm>> -> memref<10000x64xf32, #tpu.memory_space<hbm>>
      tpu.wait_indirect_dma semaphore(%arg18 : memref<!tpu.dma_semaphore, #tpu.memory_space<semaphore_mem>>) src(%dma_wait3A_69 : memref<10000x64xf32, #tpu.memory_space<hbm>>) dst(%arg12 : memref<128x64xf32, #tpu.memory_space<vmem>>)
      %mul3A_70 = arith.constant 128 : i32
      %mul3A_71 = arith.muli %add3A_63, %mul3A_70 : i32
      "tpu.region"() ({
        %run_scoped3A = tpu.sem_alloc : memref<!tpu.dma_semaphore, #tpu.memory_space<semaphore_mem>>
        %dma_start3A_155 = tpu.memref_slice %arg8[%mul3A_71] : memref<10000xi32, #tpu.memory_space<vmem>> -> memref<128xi32, #tpu.memory_space<vmem>>
        %dma_start3A_156 = arith.constant 0 : i32
        %dma_start3A_157 = arith.constant 0 : i32
        %dma_start3A_158 = tpu.memref_slice %arg10[%dma_start3A_156, %dma_start3A_157] : memref<10000x64xf32, #tpu.memory_space<vmem_shared>> -> memref<10000x64xf32, #tpu.memory_space<vmem_shared>>
        tpu.enqueue_indirect_dma source(%arg12 : memref<128x64xf32, #tpu.memory_space<vmem>>) target(%dma_start3A_158 : memref<10000x64xf32, #tpu.memory_space<vmem_shared>>) offsets(%dma_start3A_155 : memref<128xi32, #tpu.memory_space<vmem>>) semaphore(%run_scoped3A : memref<!tpu.dma_semaphore, #tpu.memory_space<semaphore_mem>>) {add = true}
        %dma_wait3A_159 = tpu.memref_slice %arg8[%mul3A_71] : memref<10000xi32, #tpu.memory_space<vmem>> -> memref<128xi32, #tpu.memory_space<vmem>>
        %dma_wait3A_160 = arith.constant 0 : i32
        %dma_wait3A_161 = arith.constant 0 : i32
        %dma_wait3A_162 = tpu.memref_slice %arg10[%dma_wait3A_160, %dma_wait3A_161] : memref<10000x64xf32, #tpu.memory_space<vmem_shared>> -> memref<10000x64xf32, #tpu.memory_space<vmem_shared>>
        tpu.wait_indirect_dma semaphore(%run_scoped3A : memref<!tpu.dma_semaphore, #tpu.memory_space<semaphore_mem>>) src(%arg12 : memref<128x64xf32, #tpu.memory_space<vmem>>) dst(%dma_wait3A_162 : memref<10000x64xf32, #tpu.memory_space<vmem_shared>>)
        tpu.yield
      }) : () -> ()
      %add3A_72 = arith.constant 6 : i32
      %add3A_73 = arith.addi %add3A_63, %add3A_72 : i32
      %lt3A_74 = arith.constant 78 : i32
      %lt3A_75 = arith.cmpi slt, %add3A_73, %lt3A_74 : i32
      %convert_element_type3A_76 = arith.extui %lt3A_75 : i1 to i32
      %cond3A_77 = arith.constant 0 : i32
      %cond3A_78 = arith.cmpi ne, %convert_element_type3A_76, %cond3A_77 : i32
      scf.if %cond3A_78 {
        %add3A_155 = arith.constant 6 : i32
        %add3A_156 = arith.addi %add3A_63, %add3A_155 : i32
        %mul3A_157 = arith.constant 128 : i32
        %mul3A_158 = arith.muli %add3A_156, %mul3A_157 : i32
        %dma_start3A_159 = tpu.memref_slice %arg7[%mul3A_158] : memref<10000xi32, #tpu.memory_space<vmem>> -> memref<128xi32, #tpu.memory_space<vmem>>
        %dma_start3A_160 = arith.constant 0 : i32
        %dma_start3A_161 = arith.constant 0 : i32
        %dma_start3A_162 = tpu.memref_slice %arg2[%dma_start3A_160, %dma_start3A_161] : memref<10000x64xf32, #tpu.memory_space<hbm>> -> memref<10000x64xf32, #tpu.memory_space<hbm>>
        tpu.enqueue_indirect_dma source(%dma_start3A_162 : memref<10000x64xf32, #tpu.memory_space<hbm>>) target(%arg12 : memref<128x64xf32, #tpu.memory_space<vmem>>) offsets(%dma_start3A_159 : memref<128xi32, #tpu.memory_space<vmem>>) semaphore(%arg18 : memref<!tpu.dma_semaphore, #tpu.memory_space<semaphore_mem>>)
      } else {
      }
      %mul3A_79 = arith.constant 6 : i32
      %mul3A_80 = arith.muli %scan3A_44, %mul3A_79 : i32
      %add3A_81 = arith.constant 2 : i32
      %add3A_82 = arith.addi %mul3A_80, %add3A_81 : i32
      %mul3A_83 = arith.constant 128 : i32
      %mul3A_84 = arith.muli %add3A_82, %mul3A_83 : i32
      %dma_wait3A_85 = tpu.memref_slice %arg7[%mul3A_84] : memref<10000xi32, #tpu.memory_space<vmem>> -> memref<128xi32, #tpu.memory_space<vmem>>
      %dma_wait3A_86 = arith.constant 0 : i32
      %dma_wait3A_87 = arith.constant 0 : i32
      %dma_wait3A_88 = tpu.memref_slice %arg2[%dma_wait3A_86, %dma_wait3A_87] : memref<10000x64xf32, #tpu.memory_space<hbm>> -> memref<10000x64xf32, #tpu.memory_space<hbm>>
      tpu.wait_indirect_dma semaphore(%arg19 : memref<!tpu.dma_semaphore, #tpu.memory_space<semaphore_mem>>) src(%dma_wait3A_88 : memref<10000x64xf32, #tpu.memory_space<hbm>>) dst(%arg13 : memref<128x64xf32, #tpu.memory_space<vmem>>)
      %mul3A_89 = arith.constant 128 : i32
      %mul3A_90 = arith.muli %add3A_82, %mul3A_89 : i32
      "tpu.region"() ({
        %run_scoped3A = tpu.sem_alloc : memref<!tpu.dma_semaphore, #tpu.memory_space<semaphore_mem>>
        %dma_start3A_155 = tpu.memref_slice %arg8[%mul3A_90] : memref<10000xi32, #tpu.memory_space<vmem>> -> memref<128xi32, #tpu.memory_space<vmem>>
        %dma_start3A_156 = arith.constant 0 : i32
        %dma_start3A_157 = arith.constant 0 : i32
        %dma_start3A_158 = tpu.memref_slice %arg10[%dma_start3A_156, %dma_start3A_157] : memref<10000x64xf32, #tpu.memory_space<vmem_shared>> -> memref<10000x64xf32, #tpu.memory_space<vmem_shared>>
        tpu.enqueue_indirect_dma source(%arg13 : memref<128x64xf32, #tpu.memory_space<vmem>>) target(%dma_start3A_158 : memref<10000x64xf32, #tpu.memory_space<vmem_shared>>) offsets(%dma_start3A_155 : memref<128xi32, #tpu.memory_space<vmem>>) semaphore(%run_scoped3A : memref<!tpu.dma_semaphore, #tpu.memory_space<semaphore_mem>>) {add = true}
        %dma_wait3A_159 = tpu.memref_slice %arg8[%mul3A_90] : memref<10000xi32, #tpu.memory_space<vmem>> -> memref<128xi32, #tpu.memory_space<vmem>>
        %dma_wait3A_160 = arith.constant 0 : i32
        %dma_wait3A_161 = arith.constant 0 : i32
        %dma_wait3A_162 = tpu.memref_slice %arg10[%dma_wait3A_160, %dma_wait3A_161] : memref<10000x64xf32, #tpu.memory_space<vmem_shared>> -> memref<10000x64xf32, #tpu.memory_space<vmem_shared>>
        tpu.wait_indirect_dma semaphore(%run_scoped3A : memref<!tpu.dma_semaphore, #tpu.memory_space<semaphore_mem>>) src(%arg13 : memref<128x64xf32, #tpu.memory_space<vmem>>) dst(%dma_wait3A_162 : memref<10000x64xf32, #tpu.memory_space<vmem_shared>>)
        tpu.yield
      }) : () -> ()
      %add3A_91 = arith.constant 6 : i32
      %add3A_92 = arith.addi %add3A_82, %add3A_91 : i32
      %lt3A_93 = arith.constant 78 : i32
      %lt3A_94 = arith.cmpi slt, %add3A_92, %lt3A_93 : i32
      %convert_element_type3A_95 = arith.extui %lt3A_94 : i1 to i32
      %cond3A_96 = arith.constant 0 : i32
      %cond3A_97 = arith.cmpi ne, %convert_element_type3A_95, %cond3A_96 : i32
      scf.if %cond3A_97 {
        %add3A_155 = arith.constant 6 : i32
        %add3A_156 = arith.addi %add3A_82, %add3A_155 : i32
        %mul3A_157 = arith.constant 128 : i32
        %mul3A_158 = arith.muli %add3A_156, %mul3A_157 : i32
        %dma_start3A_159 = tpu.memref_slice %arg7[%mul3A_158] : memref<10000xi32, #tpu.memory_space<vmem>> -> memref<128xi32, #tpu.memory_space<vmem>>
        %dma_start3A_160 = arith.constant 0 : i32
        %dma_start3A_161 = arith.constant 0 : i32
        %dma_start3A_162 = tpu.memref_slice %arg2[%dma_start3A_160, %dma_start3A_161] : memref<10000x64xf32, #tpu.memory_space<hbm>> -> memref<10000x64xf32, #tpu.memory_space<hbm>>
        tpu.enqueue_indirect_dma source(%dma_start3A_162 : memref<10000x64xf32, #tpu.memory_space<hbm>>) target(%arg13 : memref<128x64xf32, #tpu.memory_space<vmem>>) offsets(%dma_start3A_159 : memref<128xi32, #tpu.memory_space<vmem>>) semaphore(%arg19 : memref<!tpu.dma_semaphore, #tpu.memory_space<semaphore_mem>>)
      } else {
      }
      %mul3A_98 = arith.constant 6 : i32
      %mul3A_99 = arith.muli %scan3A_44, %mul3A_98 : i32
      %add3A_100 = arith.constant 3 : i32
      %add3A_101 = arith.addi %mul3A_99, %add3A_100 : i32
      %mul3A_102 = arith.constant 128 : i32
      %mul3A_103 = arith.muli %add3A_101, %mul3A_102 : i32
      %dma_wait3A_104 = tpu.memref_slice %arg7[%mul3A_103] : memref<10000xi32, #tpu.memory_space<vmem>> -> memref<128xi32, #tpu.memory_space<vmem>>
      %dma_wait3A_105 = arith.constant 0 : i32
      %dma_wait3A_106 = arith.constant 0 : i32
      %dma_wait3A_107 = tpu.memref_slice %arg2[%dma_wait3A_105, %dma_wait3A_106] : memref<10000x64xf32, #tpu.memory_space<hbm>> -> memref<10000x64xf32, #tpu.memory_space<hbm>>
      tpu.wait_indirect_dma semaphore(%arg20 : memref<!tpu.dma_semaphore, #tpu.memory_space<semaphore_mem>>) src(%dma_wait3A_107 : memref<10000x64xf32, #tpu.memory_space<hbm>>) dst(%arg14 : memref<128x64xf32, #tpu.memory_space<vmem>>)
      %mul3A_108 = arith.constant 128 : i32
      %mul3A_109 = arith.muli %add3A_101, %mul3A_108 : i32
      "tpu.region"() ({
        %run_scoped3A = tpu.sem_alloc : memref<!tpu.dma_semaphore, #tpu.memory_space<semaphore_mem>>
        %dma_start3A_155 = tpu.memref_slice %arg8[%mul3A_109] : memref<10000xi32, #tpu.memory_space<vmem>> -> memref<128xi32, #tpu.memory_space<vmem>>
        %dma_start3A_156 = arith.constant 0 : i32
        %dma_start3A_157 = arith.constant 0 : i32
        %dma_start3A_158 = tpu.memref_slice %arg10[%dma_start3A_156, %dma_start3A_157] : memref<10000x64xf32, #tpu.memory_space<vmem_shared>> -> memref<10000x64xf32, #tpu.memory_space<vmem_shared>>
        tpu.enqueue_indirect_dma source(%arg14 : memref<128x64xf32, #tpu.memory_space<vmem>>) target(%dma_start3A_158 : memref<10000x64xf32, #tpu.memory_space<vmem_shared>>) offsets(%dma_start3A_155 : memref<128xi32, #tpu.memory_space<vmem>>) semaphore(%run_scoped3A : memref<!tpu.dma_semaphore, #tpu.memory_space<semaphore_mem>>) {add = true}
        %dma_wait3A_159 = tpu.memref_slice %arg8[%mul3A_109] : memref<10000xi32, #tpu.memory_space<vmem>> -> memref<128xi32, #tpu.memory_space<vmem>>
        %dma_wait3A_160 = arith.constant 0 : i32
        %dma_wait3A_161 = arith.constant 0 : i32
        %dma_wait3A_162 = tpu.memref_slice %arg10[%dma_wait3A_160, %dma_wait3A_161] : memref<10000x64xf32, #tpu.memory_space<vmem_shared>> -> memref<10000x64xf32, #tpu.memory_space<vmem_shared>>
        tpu.wait_indirect_dma semaphore(%run_scoped3A : memref<!tpu.dma_semaphore, #tpu.memory_space<semaphore_mem>>) src(%arg14 : memref<128x64xf32, #tpu.memory_space<vmem>>) dst(%dma_wait3A_162 : memref<10000x64xf32, #tpu.memory_space<vmem_shared>>)
        tpu.yield
      }) : () -> ()
      %add3A_110 = arith.constant 6 : i32
      %add3A_111 = arith.addi %add3A_101, %add3A_110 : i32
      %lt3A_112 = arith.constant 78 : i32
      %lt3A_113 = arith.cmpi slt, %add3A_111, %lt3A_112 : i32
      %convert_element_type3A_114 = arith.extui %lt3A_113 : i1 to i32
      %cond3A_115 = arith.constant 0 : i32
      %cond3A_116 = arith.cmpi ne, %convert_element_type3A_114, %cond3A_115 : i32
      scf.if %cond3A_116 {
        %add3A_155 = arith.constant 6 : i32
        %add3A_156 = arith.addi %add3A_101, %add3A_155 : i32
        %mul3A_157 = arith.constant 128 : i32
        %mul3A_158 = arith.muli %add3A_156, %mul3A_157 : i32
        %dma_start3A_159 = tpu.memref_slice %arg7[%mul3A_158] : memref<10000xi32, #tpu.memory_space<vmem>> -> memref<128xi32, #tpu.memory_space<vmem>>
        %dma_start3A_160 = arith.constant 0 : i32
        %dma_start3A_161 = arith.constant 0 : i32
        %dma_start3A_162 = tpu.memref_slice %arg2[%dma_start3A_160, %dma_start3A_161] : memref<10000x64xf32, #tpu.memory_space<hbm>> -> memref<10000x64xf32, #tpu.memory_space<hbm>>
        tpu.enqueue_indirect_dma source(%dma_start3A_162 : memref<10000x64xf32, #tpu.memory_space<hbm>>) target(%arg14 : memref<128x64xf32, #tpu.memory_space<vmem>>) offsets(%dma_start3A_159 : memref<128xi32, #tpu.memory_space<vmem>>) semaphore(%arg20 : memref<!tpu.dma_semaphore, #tpu.memory_space<semaphore_mem>>)
      } else {
      }
      %mul3A_117 = arith.constant 6 : i32
      %mul3A_118 = arith.muli %scan3A_44, %mul3A_117 : i32
      %add3A_119 = arith.constant 4 : i32
      %add3A_120 = arith.addi %mul3A_118, %add3A_119 : i32
      %mul3A_121 = arith.constant 128 : i32
      %mul3A_122 = arith.muli %add3A_120, %mul3A_121 : i32
      %dma_wait3A_123 = tpu.memref_slice %arg7[%mul3A_122] : memref<10000xi32, #tpu.memory_space<vmem>> -> memref<128xi32, #tpu.memory_space<vmem>>
      %dma_wait3A_124 = arith.constant 0 : i32
      %dma_wait3A_125 = arith.constant 0 : i32
      %dma_wait3A_126 = tpu.memref_slice %arg2[%dma_wait3A_124, %dma_wait3A_125] : memref<10000x64xf32, #tpu.memory_space<hbm>> -> memref<10000x64xf32, #tpu.memory_space<hbm>>
      tpu.wait_indirect_dma semaphore(%arg21 : memref<!tpu.dma_semaphore, #tpu.memory_space<semaphore_mem>>) src(%dma_wait3A_126 : memref<10000x64xf32, #tpu.memory_space<hbm>>) dst(%arg15 : memref<128x64xf32, #tpu.memory_space<vmem>>)
      %mul3A_127 = arith.constant 128 : i32
      %mul3A_128 = arith.muli %add3A_120, %mul3A_127 : i32
      "tpu.region"() ({
        %run_scoped3A = tpu.sem_alloc : memref<!tpu.dma_semaphore, #tpu.memory_space<semaphore_mem>>
        %dma_start3A_155 = tpu.memref_slice %arg8[%mul3A_128] : memref<10000xi32, #tpu.memory_space<vmem>> -> memref<128xi32, #tpu.memory_space<vmem>>
        %dma_start3A_156 = arith.constant 0 : i32
        %dma_start3A_157 = arith.constant 0 : i32
        %dma_start3A_158 = tpu.memref_slice %arg10[%dma_start3A_156, %dma_start3A_157] : memref<10000x64xf32, #tpu.memory_space<vmem_shared>> -> memref<10000x64xf32, #tpu.memory_space<vmem_shared>>
        tpu.enqueue_indirect_dma source(%arg15 : memref<128x64xf32, #tpu.memory_space<vmem>>) target(%dma_start3A_158 : memref<10000x64xf32, #tpu.memory_space<vmem_shared>>) offsets(%dma_start3A_155 : memref<128xi32, #tpu.memory_space<vmem>>) semaphore(%run_scoped3A : memref<!tpu.dma_semaphore, #tpu.memory_space<semaphore_mem>>) {add = true}
        %dma_wait3A_159 = tpu.memref_slice %arg8[%mul3A_128] : memref<10000xi32, #tpu.memory_space<vmem>> -> memref<128xi32, #tpu.memory_space<vmem>>
        %dma_wait3A_160 = arith.constant 0 : i32
        %dma_wait3A_161 = arith.constant 0 : i32
        %dma_wait3A_162 = tpu.memref_slice %arg10[%dma_wait3A_160, %dma_wait3A_161] : memref<10000x64xf32, #tpu.memory_space<vmem_shared>> -> memref<10000x64xf32, #tpu.memory_space<vmem_shared>>
        tpu.wait_indirect_dma semaphore(%run_scoped3A : memref<!tpu.dma_semaphore, #tpu.memory_space<semaphore_mem>>) src(%arg15 : memref<128x64xf32, #tpu.memory_space<vmem>>) dst(%dma_wait3A_162 : memref<10000x64xf32, #tpu.memory_space<vmem_shared>>)
        tpu.yield
      }) : () -> ()
      %add3A_129 = arith.constant 6 : i32
      %add3A_130 = arith.addi %add3A_120, %add3A_129 : i32
      %lt3A_131 = arith.constant 78 : i32
      %lt3A_132 = arith.cmpi slt, %add3A_130, %lt3A_131 : i32
      %convert_element_type3A_133 = arith.extui %lt3A_132 : i1 to i32
      %cond3A_134 = arith.constant 0 : i32
      %cond3A_135 = arith.cmpi ne, %convert_element_type3A_133, %cond3A_134 : i32
      scf.if %cond3A_135 {
        %add3A_155 = arith.constant 6 : i32
        %add3A_156 = arith.addi %add3A_120, %add3A_155 : i32
        %mul3A_157 = arith.constant 128 : i32
        %mul3A_158 = arith.muli %add3A_156, %mul3A_157 : i32
        %dma_start3A_159 = tpu.memref_slice %arg7[%mul3A_158] : memref<10000xi32, #tpu.memory_space<vmem>> -> memref<128xi32, #tpu.memory_space<vmem>>
        %dma_start3A_160 = arith.constant 0 : i32
        %dma_start3A_161 = arith.constant 0 : i32
        %dma_start3A_162 = tpu.memref_slice %arg2[%dma_start3A_160, %dma_start3A_161] : memref<10000x64xf32, #tpu.memory_space<hbm>> -> memref<10000x64xf32, #tpu.memory_space<hbm>>
        tpu.enqueue_indirect_dma source(%dma_start3A_162 : memref<10000x64xf32, #tpu.memory_space<hbm>>) target(%arg15 : memref<128x64xf32, #tpu.memory_space<vmem>>) offsets(%dma_start3A_159 : memref<128xi32, #tpu.memory_space<vmem>>) semaphore(%arg21 : memref<!tpu.dma_semaphore, #tpu.memory_space<semaphore_mem>>)
      } else {
      }
      %mul3A_136 = arith.constant 6 : i32
      %mul3A_137 = arith.muli %scan3A_44, %mul3A_136 : i32
      %add3A_138 = arith.constant 5 : i32
      %add3A_139 = arith.addi %mul3A_137, %add3A_138 : i32
      %mul3A_140 = arith.constant 128 : i32
      %mul3A_141 = arith.muli %add3A_139, %mul3A_140 : i32
      %dma_wait3A_142 = tpu.memref_slice %arg7[%mul3A_141] : memref<10000xi32, #tpu.memory_space<vmem>> -> memref<128xi32, #tpu.memory_space<vmem>>
      %dma_wait3A_143 = arith.constant 0 : i32
      %dma_wait3A_144 = arith.constant 0 : i32
      %dma_wait3A_145 = tpu.memref_slice %arg2[%dma_wait3A_143, %dma_wait3A_144] : memref<10000x64xf32, #tpu.memory_space<hbm>> -> memref<10000x64xf32, #tpu.memory_space<hbm>>
      tpu.wait_indirect_dma semaphore(%arg22 : memref<!tpu.dma_semaphore, #tpu.memory_space<semaphore_mem>>) src(%dma_wait3A_145 : memref<10000x64xf32, #tpu.memory_space<hbm>>) dst(%arg16 : memref<128x64xf32, #tpu.memory_space<vmem>>)
      %mul3A_146 = arith.constant 128 : i32
      %mul3A_147 = arith.muli %add3A_139, %mul3A_146 : i32
      "tpu.region"() ({
        %run_scoped3A = tpu.sem_alloc : memref<!tpu.dma_semaphore, #tpu.memory_space<semaphore_mem>>
        %dma_start3A_155 = tpu.memref_slice %arg8[%mul3A_147] : memref<10000xi32, #tpu.memory_space<vmem>> -> memref<128xi32, #tpu.memory_space<vmem>>
        %dma_start3A_156 = arith.constant 0 : i32
        %dma_start3A_157 = arith.constant 0 : i32
        %dma_start3A_158 = tpu.memref_slice %arg10[%dma_start3A_156, %dma_start3A_157] : memref<10000x64xf32, #tpu.memory_space<vmem_shared>> -> memref<10000x64xf32, #tpu.memory_space<vmem_shared>>
        tpu.enqueue_indirect_dma source(%arg16 : memref<128x64xf32, #tpu.memory_space<vmem>>) target(%dma_start3A_158 : memref<10000x64xf32, #tpu.memory_space<vmem_shared>>) offsets(%dma_start3A_155 : memref<128xi32, #tpu.memory_space<vmem>>) semaphore(%run_scoped3A : memref<!tpu.dma_semaphore, #tpu.memory_space<semaphore_mem>>) {add = true}
        %dma_wait3A_159 = tpu.memref_slice %arg8[%mul3A_147] : memref<10000xi32, #tpu.memory_space<vmem>> -> memref<128xi32, #tpu.memory_space<vmem>>
        %dma_wait3A_160 = arith.constant 0 : i32
        %dma_wait3A_161 = arith.constant 0 : i32
        %dma_wait3A_162 = tpu.memref_slice %arg10[%dma_wait3A_160, %dma_wait3A_161] : memref<10000x64xf32, #tpu.memory_space<vmem_shared>> -> memref<10000x64xf32, #tpu.memory_space<vmem_shared>>
        tpu.wait_indirect_dma semaphore(%run_scoped3A : memref<!tpu.dma_semaphore, #tpu.memory_space<semaphore_mem>>) src(%arg16 : memref<128x64xf32, #tpu.memory_space<vmem>>) dst(%dma_wait3A_162 : memref<10000x64xf32, #tpu.memory_space<vmem_shared>>)
        tpu.yield
      }) : () -> ()
      %add3A_148 = arith.constant 6 : i32
      %add3A_149 = arith.addi %add3A_139, %add3A_148 : i32
      %lt3A_150 = arith.constant 78 : i32
      %lt3A_151 = arith.cmpi slt, %add3A_149, %lt3A_150 : i32
      %convert_element_type3A_152 = arith.extui %lt3A_151 : i1 to i32
      %cond3A_153 = arith.constant 0 : i32
      %cond3A_154 = arith.cmpi ne, %convert_element_type3A_152, %cond3A_153 : i32
      scf.if %cond3A_154 {
        %add3A_155 = arith.constant 6 : i32
        %add3A_156 = arith.addi %add3A_139, %add3A_155 : i32
        %mul3A_157 = arith.constant 128 : i32
        %mul3A_158 = arith.muli %add3A_156, %mul3A_157 : i32
        %dma_start3A_159 = tpu.memref_slice %arg7[%mul3A_158] : memref<10000xi32, #tpu.memory_space<vmem>> -> memref<128xi32, #tpu.memory_space<vmem>>
        %dma_start3A_160 = arith.constant 0 : i32
        %dma_start3A_161 = arith.constant 0 : i32
        %dma_start3A_162 = tpu.memref_slice %arg2[%dma_start3A_160, %dma_start3A_161] : memref<10000x64xf32, #tpu.memory_space<hbm>> -> memref<10000x64xf32, #tpu.memory_space<hbm>>
        tpu.enqueue_indirect_dma source(%dma_start3A_162 : memref<10000x64xf32, #tpu.memory_space<hbm>>) target(%arg16 : memref<128x64xf32, #tpu.memory_space<vmem>>) offsets(%dma_start3A_159 : memref<128xi32, #tpu.memory_space<vmem>>) semaphore(%arg22 : memref<!tpu.dma_semaphore, #tpu.memory_space<semaphore_mem>>)
      } else {
      }
    }
    %scan3A_38 = arith.constant 13 : i32
    %barrier3A_39 = arith.constant 0 : index
    tpu.barrier barrier_id(%barrier3A_39)
    %mul3A_40 = arith.constant 625 : i32
    %mul3A_41 = arith.muli %arg1, %mul3A_40 : i32
    %mul3A_42 = arith.constant 625 : i32
    %mul3A_43 = arith.muli %arg1, %mul3A_42 : i32
    "tpu.region"() ({
      %run_scoped3A = tpu.sem_alloc : memref<!tpu.dma_semaphore, #tpu.memory_space<semaphore_mem>>
      %dma_start3A_44 = arith.constant 0 : i32
      %dma_start3A_45 = tpu.memref_slice %arg6[%arg0, %mul3A_43, %dma_start3A_44] : memref<2x10000x64xf32, #tpu.memory_space<hbm>> -> memref<1x625x64xf32, #tpu.memory_space<hbm>>
      %dma_start3A_46 = tpu.memref_squeeze %dma_start3A_45 : memref<1x625x64xf32, #tpu.memory_space<hbm>> -> memref<625x64xf32, #tpu.memory_space<hbm>>
      %dma_start3A_47 = arith.constant 0 : i32
      %dma_start3A_48 = tpu.memref_slice %arg10[%mul3A_41, %dma_start3A_47] : memref<10000x64xf32, #tpu.memory_space<vmem_shared>> -> memref<625x64xf32, #tpu.memory_space<vmem_shared>>
      tpu.enqueue_dma source(%dma_start3A_48 : memref<625x64xf32, #tpu.memory_space<vmem_shared>>) target(%dma_start3A_46 : memref<625x64xf32, #tpu.memory_space<hbm>>) target_semaphore(%run_scoped3A : memref<!tpu.dma_semaphore, #tpu.memory_space<semaphore_mem>>)
      %dma_wait3A = arith.constant 0 : i32
      %dma_wait3A_49 = tpu.memref_slice %arg6[%arg0, %mul3A_43, %dma_wait3A] : memref<2x10000x64xf32, #tpu.memory_space<hbm>> -> memref<1x625x64xf32, #tpu.memory_space<hbm>>
      %dma_wait3A_50 = tpu.memref_squeeze %dma_wait3A_49 : memref<1x625x64xf32, #tpu.memory_space<hbm>> -> memref<625x64xf32, #tpu.memory_space<hbm>>
      %dma_wait3A_51 = arith.constant 0 : i32
      %dma_wait3A_52 = tpu.memref_slice %arg10[%mul3A_41, %dma_wait3A_51] : memref<10000x64xf32, #tpu.memory_space<vmem_shared>> -> memref<625x64xf32, #tpu.memory_space<vmem_shared>>
      tpu.wait_dma2 semaphore(%run_scoped3A : memref<!tpu.dma_semaphore, #tpu.memory_space<semaphore_mem>>) src(%dma_wait3A_52 : memref<625x64xf32, #tpu.memory_space<vmem_shared>>) dst(%dma_wait3A_50 : memref<625x64xf32, #tpu.memory_space<hbm>>)
      tpu.yield
    }) : () -> ()
    return
  }
}

#map = affine_map<(d0, d1) -> (0, 0)>
module attributes {stable_mosaic.version = 14 : i64} {
  func.func @_deg_kernel(%arg0: i32, %arg1: i32, %arg2: memref<32x10000xi32, #tpu.memory_space<hbm>>, %arg3: memref<32x10000xi32, #tpu.memory_space<hbm>>, %arg4: memref<2x10240xf32, #tpu.memory_space<hbm>>, %arg5: memref<2x10240xf32, #tpu.memory_space<hbm>>, %arg6: memref<10000xi32, #tpu.memory_space<vmem>>, %arg7: memref<10000xi32, #tpu.memory_space<vmem>>, %arg8: memref<128xf32, #tpu.memory_space<vmem>>, %arg9: memref<640xf32, #tpu.memory_space<vmem>>, %arg10: memref<10240xf32, #tpu.memory_space<vmem_shared>>, %arg11: memref<10240xf32, #tpu.memory_space<vmem_shared>>, %arg12: memref<!tpu.dma_semaphore, #tpu.memory_space<semaphore_mem>>, %arg13: memref<!tpu.dma_semaphore, #tpu.memory_space<semaphore_mem>>, %arg14: memref<!tpu.dma_semaphore, #tpu.memory_space<semaphore_mem>>, %arg15: memref<!tpu.dma_semaphore, #tpu.memory_space<semaphore_mem>>, %arg16: memref<!tpu.dma_semaphore, #tpu.memory_space<semaphore_mem>>, %arg17: memref<!tpu.dma_semaphore, #tpu.memory_space<semaphore_mem>>, %arg18: memref<!tpu.dma_semaphore, #tpu.memory_space<semaphore_mem>>, %arg19: memref<!tpu.dma_semaphore, #tpu.memory_space<semaphore_mem>>, %arg20: memref<!tpu.dma_semaphore, #tpu.memory_space<semaphore_mem>>, %arg21: memref<!tpu.dma_semaphore, #tpu.memory_space<semaphore_mem>>, %arg22: memref<!tpu.dma_semaphore, #tpu.memory_space<semaphore_mem>>, %arg23: memref<!tpu.dma_semaphore, #tpu.memory_space<semaphore_mem>>) attributes {dimension_semantics = [#tpu.dimension_semantics<core_parallel>, #tpu.dimension_semantics<subcore_parallel>], iteration_bounds = array<i64: 2, 16>, scalar_prefetch = 0 : i64, scratch_operands = 18 : i64, tpu.core_type = #tpu.core_type<sc_vector_subcore>, window_params = [{transform_indices = #map}, {transform_indices = #map}, {transform_indices = #map}, {transform_indices = #map}]} {
    %mul3A = arith.constant 16 : i32
    %mul3A_0 = arith.muli %arg0, %mul3A : i32
    %add3A = arith.addi %mul3A_0, %arg1 : i32
    %broadcast_in_dim3A = arith.constant 0.000000e+00 : f32
    %broadcast_in_dim3A_1 = vector.broadcast %broadcast_in_dim3A : f32 to vector<16xf32>
    %swap3A = arith.constant 0 : index
    %swap3A_2 = tpu.vector_load %arg9[%swap3A] {strides = array<i32>} : memref<640xf32, #tpu.memory_space<vmem>>, vector<16xf32>,
    %swap3A_3 = vector.shape_cast %swap3A_2 : vector<16xf32> to vector<16xf32>
    %swap3A_4 = vector.shape_cast %broadcast_in_dim3A_1 : vector<16xf32> to vector<16xf32>
    tpu.vector_store %arg9[%swap3A], %swap3A_4 {strides = array<i32>} : memref<640xf32, #tpu.memory_space<vmem>>, vector<16xf32>,
    %broadcast_in_dim3A_5 = arith.constant 0.000000e+00 : f32
    %broadcast_in_dim3A_6 = vector.broadcast %broadcast_in_dim3A_5 : f32 to vector<16xf32>
    %swap3A_7 = arith.constant 16 : index
    %swap3A_8 = tpu.vector_load %arg9[%swap3A_7] {strides = array<i32>} : memref<640xf32, #tpu.memory_space<vmem>>, vector<16xf32>,
    %swap3A_9 = vector.shape_cast %swap3A_8 : vector<16xf32> to vector<16xf32>
    %swap3A_10 = vector.shape_cast %broadcast_in_dim3A_6 : vector<16xf32> to vector<16xf32>
    tpu.vector_store %arg9[%swap3A_7], %swap3A_10 {strides = array<i32>} : memref<640xf32, #tpu.memory_space<vmem>>, vector<16xf32>,
    %broadcast_in_dim3A_11 = arith.constant 0.000000e+00 : f32
    %broadcast_in_dim3A_12 = vector.broadcast %broadcast_in_dim3A_11 : f32 to vector<16xf32>
    %swap3A_13 = arith.constant 32 : index
    %swap3A_14 = tpu.vector_load %arg9[%swap3A_13] {strides = array<i32>} : memref<640xf32, #tpu.memory_space<vmem>>, vector<16xf32>,
    %swap3A_15 = vector.shape_cast %swap3A_14 : vector<16xf32> to vector<16xf32>
    %swap3A_16 = vector.shape_cast %broadcast_in_dim3A_12 : vector<16xf32> to vector<16xf32>
    tpu.vector_store %arg9[%swap3A_13], %swap3A_16 {strides = array<i32>} : memref<640xf32, #tpu.memory_space<vmem>>, vector<16xf32>,
    %broadcast_in_dim3A_17 = arith.constant 0.000000e+00 : f32
    %broadcast_in_dim3A_18 = vector.broadcast %broadcast_in_dim3A_17 : f32 to vector<16xf32>
    %swap3A_19 = arith.constant 48 : index
    %swap3A_20 = tpu.vector_load %arg9[%swap3A_19] {strides = array<i32>} : memref<640xf32, #tpu.memory_space<vmem>>, vector<16xf32>,
    %swap3A_21 = vector.shape_cast %swap3A_20 : vector<16xf32> to vector<16xf32>
    %swap3A_22 = vector.shape_cast %broadcast_in_dim3A_18 : vector<16xf32> to vector<16xf32>
    tpu.vector_store %arg9[%swap3A_19], %swap3A_22 {strides = array<i32>} : memref<640xf32, #tpu.memory_space<vmem>>, vector<16xf32>,
    %broadcast_in_dim3A_23 = arith.constant 0.000000e+00 : f32
    %broadcast_in_dim3A_24 = vector.broadcast %broadcast_in_dim3A_23 : f32 to vector<16xf32>
    %swap3A_25 = arith.constant 64 : index
    %swap3A_26 = tpu.vector_load %arg9[%swap3A_25] {strides = array<i32>} : memref<640xf32, #tpu.memory_space<vmem>>, vector<16xf32>,
    %swap3A_27 = vector.shape_cast %swap3A_26 : vector<16xf32> to vector<16xf32>
    %swap3A_28 = vector.shape_cast %broadcast_in_dim3A_24 : vector<16xf32> to vector<16xf32>
    tpu.vector_store %arg9[%swap3A_25], %swap3A_28 {strides = array<i32>} : memref<640xf32, #tpu.memory_space<vmem>>, vector<16xf32>,
    %broadcast_in_dim3A_29 = arith.constant 0.000000e+00 : f32
    %broadcast_in_dim3A_30 = vector.broadcast %broadcast_in_dim3A_29 : f32 to vector<16xf32>
    %swap3A_31 = arith.constant 80 : index
    %swap3A_32 = tpu.vector_load %arg9[%swap3A_31] {strides = array<i32>} : memref<640xf32, #tpu.memory_space<vmem>>, vector<16xf32>,
    %swap3A_33 = vector.shape_cast %swap3A_32 : vector<16xf32> to vector<16xf32>
    %swap3A_34 = vector.shape_cast %broadcast_in_dim3A_30 : vector<16xf32> to vector<16xf32>
    tpu.vector_store %arg9[%swap3A_31], %swap3A_34 {strides = array<i32>} : memref<640xf32, #tpu.memory_space<vmem>>, vector<16xf32>,
    %broadcast_in_dim3A_35 = arith.constant 0.000000e+00 : f32
    %broadcast_in_dim3A_36 = vector.broadcast %broadcast_in_dim3A_35 : f32 to vector<16xf32>
    %swap3A_37 = arith.constant 96 : index
    %swap3A_38 = tpu.vector_load %arg9[%swap3A_37] {strides = array<i32>} : memref<640xf32, #tpu.memory_space<vmem>>, vector<16xf32>,
    %swap3A_39 = vector.shape_cast %swap3A_38 : vector<16xf32> to vector<16xf32>
    %swap3A_40 = vector.shape_cast %broadcast_in_dim3A_36 : vector<16xf32> to vector<16xf32>
    tpu.vector_store %arg9[%swap3A_37], %swap3A_40 {strides = array<i32>} : memref<640xf32, #tpu.memory_space<vmem>>, vector<16xf32>,
    %broadcast_in_dim3A_41 = arith.constant 0.000000e+00 : f32
    %broadcast_in_dim3A_42 = vector.broadcast %broadcast_in_dim3A_41 : f32 to vector<16xf32>
    %swap3A_43 = arith.constant 112 : index
    %swap3A_44 = tpu.vector_load %arg9[%swap3A_43] {strides = array<i32>} : memref<640xf32, #tpu.memory_space<vmem>>, vector<16xf32>,
    %swap3A_45 = vector.shape_cast %swap3A_44 : vector<16xf32> to vector<16xf32>
    %swap3A_46 = vector.shape_cast %broadcast_in_dim3A_42 : vector<16xf32> to vector<16xf32>
    tpu.vector_store %arg9[%swap3A_43], %swap3A_46 {strides = array<i32>} : memref<640xf32, #tpu.memory_space<vmem>>, vector<16xf32>,
    %broadcast_in_dim3A_47 = arith.constant 0.000000e+00 : f32
    %broadcast_in_dim3A_48 = vector.broadcast %broadcast_in_dim3A_47 : f32 to vector<16xf32>
    %swap3A_49 = arith.constant 128 : index
    %swap3A_50 = tpu.vector_load %arg9[%swap3A_49] {strides = array<i32>} : memref<640xf32, #tpu.memory_space<vmem>>, vector<16xf32>,
    %swap3A_51 = vector.shape_cast %swap3A_50 : vector<16xf32> to vector<16xf32>
    %swap3A_52 = vector.shape_cast %broadcast_in_dim3A_48 : vector<16xf32> to vector<16xf32>
    tpu.vector_store %arg9[%swap3A_49], %swap3A_52 {strides = array<i32>} : memref<640xf32, #tpu.memory_space<vmem>>, vector<16xf32>,
    %broadcast_in_dim3A_53 = arith.constant 0.000000e+00 : f32
    %broadcast_in_dim3A_54 = vector.broadcast %broadcast_in_dim3A_53 : f32 to vector<16xf32>
    %swap3A_55 = arith.constant 144 : index
    %swap3A_56 = tpu.vector_load %arg9[%swap3A_55] {strides = array<i32>} : memref<640xf32, #tpu.memory_space<vmem>>, vector<16xf32>,
    %swap3A_57 = vector.shape_cast %swap3A_56 : vector<16xf32> to vector<16xf32>
    %swap3A_58 = vector.shape_cast %broadcast_in_dim3A_54 : vector<16xf32> to vector<16xf32>
    tpu.vector_store %arg9[%swap3A_55], %swap3A_58 {strides = array<i32>} : memref<640xf32, #tpu.memory_space<vmem>>, vector<16xf32>,
    %broadcast_in_dim3A_59 = arith.constant 0.000000e+00 : f32
    %broadcast_in_dim3A_60 = vector.broadcast %broadcast_in_dim3A_59 : f32 to vector<16xf32>
    %swap3A_61 = arith.constant 160 : index
    %swap3A_62 = tpu.vector_load %arg9[%swap3A_61] {strides = array<i32>} : memref<640xf32, #tpu.memory_space<vmem>>, vector<16xf32>,
    %swap3A_63 = vector.shape_cast %swap3A_62 : vector<16xf32> to vector<16xf32>
    %swap3A_64 = vector.shape_cast %broadcast_in_dim3A_60 : vector<16xf32> to vector<16xf32>
    tpu.vector_store %arg9[%swap3A_61], %swap3A_64 {strides = array<i32>} : memref<640xf32, #tpu.memory_space<vmem>>, vector<16xf32>,
    %broadcast_in_dim3A_65 = arith.constant 0.000000e+00 : f32
    %broadcast_in_dim3A_66 = vector.broadcast %broadcast_in_dim3A_65 : f32 to vector<16xf32>
    %swap3A_67 = arith.constant 176 : index
    %swap3A_68 = tpu.vector_load %arg9[%swap3A_67] {strides = array<i32>} : memref<640xf32, #tpu.memory_space<vmem>>, vector<16xf32>,
    %swap3A_69 = vector.shape_cast %swap3A_68 : vector<16xf32> to vector<16xf32>
    %swap3A_70 = vector.shape_cast %broadcast_in_dim3A_66 : vector<16xf32> to vector<16xf32>
    tpu.vector_store %arg9[%swap3A_67], %swap3A_70 {strides = array<i32>} : memref<640xf32, #tpu.memory_space<vmem>>, vector<16xf32>,
    %broadcast_in_dim3A_71 = arith.constant 0.000000e+00 : f32
    %broadcast_in_dim3A_72 = vector.broadcast %broadcast_in_dim3A_71 : f32 to vector<16xf32>
    %swap3A_73 = arith.constant 192 : index
    %swap3A_74 = tpu.vector_load %arg9[%swap3A_73] {strides = array<i32>} : memref<640xf32, #tpu.memory_space<vmem>>, vector<16xf32>,
    %swap3A_75 = vector.shape_cast %swap3A_74 : vector<16xf32> to vector<16xf32>
    %swap3A_76 = vector.shape_cast %broadcast_in_dim3A_72 : vector<16xf32> to vector<16xf32>
    tpu.vector_store %arg9[%swap3A_73], %swap3A_76 {strides = array<i32>} : memref<640xf32, #tpu.memory_space<vmem>>, vector<16xf32>,
    %broadcast_in_dim3A_77 = arith.constant 0.000000e+00 : f32
    %broadcast_in_dim3A_78 = vector.broadcast %broadcast_in_dim3A_77 : f32 to vector<16xf32>
    %swap3A_79 = arith.constant 208 : index
    %swap3A_80 = tpu.vector_load %arg9[%swap3A_79] {strides = array<i32>} : memref<640xf32, #tpu.memory_space<vmem>>, vector<16xf32>,
    %swap3A_81 = vector.shape_cast %swap3A_80 : vector<16xf32> to vector<16xf32>
    %swap3A_82 = vector.shape_cast %broadcast_in_dim3A_78 : vector<16xf32> to vector<16xf32>
    tpu.vector_store %arg9[%swap3A_79], %swap3A_82 {strides = array<i32>} : memref<640xf32, #tpu.memory_space<vmem>>, vector<16xf32>,
    %broadcast_in_dim3A_83 = arith.constant 0.000000e+00 : f32
    %broadcast_in_dim3A_84 = vector.broadcast %broadcast_in_dim3A_83 : f32 to vector<16xf32>
    %swap3A_85 = arith.constant 224 : index
    %swap3A_86 = tpu.vector_load %arg9[%swap3A_85] {strides = array<i32>} : memref<640xf32, #tpu.memory_space<vmem>>, vector<16xf32>,
    %swap3A_87 = vector.shape_cast %swap3A_86 : vector<16xf32> to vector<16xf32>
    %swap3A_88 = vector.shape_cast %broadcast_in_dim3A_84 : vector<16xf32> to vector<16xf32>
    tpu.vector_store %arg9[%swap3A_85], %swap3A_88 {strides = array<i32>} : memref<640xf32, #tpu.memory_space<vmem>>, vector<16xf32>,
    %broadcast_in_dim3A_89 = arith.constant 0.000000e+00 : f32
    %broadcast_in_dim3A_90 = vector.broadcast %broadcast_in_dim3A_89 : f32 to vector<16xf32>
    %swap3A_91 = arith.constant 240 : index
    %swap3A_92 = tpu.vector_load %arg9[%swap3A_91] {strides = array<i32>} : memref<640xf32, #tpu.memory_space<vmem>>, vector<16xf32>,
    %swap3A_93 = vector.shape_cast %swap3A_92 : vector<16xf32> to vector<16xf32>
    %swap3A_94 = vector.shape_cast %broadcast_in_dim3A_90 : vector<16xf32> to vector<16xf32>
    tpu.vector_store %arg9[%swap3A_91], %swap3A_94 {strides = array<i32>} : memref<640xf32, #tpu.memory_space<vmem>>, vector<16xf32>,
    %broadcast_in_dim3A_95 = arith.constant 0.000000e+00 : f32
    %broadcast_in_dim3A_96 = vector.broadcast %broadcast_in_dim3A_95 : f32 to vector<16xf32>
    %swap3A_97 = arith.constant 256 : index
    %swap3A_98 = tpu.vector_load %arg9[%swap3A_97] {strides = array<i32>} : memref<640xf32, #tpu.memory_space<vmem>>, vector<16xf32>,
    %swap3A_99 = vector.shape_cast %swap3A_98 : vector<16xf32> to vector<16xf32>
    %swap3A_100 = vector.shape_cast %broadcast_in_dim3A_96 : vector<16xf32> to vector<16xf32>
    tpu.vector_store %arg9[%swap3A_97], %swap3A_100 {strides = array<i32>} : memref<640xf32, #tpu.memory_space<vmem>>, vector<16xf32>,
    %broadcast_in_dim3A_101 = arith.constant 0.000000e+00 : f32
    %broadcast_in_dim3A_102 = vector.broadcast %broadcast_in_dim3A_101 : f32 to vector<16xf32>
    %swap3A_103 = arith.constant 272 : index
    %swap3A_104 = tpu.vector_load %arg9[%swap3A_103] {strides = array<i32>} : memref<640xf32, #tpu.memory_space<vmem>>, vector<16xf32>,
    %swap3A_105 = vector.shape_cast %swap3A_104 : vector<16xf32> to vector<16xf32>
    %swap3A_106 = vector.shape_cast %broadcast_in_dim3A_102 : vector<16xf32> to vector<16xf32>
    tpu.vector_store %arg9[%swap3A_103], %swap3A_106 {strides = array<i32>} : memref<640xf32, #tpu.memory_space<vmem>>, vector<16xf32>,
    %broadcast_in_dim3A_107 = arith.constant 0.000000e+00 : f32
    %broadcast_in_dim3A_108 = vector.broadcast %broadcast_in_dim3A_107 : f32 to vector<16xf32>
    %swap3A_109 = arith.constant 288 : index
    %swap3A_110 = tpu.vector_load %arg9[%swap3A_109] {strides = array<i32>} : memref<640xf32, #tpu.memory_space<vmem>>, vector<16xf32>,
    %swap3A_111 = vector.shape_cast %swap3A_110 : vector<16xf32> to vector<16xf32>
    %swap3A_112 = vector.shape_cast %broadcast_in_dim3A_108 : vector<16xf32> to vector<16xf32>
    tpu.vector_store %arg9[%swap3A_109], %swap3A_112 {strides = array<i32>} : memref<640xf32, #tpu.memory_space<vmem>>, vector<16xf32>,
    %broadcast_in_dim3A_113 = arith.constant 0.000000e+00 : f32
    %broadcast_in_dim3A_114 = vector.broadcast %broadcast_in_dim3A_113 : f32 to vector<16xf32>
    %swap3A_115 = arith.constant 304 : index
    %swap3A_116 = tpu.vector_load %arg9[%swap3A_115] {strides = array<i32>} : memref<640xf32, #tpu.memory_space<vmem>>, vector<16xf32>,
    %swap3A_117 = vector.shape_cast %swap3A_116 : vector<16xf32> to vector<16xf32>
    %swap3A_118 = vector.shape_cast %broadcast_in_dim3A_114 : vector<16xf32> to vector<16xf32>
    tpu.vector_store %arg9[%swap3A_115], %swap3A_118 {strides = array<i32>} : memref<640xf32, #tpu.memory_space<vmem>>, vector<16xf32>,
    %broadcast_in_dim3A_119 = arith.constant 0.000000e+00 : f32
    %broadcast_in_dim3A_120 = vector.broadcast %broadcast_in_dim3A_119 : f32 to vector<16xf32>
    %swap3A_121 = arith.constant 320 : index
    %swap3A_122 = tpu.vector_load %arg9[%swap3A_121] {strides = array<i32>} : memref<640xf32, #tpu.memory_space<vmem>>, vector<16xf32>,
    %swap3A_123 = vector.shape_cast %swap3A_122 : vector<16xf32> to vector<16xf32>
    %swap3A_124 = vector.shape_cast %broadcast_in_dim3A_120 : vector<16xf32> to vector<16xf32>
    tpu.vector_store %arg9[%swap3A_121], %swap3A_124 {strides = array<i32>} : memref<640xf32, #tpu.memory_space<vmem>>, vector<16xf32>,
    %broadcast_in_dim3A_125 = arith.constant 0.000000e+00 : f32
    %broadcast_in_dim3A_126 = vector.broadcast %broadcast_in_dim3A_125 : f32 to vector<16xf32>
    %swap3A_127 = arith.constant 336 : index
    %swap3A_128 = tpu.vector_load %arg9[%swap3A_127] {strides = array<i32>} : memref<640xf32, #tpu.memory_space<vmem>>, vector<16xf32>,
    %swap3A_129 = vector.shape_cast %swap3A_128 : vector<16xf32> to vector<16xf32>
    %swap3A_130 = vector.shape_cast %broadcast_in_dim3A_126 : vector<16xf32> to vector<16xf32>
    tpu.vector_store %arg9[%swap3A_127], %swap3A_130 {strides = array<i32>} : memref<640xf32, #tpu.memory_space<vmem>>, vector<16xf32>,
    %broadcast_in_dim3A_131 = arith.constant 0.000000e+00 : f32
    %broadcast_in_dim3A_132 = vector.broadcast %broadcast_in_dim3A_131 : f32 to vector<16xf32>
    %swap3A_133 = arith.constant 352 : index
    %swap3A_134 = tpu.vector_load %arg9[%swap3A_133] {strides = array<i32>} : memref<640xf32, #tpu.memory_space<vmem>>, vector<16xf32>,
    %swap3A_135 = vector.shape_cast %swap3A_134 : vector<16xf32> to vector<16xf32>
    %swap3A_136 = vector.shape_cast %broadcast_in_dim3A_132 : vector<16xf32> to vector<16xf32>
    tpu.vector_store %arg9[%swap3A_133], %swap3A_136 {strides = array<i32>} : memref<640xf32, #tpu.memory_space<vmem>>, vector<16xf32>,
    %broadcast_in_dim3A_137 = arith.constant 0.000000e+00 : f32
    %broadcast_in_dim3A_138 = vector.broadcast %broadcast_in_dim3A_137 : f32 to vector<16xf32>
    %swap3A_139 = arith.constant 368 : index
    %swap3A_140 = tpu.vector_load %arg9[%swap3A_139] {strides = array<i32>} : memref<640xf32, #tpu.memory_space<vmem>>, vector<16xf32>,
    %swap3A_141 = vector.shape_cast %swap3A_140 : vector<16xf32> to vector<16xf32>
    %swap3A_142 = vector.shape_cast %broadcast_in_dim3A_138 : vector<16xf32> to vector<16xf32>
    tpu.vector_store %arg9[%swap3A_139], %swap3A_142 {strides = array<i32>} : memref<640xf32, #tpu.memory_space<vmem>>, vector<16xf32>,
    %broadcast_in_dim3A_143 = arith.constant 0.000000e+00 : f32
    %broadcast_in_dim3A_144 = vector.broadcast %broadcast_in_dim3A_143 : f32 to vector<16xf32>
    %swap3A_145 = arith.constant 384 : index
    %swap3A_146 = tpu.vector_load %arg9[%swap3A_145] {strides = array<i32>} : memref<640xf32, #tpu.memory_space<vmem>>, vector<16xf32>,
    %swap3A_147 = vector.shape_cast %swap3A_146 : vector<16xf32> to vector<16xf32>
    %swap3A_148 = vector.shape_cast %broadcast_in_dim3A_144 : vector<16xf32> to vector<16xf32>
    tpu.vector_store %arg9[%swap3A_145], %swap3A_148 {strides = array<i32>} : memref<640xf32, #tpu.memory_space<vmem>>, vector<16xf32>,
    %broadcast_in_dim3A_149 = arith.constant 0.000000e+00 : f32
    %broadcast_in_dim3A_150 = vector.broadcast %broadcast_in_dim3A_149 : f32 to vector<16xf32>
    %swap3A_151 = arith.constant 400 : index
    %swap3A_152 = tpu.vector_load %arg9[%swap3A_151] {strides = array<i32>} : memref<640xf32, #tpu.memory_space<vmem>>, vector<16xf32>,
    %swap3A_153 = vector.shape_cast %swap3A_152 : vector<16xf32> to vector<16xf32>
    %swap3A_154 = vector.shape_cast %broadcast_in_dim3A_150 : vector<16xf32> to vector<16xf32>
    tpu.vector_store %arg9[%swap3A_151], %swap3A_154 {strides = array<i32>} : memref<640xf32, #tpu.memory_space<vmem>>, vector<16xf32>,
    %broadcast_in_dim3A_155 = arith.constant 0.000000e+00 : f32
    %broadcast_in_dim3A_156 = vector.broadcast %broadcast_in_dim3A_155 : f32 to vector<16xf32>
    %swap3A_157 = arith.constant 416 : index
    %swap3A_158 = tpu.vector_load %arg9[%swap3A_157] {strides = array<i32>} : memref<640xf32, #tpu.memory_space<vmem>>, vector<16xf32>,
    %swap3A_159 = vector.shape_cast %swap3A_158 : vector<16xf32> to vector<16xf32>
    %swap3A_160 = vector.shape_cast %broadcast_in_dim3A_156 : vector<16xf32> to vector<16xf32>
    tpu.vector_store %arg9[%swap3A_157], %swap3A_160 {strides = array<i32>} : memref<640xf32, #tpu.memory_space<vmem>>, vector<16xf32>,
    %broadcast_in_dim3A_161 = arith.constant 0.000000e+00 : f32
    %broadcast_in_dim3A_162 = vector.broadcast %broadcast_in_dim3A_161 : f32 to vector<16xf32>
    %swap3A_163 = arith.constant 432 : index
    %swap3A_164 = tpu.vector_load %arg9[%swap3A_163] {strides = array<i32>} : memref<640xf32, #tpu.memory_space<vmem>>, vector<16xf32>,
    %swap3A_165 = vector.shape_cast %swap3A_164 : vector<16xf32> to vector<16xf32>
    %swap3A_166 = vector.shape_cast %broadcast_in_dim3A_162 : vector<16xf32> to vector<16xf32>
    tpu.vector_store %arg9[%swap3A_163], %swap3A_166 {strides = array<i32>} : memref<640xf32, #tpu.memory_space<vmem>>, vector<16xf32>,
    %broadcast_in_dim3A_167 = arith.constant 0.000000e+00 : f32
    %broadcast_in_dim3A_168 = vector.broadcast %broadcast_in_dim3A_167 : f32 to vector<16xf32>
    %swap3A_169 = arith.constant 448 : index
    %swap3A_170 = tpu.vector_load %arg9[%swap3A_169] {strides = array<i32>} : memref<640xf32, #tpu.memory_space<vmem>>, vector<16xf32>,
    %swap3A_171 = vector.shape_cast %swap3A_170 : vector<16xf32> to vector<16xf32>
    %swap3A_172 = vector.shape_cast %broadcast_in_dim3A_168 : vector<16xf32> to vector<16xf32>
    tpu.vector_store %arg9[%swap3A_169], %swap3A_172 {strides = array<i32>} : memref<640xf32, #tpu.memory_space<vmem>>, vector<16xf32>,
    %broadcast_in_dim3A_173 = arith.constant 0.000000e+00 : f32
    %broadcast_in_dim3A_174 = vector.broadcast %broadcast_in_dim3A_173 : f32 to vector<16xf32>
    %swap3A_175 = arith.constant 464 : index
    %swap3A_176 = tpu.vector_load %arg9[%swap3A_175] {strides = array<i32>} : memref<640xf32, #tpu.memory_space<vmem>>, vector<16xf32>,
    %swap3A_177 = vector.shape_cast %swap3A_176 : vector<16xf32> to vector<16xf32>
    %swap3A_178 = vector.shape_cast %broadcast_in_dim3A_174 : vector<16xf32> to vector<16xf32>
    tpu.vector_store %arg9[%swap3A_175], %swap3A_178 {strides = array<i32>} : memref<640xf32, #tpu.memory_space<vmem>>, vector<16xf32>,
    %broadcast_in_dim3A_179 = arith.constant 0.000000e+00 : f32
    %broadcast_in_dim3A_180 = vector.broadcast %broadcast_in_dim3A_179 : f32 to vector<16xf32>
    %swap3A_181 = arith.constant 480 : index
    %swap3A_182 = tpu.vector_load %arg9[%swap3A_181] {strides = array<i32>} : memref<640xf32, #tpu.memory_space<vmem>>, vector<16xf32>,
    %swap3A_183 = vector.shape_cast %swap3A_182 : vector<16xf32> to vector<16xf32>
    %swap3A_184 = vector.shape_cast %broadcast_in_dim3A_180 : vector<16xf32> to vector<16xf32>
    tpu.vector_store %arg9[%swap3A_181], %swap3A_184 {strides = array<i32>} : memref<640xf32, #tpu.memory_space<vmem>>, vector<16xf32>,
    %broadcast_in_dim3A_185 = arith.constant 0.000000e+00 : f32
    %broadcast_in_dim3A_186 = vector.broadcast %broadcast_in_dim3A_185 : f32 to vector<16xf32>
    %swap3A_187 = arith.constant 496 : index
    %swap3A_188 = tpu.vector_load %arg9[%swap3A_187] {strides = array<i32>} : memref<640xf32, #tpu.memory_space<vmem>>, vector<16xf32>,
    %swap3A_189 = vector.shape_cast %swap3A_188 : vector<16xf32> to vector<16xf32>
    %swap3A_190 = vector.shape_cast %broadcast_in_dim3A_186 : vector<16xf32> to vector<16xf32>
    tpu.vector_store %arg9[%swap3A_187], %swap3A_190 {strides = array<i32>} : memref<640xf32, #tpu.memory_space<vmem>>, vector<16xf32>,
    %broadcast_in_dim3A_191 = arith.constant 0.000000e+00 : f32
    %broadcast_in_dim3A_192 = vector.broadcast %broadcast_in_dim3A_191 : f32 to vector<16xf32>
    %swap3A_193 = arith.constant 512 : index
    %swap3A_194 = tpu.vector_load %arg9[%swap3A_193] {strides = array<i32>} : memref<640xf32, #tpu.memory_space<vmem>>, vector<16xf32>,
    %swap3A_195 = vector.shape_cast %swap3A_194 : vector<16xf32> to vector<16xf32>
    %swap3A_196 = vector.shape_cast %broadcast_in_dim3A_192 : vector<16xf32> to vector<16xf32>
    tpu.vector_store %arg9[%swap3A_193], %swap3A_196 {strides = array<i32>} : memref<640xf32, #tpu.memory_space<vmem>>, vector<16xf32>,
    %broadcast_in_dim3A_197 = arith.constant 0.000000e+00 : f32
    %broadcast_in_dim3A_198 = vector.broadcast %broadcast_in_dim3A_197 : f32 to vector<16xf32>
    %swap3A_199 = arith.constant 528 : index
    %swap3A_200 = tpu.vector_load %arg9[%swap3A_199] {strides = array<i32>} : memref<640xf32, #tpu.memory_space<vmem>>, vector<16xf32>,
    %swap3A_201 = vector.shape_cast %swap3A_200 : vector<16xf32> to vector<16xf32>
    %swap3A_202 = vector.shape_cast %broadcast_in_dim3A_198 : vector<16xf32> to vector<16xf32>
    tpu.vector_store %arg9[%swap3A_199], %swap3A_202 {strides = array<i32>} : memref<640xf32, #tpu.memory_space<vmem>>, vector<16xf32>,
    %broadcast_in_dim3A_203 = arith.constant 0.000000e+00 : f32
    %broadcast_in_dim3A_204 = vector.broadcast %broadcast_in_dim3A_203 : f32 to vector<16xf32>
    %swap3A_205 = arith.constant 544 : index
    %swap3A_206 = tpu.vector_load %arg9[%swap3A_205] {strides = array<i32>} : memref<640xf32, #tpu.memory_space<vmem>>, vector<16xf32>,
    %swap3A_207 = vector.shape_cast %swap3A_206 : vector<16xf32> to vector<16xf32>
    %swap3A_208 = vector.shape_cast %broadcast_in_dim3A_204 : vector<16xf32> to vector<16xf32>
    tpu.vector_store %arg9[%swap3A_205], %swap3A_208 {strides = array<i32>} : memref<640xf32, #tpu.memory_space<vmem>>, vector<16xf32>,
    %broadcast_in_dim3A_209 = arith.constant 0.000000e+00 : f32
    %broadcast_in_dim3A_210 = vector.broadcast %broadcast_in_dim3A_209 : f32 to vector<16xf32>
    %swap3A_211 = arith.constant 560 : index
    %swap3A_212 = tpu.vector_load %arg9[%swap3A_211] {strides = array<i32>} : memref<640xf32, #tpu.memory_space<vmem>>, vector<16xf32>,
    %swap3A_213 = vector.shape_cast %swap3A_212 : vector<16xf32> to vector<16xf32>
    %swap3A_214 = vector.shape_cast %broadcast_in_dim3A_210 : vector<16xf32> to vector<16xf32>
    tpu.vector_store %arg9[%swap3A_211], %swap3A_214 {strides = array<i32>} : memref<640xf32, #tpu.memory_space<vmem>>, vector<16xf32>,
    %broadcast_in_dim3A_215 = arith.constant 0.000000e+00 : f32
    %broadcast_in_dim3A_216 = vector.broadcast %broadcast_in_dim3A_215 : f32 to vector<16xf32>
    %swap3A_217 = arith.constant 576 : index
    %swap3A_218 = tpu.vector_load %arg9[%swap3A_217] {strides = array<i32>} : memref<640xf32, #tpu.memory_space<vmem>>, vector<16xf32>,
    %swap3A_219 = vector.shape_cast %swap3A_218 : vector<16xf32> to vector<16xf32>
    %swap3A_220 = vector.shape_cast %broadcast_in_dim3A_216 : vector<16xf32> to vector<16xf32>
    tpu.vector_store %arg9[%swap3A_217], %swap3A_220 {strides = array<i32>} : memref<640xf32, #tpu.memory_space<vmem>>, vector<16xf32>,
    %broadcast_in_dim3A_221 = arith.constant 0.000000e+00 : f32
    %broadcast_in_dim3A_222 = vector.broadcast %broadcast_in_dim3A_221 : f32 to vector<16xf32>
    %swap3A_223 = arith.constant 592 : index
    %swap3A_224 = tpu.vector_load %arg9[%swap3A_223] {strides = array<i32>} : memref<640xf32, #tpu.memory_space<vmem>>, vector<16xf32>,
    %swap3A_225 = vector.shape_cast %swap3A_224 : vector<16xf32> to vector<16xf32>
    %swap3A_226 = vector.shape_cast %broadcast_in_dim3A_222 : vector<16xf32> to vector<16xf32>
    tpu.vector_store %arg9[%swap3A_223], %swap3A_226 {strides = array<i32>} : memref<640xf32, #tpu.memory_space<vmem>>, vector<16xf32>,
    %broadcast_in_dim3A_227 = arith.constant 0.000000e+00 : f32
    %broadcast_in_dim3A_228 = vector.broadcast %broadcast_in_dim3A_227 : f32 to vector<16xf32>
    %swap3A_229 = arith.constant 608 : index
    %swap3A_230 = tpu.vector_load %arg9[%swap3A_229] {strides = array<i32>} : memref<640xf32, #tpu.memory_space<vmem>>, vector<16xf32>,
    %swap3A_231 = vector.shape_cast %swap3A_230 : vector<16xf32> to vector<16xf32>
    %swap3A_232 = vector.shape_cast %broadcast_in_dim3A_228 : vector<16xf32> to vector<16xf32>
    tpu.vector_store %arg9[%swap3A_229], %swap3A_232 {strides = array<i32>} : memref<640xf32, #tpu.memory_space<vmem>>, vector<16xf32>,
    %broadcast_in_dim3A_233 = arith.constant 0.000000e+00 : f32
    %broadcast_in_dim3A_234 = vector.broadcast %broadcast_in_dim3A_233 : f32 to vector<16xf32>
    %swap3A_235 = arith.constant 624 : index
    %swap3A_236 = tpu.vector_load %arg9[%swap3A_235] {strides = array<i32>} : memref<640xf32, #tpu.memory_space<vmem>>, vector<16xf32>,
    %swap3A_237 = vector.shape_cast %swap3A_236 : vector<16xf32> to vector<16xf32>
    %swap3A_238 = vector.shape_cast %broadcast_in_dim3A_234 : vector<16xf32> to vector<16xf32>
    tpu.vector_store %arg9[%swap3A_235], %swap3A_238 {strides = array<i32>} : memref<640xf32, #tpu.memory_space<vmem>>, vector<16xf32>,
    %broadcast_in_dim3A_239 = arith.constant 1.000000e+00 : f32
    %broadcast_in_dim3A_240 = vector.broadcast %broadcast_in_dim3A_239 : f32 to vector<16xf32>
    %swap3A_241 = arith.constant 0 : index
    %swap3A_242 = tpu.vector_load %arg8[%swap3A_241] {strides = array<i32>} : memref<128xf32, #tpu.memory_space<vmem>>, vector<16xf32>,
    %swap3A_243 = vector.shape_cast %swap3A_242 : vector<16xf32> to vector<16xf32>
    %swap3A_244 = vector.shape_cast %broadcast_in_dim3A_240 : vector<16xf32> to vector<16xf32>
    tpu.vector_store %arg8[%swap3A_241], %swap3A_244 {strides = array<i32>} : memref<128xf32, #tpu.memory_space<vmem>>, vector<16xf32>,
    %broadcast_in_dim3A_245 = arith.constant 1.000000e+00 : f32
    %broadcast_in_dim3A_246 = vector.broadcast %broadcast_in_dim3A_245 : f32 to vector<16xf32>
    %swap3A_247 = arith.constant 16 : index
    %swap3A_248 = tpu.vector_load %arg8[%swap3A_247] {strides = array<i32>} : memref<128xf32, #tpu.memory_space<vmem>>, vector<16xf32>,
    %swap3A_249 = vector.shape_cast %swap3A_248 : vector<16xf32> to vector<16xf32>
    %swap3A_250 = vector.shape_cast %broadcast_in_dim3A_246 : vector<16xf32> to vector<16xf32>
    tpu.vector_store %arg8[%swap3A_247], %swap3A_250 {strides = array<i32>} : memref<128xf32, #tpu.memory_space<vmem>>, vector<16xf32>,
    %broadcast_in_dim3A_251 = arith.constant 1.000000e+00 : f32
    %broadcast_in_dim3A_252 = vector.broadcast %broadcast_in_dim3A_251 : f32 to vector<16xf32>
    %swap3A_253 = arith.constant 32 : index
    %swap3A_254 = tpu.vector_load %arg8[%swap3A_253] {strides = array<i32>} : memref<128xf32, #tpu.memory_space<vmem>>, vector<16xf32>,
    %swap3A_255 = vector.shape_cast %swap3A_254 : vector<16xf32> to vector<16xf32>
    %swap3A_256 = vector.shape_cast %broadcast_in_dim3A_252 : vector<16xf32> to vector<16xf32>
    tpu.vector_store %arg8[%swap3A_253], %swap3A_256 {strides = array<i32>} : memref<128xf32, #tpu.memory_space<vmem>>, vector<16xf32>,
    %broadcast_in_dim3A_257 = arith.constant 1.000000e+00 : f32
    %broadcast_in_dim3A_258 = vector.broadcast %broadcast_in_dim3A_257 : f32 to vector<16xf32>
    %swap3A_259 = arith.constant 48 : index
    %swap3A_260 = tpu.vector_load %arg8[%swap3A_259] {strides = array<i32>} : memref<128xf32, #tpu.memory_space<vmem>>, vector<16xf32>,
    %swap3A_261 = vector.shape_cast %swap3A_260 : vector<16xf32> to vector<16xf32>
    %swap3A_262 = vector.shape_cast %broadcast_in_dim3A_258 : vector<16xf32> to vector<16xf32>
    tpu.vector_store %arg8[%swap3A_259], %swap3A_262 {strides = array<i32>} : memref<128xf32, #tpu.memory_space<vmem>>, vector<16xf32>,
    %broadcast_in_dim3A_263 = arith.constant 1.000000e+00 : f32
    %broadcast_in_dim3A_264 = vector.broadcast %broadcast_in_dim3A_263 : f32 to vector<16xf32>
    %swap3A_265 = arith.constant 64 : index
    %swap3A_266 = tpu.vector_load %arg8[%swap3A_265] {strides = array<i32>} : memref<128xf32, #tpu.memory_space<vmem>>, vector<16xf32>,
    %swap3A_267 = vector.shape_cast %swap3A_266 : vector<16xf32> to vector<16xf32>
    %swap3A_268 = vector.shape_cast %broadcast_in_dim3A_264 : vector<16xf32> to vector<16xf32>
    tpu.vector_store %arg8[%swap3A_265], %swap3A_268 {strides = array<i32>} : memref<128xf32, #tpu.memory_space<vmem>>, vector<16xf32>,
    %broadcast_in_dim3A_269 = arith.constant 1.000000e+00 : f32
    %broadcast_in_dim3A_270 = vector.broadcast %broadcast_in_dim3A_269 : f32 to vector<16xf32>
    %swap3A_271 = arith.constant 80 : index
    %swap3A_272 = tpu.vector_load %arg8[%swap3A_271] {strides = array<i32>} : memref<128xf32, #tpu.memory_space<vmem>>, vector<16xf32>,
    %swap3A_273 = vector.shape_cast %swap3A_272 : vector<16xf32> to vector<16xf32>
    %swap3A_274 = vector.shape_cast %broadcast_in_dim3A_270 : vector<16xf32> to vector<16xf32>
    tpu.vector_store %arg8[%swap3A_271], %swap3A_274 {strides = array<i32>} : memref<128xf32, #tpu.memory_space<vmem>>, vector<16xf32>,
    %broadcast_in_dim3A_275 = arith.constant 1.000000e+00 : f32
    %broadcast_in_dim3A_276 = vector.broadcast %broadcast_in_dim3A_275 : f32 to vector<16xf32>
    %swap3A_277 = arith.constant 96 : index
    %swap3A_278 = tpu.vector_load %arg8[%swap3A_277] {strides = array<i32>} : memref<128xf32, #tpu.memory_space<vmem>>, vector<16xf32>,
    %swap3A_279 = vector.shape_cast %swap3A_278 : vector<16xf32> to vector<16xf32>
    %swap3A_280 = vector.shape_cast %broadcast_in_dim3A_276 : vector<16xf32> to vector<16xf32>
    tpu.vector_store %arg8[%swap3A_277], %swap3A_280 {strides = array<i32>} : memref<128xf32, #tpu.memory_space<vmem>>, vector<16xf32>,
    %broadcast_in_dim3A_281 = arith.constant 1.000000e+00 : f32
    %broadcast_in_dim3A_282 = vector.broadcast %broadcast_in_dim3A_281 : f32 to vector<16xf32>
    %swap3A_283 = arith.constant 112 : index
    %swap3A_284 = tpu.vector_load %arg8[%swap3A_283] {strides = array<i32>} : memref<128xf32, #tpu.memory_space<vmem>>, vector<16xf32>,
    %swap3A_285 = vector.shape_cast %swap3A_284 : vector<16xf32> to vector<16xf32>
    %swap3A_286 = vector.shape_cast %broadcast_in_dim3A_282 : vector<16xf32> to vector<16xf32>
    tpu.vector_store %arg8[%swap3A_283], %swap3A_286 {strides = array<i32>} : memref<128xf32, #tpu.memory_space<vmem>>, vector<16xf32>,
    %mul3A_287 = arith.constant 640 : i32
    %mul3A_288 = arith.muli %arg1, %mul3A_287 : i32
    "tpu.region"() ({
      %run_scoped3A = tpu.sem_alloc : memref<!tpu.dma_semaphore, #tpu.memory_space<semaphore_mem>>
      %dma_start3A = tpu.memref_slice %arg10[%mul3A_288] : memref<10240xf32, #tpu.memory_space<vmem_shared>> -> memref<640xf32, #tpu.memory_space<vmem_shared>>
      %dma_start3A_305 = tpu.memref_slice %arg10[%mul3A_288] : memref<10240xf32, #tpu.memory_space<vmem_shared>> -> memref<640xf32, #tpu.memory_space<vmem_shared>>
      tpu.enqueue_dma source(%arg9 : memref<640xf32, #tpu.memory_space<vmem>>) target(%dma_start3A_305 : memref<640xf32, #tpu.memory_space<vmem_shared>>) target_semaphore(%run_scoped3A : memref<!tpu.dma_semaphore, #tpu.memory_space<semaphore_mem>>)
      %dma_wait3A = tpu.memref_slice %arg10[%mul3A_288] : memref<10240xf32, #tpu.memory_space<vmem_shared>> -> memref<640xf32, #tpu.memory_space<vmem_shared>>
      %dma_wait3A_306 = tpu.memref_slice %arg10[%mul3A_288] : memref<10240xf32, #tpu.memory_space<vmem_shared>> -> memref<640xf32, #tpu.memory_space<vmem_shared>>
      tpu.wait_dma2 semaphore(%run_scoped3A : memref<!tpu.dma_semaphore, #tpu.memory_space<semaphore_mem>>) src(%arg9 : memref<640xf32, #tpu.memory_space<vmem>>) dst(%dma_wait3A_306 : memref<640xf32, #tpu.memory_space<vmem_shared>>)
      tpu.yield
    }) : () -> ()
    %mul3A_289 = arith.constant 640 : i32
    %mul3A_290 = arith.muli %arg1, %mul3A_289 : i32
    "tpu.region"() ({
      %run_scoped3A = tpu.sem_alloc : memref<!tpu.dma_semaphore, #tpu.memory_space<semaphore_mem>>
      %dma_start3A = tpu.memref_slice %arg11[%mul3A_290] : memref<10240xf32, #tpu.memory_space<vmem_shared>> -> memref<640xf32, #tpu.memory_space<vmem_shared>>
      %dma_start3A_305 = tpu.memref_slice %arg11[%mul3A_290] : memref<10240xf32, #tpu.memory_space<vmem_shared>> -> memref<640xf32, #tpu.memory_space<vmem_shared>>
      tpu.enqueue_dma source(%arg9 : memref<640xf32, #tpu.memory_space<vmem>>) target(%dma_start3A_305 : memref<640xf32, #tpu.memory_space<vmem_shared>>) target_semaphore(%run_scoped3A : memref<!tpu.dma_semaphore, #tpu.memory_space<semaphore_mem>>)
      %dma_wait3A = tpu.memref_slice %arg11[%mul3A_290] : memref<10240xf32, #tpu.memory_space<vmem_shared>> -> memref<640xf32, #tpu.memory_space<vmem_shared>>
      %dma_wait3A_306 = tpu.memref_slice %arg11[%mul3A_290] : memref<10240xf32, #tpu.memory_space<vmem_shared>> -> memref<640xf32, #tpu.memory_space<vmem_shared>>
      tpu.wait_dma2 semaphore(%run_scoped3A : memref<!tpu.dma_semaphore, #tpu.memory_space<semaphore_mem>>) src(%arg9 : memref<640xf32, #tpu.memory_space<vmem>>) dst(%dma_wait3A_306 : memref<640xf32, #tpu.memory_space<vmem_shared>>)
      tpu.yield
    }) : () -> ()
    "tpu.region"() ({
      %run_scoped3A = tpu.sem_alloc : memref<!tpu.dma_semaphore, #tpu.memory_space<semaphore_mem>>
      %dma_start3A = arith.constant 0 : i32
      %dma_start3A_305 = tpu.memref_slice %arg2[%add3A, %dma_start3A] : memref<32x10000xi32, #tpu.memory_space<hbm>> -> memref<1x10000xi32, #tpu.memory_space<hbm>>
      %dma_start3A_306 = tpu.memref_squeeze %dma_start3A_305 : memref<1x10000xi32, #tpu.memory_space<hbm>> -> memref<10000xi32, #tpu.memory_space<hbm>>
      %dma_start3A_307 = arith.constant 0 : i32
      %dma_start3A_308 = tpu.memref_slice %arg2[%add3A, %dma_start3A_307] : memref<32x10000xi32, #tpu.memory_space<hbm>> -> memref<1x10000xi32, #tpu.memory_space<hbm>>
      %dma_start3A_309 = tpu.memref_squeeze %dma_start3A_308 : memref<1x10000xi32, #tpu.memory_space<hbm>> -> memref<10000xi32, #tpu.memory_space<hbm>>
      tpu.enqueue_dma source(%dma_start3A_309 : memref<10000xi32, #tpu.memory_space<hbm>>) target(%arg6 : memref<10000xi32, #tpu.memory_space<vmem>>) target_semaphore(%run_scoped3A : memref<!tpu.dma_semaphore, #tpu.memory_space<semaphore_mem>>)
      %dma_wait3A = arith.constant 0 : i32
      %dma_wait3A_310 = tpu.memref_slice %arg2[%add3A, %dma_wait3A] : memref<32x10000xi32, #tpu.memory_space<hbm>> -> memref<1x10000xi32, #tpu.memory_space<hbm>>
      %dma_wait3A_311 = tpu.memref_squeeze %dma_wait3A_310 : memref<1x10000xi32, #tpu.memory_space<hbm>> -> memref<10000xi32, #tpu.memory_space<hbm>>
      %dma_wait3A_312 = arith.constant 0 : i32
      %dma_wait3A_313 = tpu.memref_slice %arg2[%add3A, %dma_wait3A_312] : memref<32x10000xi32, #tpu.memory_space<hbm>> -> memref<1x10000xi32, #tpu.memory_space<hbm>>
      %dma_wait3A_314 = tpu.memref_squeeze %dma_wait3A_313 : memref<1x10000xi32, #tpu.memory_space<hbm>> -> memref<10000xi32, #tpu.memory_space<hbm>>
      tpu.wait_dma2 semaphore(%run_scoped3A : memref<!tpu.dma_semaphore, #tpu.memory_space<semaphore_mem>>) src(%dma_wait3A_314 : memref<10000xi32, #tpu.memory_space<hbm>>) dst(%arg6 : memref<10000xi32, #tpu.memory_space<vmem>>)
      tpu.yield
    }) : () -> ()
    "tpu.region"() ({
      %run_scoped3A = tpu.sem_alloc : memref<!tpu.dma_semaphore, #tpu.memory_space<semaphore_mem>>
      %dma_start3A = arith.constant 0 : i32
      %dma_start3A_305 = tpu.memref_slice %arg3[%add3A, %dma_start3A] : memref<32x10000xi32, #tpu.memory_space<hbm>> -> memref<1x10000xi32, #tpu.memory_space<hbm>>
      %dma_start3A_306 = tpu.memref_squeeze %dma_start3A_305 : memref<1x10000xi32, #tpu.memory_space<hbm>> -> memref<10000xi32, #tpu.memory_space<hbm>>
      %dma_start3A_307 = arith.constant 0 : i32
      %dma_start3A_308 = tpu.memref_slice %arg3[%add3A, %dma_start3A_307] : memref<32x10000xi32, #tpu.memory_space<hbm>> -> memref<1x10000xi32, #tpu.memory_space<hbm>>
      %dma_start3A_309 = tpu.memref_squeeze %dma_start3A_308 : memref<1x10000xi32, #tpu.memory_space<hbm>> -> memref<10000xi32, #tpu.memory_space<hbm>>
      tpu.enqueue_dma source(%dma_start3A_309 : memref<10000xi32, #tpu.memory_space<hbm>>) target(%arg7 : memref<10000xi32, #tpu.memory_space<vmem>>) target_semaphore(%run_scoped3A : memref<!tpu.dma_semaphore, #tpu.memory_space<semaphore_mem>>)
      %dma_wait3A = arith.constant 0 : i32
      %dma_wait3A_310 = tpu.memref_slice %arg3[%add3A, %dma_wait3A] : memref<32x10000xi32, #tpu.memory_space<hbm>> -> memref<1x10000xi32, #tpu.memory_space<hbm>>
      %dma_wait3A_311 = tpu.memref_squeeze %dma_wait3A_310 : memref<1x10000xi32, #tpu.memory_space<hbm>> -> memref<10000xi32, #tpu.memory_space<hbm>>
      %dma_wait3A_312 = arith.constant 0 : i32
      %dma_wait3A_313 = tpu.memref_slice %arg3[%add3A, %dma_wait3A_312] : memref<32x10000xi32, #tpu.memory_space<hbm>> -> memref<1x10000xi32, #tpu.memory_space<hbm>>
      %dma_wait3A_314 = tpu.memref_squeeze %dma_wait3A_313 : memref<1x10000xi32, #tpu.memory_space<hbm>> -> memref<10000xi32, #tpu.memory_space<hbm>>
      tpu.wait_dma2 semaphore(%run_scoped3A : memref<!tpu.dma_semaphore, #tpu.memory_space<semaphore_mem>>) src(%dma_wait3A_314 : memref<10000xi32, #tpu.memory_space<hbm>>) dst(%arg7 : memref<10000xi32, #tpu.memory_space<vmem>>)
      tpu.yield
    }) : () -> ()
    %barrier3A = arith.constant 0 : index
    tpu.barrier barrier_id(%barrier3A)
    "tpu.region"() ({
      %run_scoped3A = tpu.sem_alloc : memref<!tpu.dma_semaphore, #tpu.memory_space<semaphore_mem>>
      %dma_start3A = arith.constant 0 : i32
      %dma_start3A_305 = tpu.memref_slice %arg8[%dma_start3A] : memref<128xf32, #tpu.memory_space<vmem>> -> memref<16xf32, #tpu.memory_space<vmem>>
      %dma_start3A_306 = arith.constant 9984 : i32
      %dma_start3A_307 = tpu.memref_slice %arg6[%dma_start3A_306] : memref<10000xi32, #tpu.memory_space<vmem>> -> memref<16xi32, #tpu.memory_space<vmem>>
      %dma_start3A_308 = arith.constant 0 : i32
      %dma_start3A_309 = tpu.memref_slice %arg10[%dma_start3A_308] : memref<10240xf32, #tpu.memory_space<vmem_shared>> -> memref<10240xf32, #tpu.memory_space<vmem_shared>>
      tpu.enqueue_indirect_dma source(%dma_start3A_305 : memref<16xf32, #tpu.memory_space<vmem>>) target(%dma_start3A_309 : memref<10240xf32, #tpu.memory_space<vmem_shared>>) offsets(%dma_start3A_307 : memref<16xi32, #tpu.memory_space<vmem>>) semaphore(%run_scoped3A : memref<!tpu.dma_semaphore, #tpu.memory_space<semaphore_mem>>) {add = true}
      %dma_wait3A = arith.constant 0 : i32
      %dma_wait3A_310 = tpu.memref_slice %arg8[%dma_wait3A] : memref<128xf32, #tpu.memory_space<vmem>> -> memref<16xf32, #tpu.memory_space<vmem>>
      %dma_wait3A_311 = arith.constant 9984 : i32
      %dma_wait3A_312 = tpu.memref_slice %arg6[%dma_wait3A_311] : memref<10000xi32, #tpu.memory_space<vmem>> -> memref<16xi32, #tpu.memory_space<vmem>>
      %dma_wait3A_313 = arith.constant 0 : i32
      %dma_wait3A_314 = tpu.memref_slice %arg10[%dma_wait3A_313] : memref<10240xf32, #tpu.memory_space<vmem_shared>> -> memref<10240xf32, #tpu.memory_space<vmem_shared>>
      tpu.wait_indirect_dma semaphore(%run_scoped3A : memref<!tpu.dma_semaphore, #tpu.memory_space<semaphore_mem>>) src(%dma_wait3A_310 : memref<16xf32, #tpu.memory_space<vmem>>) dst(%dma_wait3A_314 : memref<10240xf32, #tpu.memory_space<vmem_shared>>)
      tpu.yield
    }) : () -> ()
    "tpu.region"() ({
      %run_scoped3A = tpu.sem_alloc : memref<!tpu.dma_semaphore, #tpu.memory_space<semaphore_mem>>
      %dma_start3A = arith.constant 0 : i32
      %dma_start3A_305 = tpu.memref_slice %arg8[%dma_start3A] : memref<128xf32, #tpu.memory_space<vmem>> -> memref<16xf32, #tpu.memory_space<vmem>>
      %dma_start3A_306 = arith.constant 9984 : i32
      %dma_start3A_307 = tpu.memref_slice %arg7[%dma_start3A_306] : memref<10000xi32, #tpu.memory_space<vmem>> -> memref<16xi32, #tpu.memory_space<vmem>>
      %dma_start3A_308 = arith.constant 0 : i32
      %dma_start3A_309 = tpu.memref_slice %arg11[%dma_start3A_308] : memref<10240xf32, #tpu.memory_space<vmem_shared>> -> memref<10240xf32, #tpu.memory_space<vmem_shared>>
      tpu.enqueue_indirect_dma source(%dma_start3A_305 : memref<16xf32, #tpu.memory_space<vmem>>) target(%dma_start3A_309 : memref<10240xf32, #tpu.memory_space<vmem_shared>>) offsets(%dma_start3A_307 : memref<16xi32, #tpu.memory_space<vmem>>) semaphore(%run_scoped3A : memref<!tpu.dma_semaphore, #tpu.memory_space<semaphore_mem>>) {add = true}
      %dma_wait3A = arith.constant 0 : i32
      %dma_wait3A_310 = tpu.memref_slice %arg8[%dma_wait3A] : memref<128xf32, #tpu.memory_space<vmem>> -> memref<16xf32, #tpu.memory_space<vmem>>
      %dma_wait3A_311 = arith.constant 9984 : i32
      %dma_wait3A_312 = tpu.memref_slice %arg7[%dma_wait3A_311] : memref<10000xi32, #tpu.memory_space<vmem>> -> memref<16xi32, #tpu.memory_space<vmem>>
      %dma_wait3A_313 = arith.constant 0 : i32
      %dma_wait3A_314 = tpu.memref_slice %arg11[%dma_wait3A_313] : memref<10240xf32, #tpu.memory_space<vmem_shared>> -> memref<10240xf32, #tpu.memory_space<vmem_shared>>
      tpu.wait_indirect_dma semaphore(%run_scoped3A : memref<!tpu.dma_semaphore, #tpu.memory_space<semaphore_mem>>) src(%dma_wait3A_310 : memref<16xf32, #tpu.memory_space<vmem>>) dst(%dma_wait3A_314 : memref<10240xf32, #tpu.memory_space<vmem_shared>>)
      tpu.yield
    }) : () -> ()
    %scan3A = arith.constant 0 : i32
    %scan3A_291 = arith.constant 0 : i32
    %scan3A_292 = arith.constant 13 : i32
    %scan3A_293 = arith.addi %scan3A_291, %scan3A_292 : i32
    %scan3A_294 = arith.constant 1 : i32
    scf.for %scan3A_305 = %scan3A_291 to %scan3A_293 step %scan3A_294  : i32 {
      %mul3A_306 = arith.constant 6 : i32
      %mul3A_307 = arith.muli %scan3A_305, %mul3A_306 : i32
      %add3A_308 = arith.constant 0 : i32
      %add3A_309 = arith.addi %mul3A_307, %add3A_308 : i32
      %mul3A_310 = arith.constant 128 : i32
      %mul3A_311 = arith.muli %add3A_309, %mul3A_310 : i32
      %dma_start3A = tpu.memref_slice %arg6[%mul3A_311] : memref<10000xi32, #tpu.memory_space<vmem>> -> memref<128xi32, #tpu.memory_space<vmem>>
      %dma_start3A_312 = arith.constant 0 : i32
      %dma_start3A_313 = tpu.memref_slice %arg10[%dma_start3A_312] : memref<10240xf32, #tpu.memory_space<vmem_shared>> -> memref<10240xf32, #tpu.memory_space<vmem_shared>>
      tpu.enqueue_indirect_dma source(%arg8 : memref<128xf32, #tpu.memory_space<vmem>>) target(%dma_start3A_313 : memref<10240xf32, #tpu.memory_space<vmem_shared>>) offsets(%dma_start3A : memref<128xi32, #tpu.memory_space<vmem>>) semaphore(%arg12 : memref<!tpu.dma_semaphore, #tpu.memory_space<semaphore_mem>>) {add = true}
      %mul3A_314 = arith.constant 128 : i32
      %mul3A_315 = arith.muli %add3A_309, %mul3A_314 : i32
      %dma_start3A_316 = tpu.memref_slice %arg7[%mul3A_315] : memref<10000xi32, #tpu.memory_space<vmem>> -> memref<128xi32, #tpu.memory_space<vmem>>
      %dma_start3A_317 = arith.constant 0 : i32
      %dma_start3A_318 = tpu.memref_slice %arg11[%dma_start3A_317] : memref<10240xf32, #tpu.memory_space<vmem_shared>> -> memref<10240xf32, #tpu.memory_space<vmem_shared>>
      tpu.enqueue_indirect_dma source(%arg8 : memref<128xf32, #tpu.memory_space<vmem>>) target(%dma_start3A_318 : memref<10240xf32, #tpu.memory_space<vmem_shared>>) offsets(%dma_start3A_316 : memref<128xi32, #tpu.memory_space<vmem>>) semaphore(%arg18 : memref<!tpu.dma_semaphore, #tpu.memory_space<semaphore_mem>>) {add = true}
      %mul3A_319 = arith.constant 6 : i32
      %mul3A_320 = arith.muli %scan3A_305, %mul3A_319 : i32
      %add3A_321 = arith.constant 1 : i32
      %add3A_322 = arith.addi %mul3A_320, %add3A_321 : i32
      %mul3A_323 = arith.constant 128 : i32
      %mul3A_324 = arith.muli %add3A_322, %mul3A_323 : i32
      %dma_start3A_325 = tpu.memref_slice %arg6[%mul3A_324] : memref<10000xi32, #tpu.memory_space<vmem>> -> memref<128xi32, #tpu.memory_space<vmem>>
      %dma_start3A_326 = arith.constant 0 : i32
      %dma_start3A_327 = tpu.memref_slice %arg10[%dma_start3A_326] : memref<10240xf32, #tpu.memory_space<vmem_shared>> -> memref<10240xf32, #tpu.memory_space<vmem_shared>>
      tpu.enqueue_indirect_dma source(%arg8 : memref<128xf32, #tpu.memory_space<vmem>>) target(%dma_start3A_327 : memref<10240xf32, #tpu.memory_space<vmem_shared>>) offsets(%dma_start3A_325 : memref<128xi32, #tpu.memory_space<vmem>>) semaphore(%arg13 : memref<!tpu.dma_semaphore, #tpu.memory_space<semaphore_mem>>) {add = true}
      %mul3A_328 = arith.constant 128 : i32
      %mul3A_329 = arith.muli %add3A_322, %mul3A_328 : i32
      %dma_start3A_330 = tpu.memref_slice %arg7[%mul3A_329] : memref<10000xi32, #tpu.memory_space<vmem>> -> memref<128xi32, #tpu.memory_space<vmem>>
      %dma_start3A_331 = arith.constant 0 : i32
      %dma_start3A_332 = tpu.memref_slice %arg11[%dma_start3A_331] : memref<10240xf32, #tpu.memory_space<vmem_shared>> -> memref<10240xf32, #tpu.memory_space<vmem_shared>>
      tpu.enqueue_indirect_dma source(%arg8 : memref<128xf32, #tpu.memory_space<vmem>>) target(%dma_start3A_332 : memref<10240xf32, #tpu.memory_space<vmem_shared>>) offsets(%dma_start3A_330 : memref<128xi32, #tpu.memory_space<vmem>>) semaphore(%arg19 : memref<!tpu.dma_semaphore, #tpu.memory_space<semaphore_mem>>) {add = true}
      %mul3A_333 = arith.constant 6 : i32
      %mul3A_334 = arith.muli %scan3A_305, %mul3A_333 : i32
      %add3A_335 = arith.constant 2 : i32
      %add3A_336 = arith.addi %mul3A_334, %add3A_335 : i32
      %mul3A_337 = arith.constant 128 : i32
      %mul3A_338 = arith.muli %add3A_336, %mul3A_337 : i32
      %dma_start3A_339 = tpu.memref_slice %arg6[%mul3A_338] : memref<10000xi32, #tpu.memory_space<vmem>> -> memref<128xi32, #tpu.memory_space<vmem>>
      %dma_start3A_340 = arith.constant 0 : i32
      %dma_start3A_341 = tpu.memref_slice %arg10[%dma_start3A_340] : memref<10240xf32, #tpu.memory_space<vmem_shared>> -> memref<10240xf32, #tpu.memory_space<vmem_shared>>
      tpu.enqueue_indirect_dma source(%arg8 : memref<128xf32, #tpu.memory_space<vmem>>) target(%dma_start3A_341 : memref<10240xf32, #tpu.memory_space<vmem_shared>>) offsets(%dma_start3A_339 : memref<128xi32, #tpu.memory_space<vmem>>) semaphore(%arg14 : memref<!tpu.dma_semaphore, #tpu.memory_space<semaphore_mem>>) {add = true}
      %mul3A_342 = arith.constant 128 : i32
      %mul3A_343 = arith.muli %add3A_336, %mul3A_342 : i32
      %dma_start3A_344 = tpu.memref_slice %arg7[%mul3A_343] : memref<10000xi32, #tpu.memory_space<vmem>> -> memref<128xi32, #tpu.memory_space<vmem>>
      %dma_start3A_345 = arith.constant 0 : i32
      %dma_start3A_346 = tpu.memref_slice %arg11[%dma_start3A_345] : memref<10240xf32, #tpu.memory_space<vmem_shared>> -> memref<10240xf32, #tpu.memory_space<vmem_shared>>
      tpu.enqueue_indirect_dma source(%arg8 : memref<128xf32, #tpu.memory_space<vmem>>) target(%dma_start3A_346 : memref<10240xf32, #tpu.memory_space<vmem_shared>>) offsets(%dma_start3A_344 : memref<128xi32, #tpu.memory_space<vmem>>) semaphore(%arg20 : memref<!tpu.dma_semaphore, #tpu.memory_space<semaphore_mem>>) {add = true}
      %mul3A_347 = arith.constant 6 : i32
      %mul3A_348 = arith.muli %scan3A_305, %mul3A_347 : i32
      %add3A_349 = arith.constant 3 : i32
      %add3A_350 = arith.addi %mul3A_348, %add3A_349 : i32
      %mul3A_351 = arith.constant 128 : i32
      %mul3A_352 = arith.muli %add3A_350, %mul3A_351 : i32
      %dma_start3A_353 = tpu.memref_slice %arg6[%mul3A_352] : memref<10000xi32, #tpu.memory_space<vmem>> -> memref<128xi32, #tpu.memory_space<vmem>>
      %dma_start3A_354 = arith.constant 0 : i32
      %dma_start3A_355 = tpu.memref_slice %arg10[%dma_start3A_354] : memref<10240xf32, #tpu.memory_space<vmem_shared>> -> memref<10240xf32, #tpu.memory_space<vmem_shared>>
      tpu.enqueue_indirect_dma source(%arg8 : memref<128xf32, #tpu.memory_space<vmem>>) target(%dma_start3A_355 : memref<10240xf32, #tpu.memory_space<vmem_shared>>) offsets(%dma_start3A_353 : memref<128xi32, #tpu.memory_space<vmem>>) semaphore(%arg15 : memref<!tpu.dma_semaphore, #tpu.memory_space<semaphore_mem>>) {add = true}
      %mul3A_356 = arith.constant 128 : i32
      %mul3A_357 = arith.muli %add3A_350, %mul3A_356 : i32
      %dma_start3A_358 = tpu.memref_slice %arg7[%mul3A_357] : memref<10000xi32, #tpu.memory_space<vmem>> -> memref<128xi32, #tpu.memory_space<vmem>>
      %dma_start3A_359 = arith.constant 0 : i32
      %dma_start3A_360 = tpu.memref_slice %arg11[%dma_start3A_359] : memref<10240xf32, #tpu.memory_space<vmem_shared>> -> memref<10240xf32, #tpu.memory_space<vmem_shared>>
      tpu.enqueue_indirect_dma source(%arg8 : memref<128xf32, #tpu.memory_space<vmem>>) target(%dma_start3A_360 : memref<10240xf32, #tpu.memory_space<vmem_shared>>) offsets(%dma_start3A_358 : memref<128xi32, #tpu.memory_space<vmem>>) semaphore(%arg21 : memref<!tpu.dma_semaphore, #tpu.memory_space<semaphore_mem>>) {add = true}
      %mul3A_361 = arith.constant 6 : i32
      %mul3A_362 = arith.muli %scan3A_305, %mul3A_361 : i32
      %add3A_363 = arith.constant 4 : i32
      %add3A_364 = arith.addi %mul3A_362, %add3A_363 : i32
      %mul3A_365 = arith.constant 128 : i32
      %mul3A_366 = arith.muli %add3A_364, %mul3A_365 : i32
      %dma_start3A_367 = tpu.memref_slice %arg6[%mul3A_366] : memref<10000xi32, #tpu.memory_space<vmem>> -> memref<128xi32, #tpu.memory_space<vmem>>
      %dma_start3A_368 = arith.constant 0 : i32
      %dma_start3A_369 = tpu.memref_slice %arg10[%dma_start3A_368] : memref<10240xf32, #tpu.memory_space<vmem_shared>> -> memref<10240xf32, #tpu.memory_space<vmem_shared>>
      tpu.enqueue_indirect_dma source(%arg8 : memref<128xf32, #tpu.memory_space<vmem>>) target(%dma_start3A_369 : memref<10240xf32, #tpu.memory_space<vmem_shared>>) offsets(%dma_start3A_367 : memref<128xi32, #tpu.memory_space<vmem>>) semaphore(%arg16 : memref<!tpu.dma_semaphore, #tpu.memory_space<semaphore_mem>>) {add = true}
      %mul3A_370 = arith.constant 128 : i32
      %mul3A_371 = arith.muli %add3A_364, %mul3A_370 : i32
      %dma_start3A_372 = tpu.memref_slice %arg7[%mul3A_371] : memref<10000xi32, #tpu.memory_space<vmem>> -> memref<128xi32, #tpu.memory_space<vmem>>
      %dma_start3A_373 = arith.constant 0 : i32
      %dma_start3A_374 = tpu.memref_slice %arg11[%dma_start3A_373] : memref<10240xf32, #tpu.memory_space<vmem_shared>> -> memref<10240xf32, #tpu.memory_space<vmem_shared>>
      tpu.enqueue_indirect_dma source(%arg8 : memref<128xf32, #tpu.memory_space<vmem>>) target(%dma_start3A_374 : memref<10240xf32, #tpu.memory_space<vmem_shared>>) offsets(%dma_start3A_372 : memref<128xi32, #tpu.memory_space<vmem>>) semaphore(%arg22 : memref<!tpu.dma_semaphore, #tpu.memory_space<semaphore_mem>>) {add = true}
      %mul3A_375 = arith.constant 6 : i32
      %mul3A_376 = arith.muli %scan3A_305, %mul3A_375 : i32
      %add3A_377 = arith.constant 5 : i32
      %add3A_378 = arith.addi %mul3A_376, %add3A_377 : i32
      %mul3A_379 = arith.constant 128 : i32
      %mul3A_380 = arith.muli %add3A_378, %mul3A_379 : i32
      %dma_start3A_381 = tpu.memref_slice %arg6[%mul3A_380] : memref<10000xi32, #tpu.memory_space<vmem>> -> memref<128xi32, #tpu.memory_space<vmem>>
      %dma_start3A_382 = arith.constant 0 : i32
      %dma_start3A_383 = tpu.memref_slice %arg10[%dma_start3A_382] : memref<10240xf32, #tpu.memory_space<vmem_shared>> -> memref<10240xf32, #tpu.memory_space<vmem_shared>>
      tpu.enqueue_indirect_dma source(%arg8 : memref<128xf32, #tpu.memory_space<vmem>>) target(%dma_start3A_383 : memref<10240xf32, #tpu.memory_space<vmem_shared>>) offsets(%dma_start3A_381 : memref<128xi32, #tpu.memory_space<vmem>>) semaphore(%arg17 : memref<!tpu.dma_semaphore, #tpu.memory_space<semaphore_mem>>) {add = true}
      %mul3A_384 = arith.constant 128 : i32
      %mul3A_385 = arith.muli %add3A_378, %mul3A_384 : i32
      %dma_start3A_386 = tpu.memref_slice %arg7[%mul3A_385] : memref<10000xi32, #tpu.memory_space<vmem>> -> memref<128xi32, #tpu.memory_space<vmem>>
      %dma_start3A_387 = arith.constant 0 : i32
      %dma_start3A_388 = tpu.memref_slice %arg11[%dma_start3A_387] : memref<10240xf32, #tpu.memory_space<vmem_shared>> -> memref<10240xf32, #tpu.memory_space<vmem_shared>>
      tpu.enqueue_indirect_dma source(%arg8 : memref<128xf32, #tpu.memory_space<vmem>>) target(%dma_start3A_388 : memref<10240xf32, #tpu.memory_space<vmem_shared>>) offsets(%dma_start3A_386 : memref<128xi32, #tpu.memory_space<vmem>>) semaphore(%arg23 : memref<!tpu.dma_semaphore, #tpu.memory_space<semaphore_mem>>) {add = true}
      %dma_wait3A = tpu.memref_slice %arg6[%mul3A_311] : memref<10000xi32, #tpu.memory_space<vmem>> -> memref<128xi32, #tpu.memory_space<vmem>>
      %dma_wait3A_389 = arith.constant 0 : i32
      %dma_wait3A_390 = tpu.memref_slice %arg10[%dma_wait3A_389] : memref<10240xf32, #tpu.memory_space<vmem_shared>> -> memref<10240xf32, #tpu.memory_space<vmem_shared>>
      tpu.wait_indirect_dma semaphore(%arg12 : memref<!tpu.dma_semaphore, #tpu.memory_space<semaphore_mem>>) src(%arg8 : memref<128xf32, #tpu.memory_space<vmem>>) dst(%dma_wait3A_390 : memref<10240xf32, #tpu.memory_space<vmem_shared>>)
      %dma_wait3A_391 = tpu.memref_slice %arg7[%mul3A_315] : memref<10000xi32, #tpu.memory_space<vmem>> -> memref<128xi32, #tpu.memory_space<vmem>>
      %dma_wait3A_392 = arith.constant 0 : i32
      %dma_wait3A_393 = tpu.memref_slice %arg11[%dma_wait3A_392] : memref<10240xf32, #tpu.memory_space<vmem_shared>> -> memref<10240xf32, #tpu.memory_space<vmem_shared>>
      tpu.wait_indirect_dma semaphore(%arg18 : memref<!tpu.dma_semaphore, #tpu.memory_space<semaphore_mem>>) src(%arg8 : memref<128xf32, #tpu.memory_space<vmem>>) dst(%dma_wait3A_393 : memref<10240xf32, #tpu.memory_space<vmem_shared>>)
      %dma_wait3A_394 = tpu.memref_slice %arg6[%mul3A_324] : memref<10000xi32, #tpu.memory_space<vmem>> -> memref<128xi32, #tpu.memory_space<vmem>>
      %dma_wait3A_395 = arith.constant 0 : i32
      %dma_wait3A_396 = tpu.memref_slice %arg10[%dma_wait3A_395] : memref<10240xf32, #tpu.memory_space<vmem_shared>> -> memref<10240xf32, #tpu.memory_space<vmem_shared>>
      tpu.wait_indirect_dma semaphore(%arg13 : memref<!tpu.dma_semaphore, #tpu.memory_space<semaphore_mem>>) src(%arg8 : memref<128xf32, #tpu.memory_space<vmem>>) dst(%dma_wait3A_396 : memref<10240xf32, #tpu.memory_space<vmem_shared>>)
      %dma_wait3A_397 = tpu.memref_slice %arg7[%mul3A_329] : memref<10000xi32, #tpu.memory_space<vmem>> -> memref<128xi32, #tpu.memory_space<vmem>>
      %dma_wait3A_398 = arith.constant 0 : i32
      %dma_wait3A_399 = tpu.memref_slice %arg11[%dma_wait3A_398] : memref<10240xf32, #tpu.memory_space<vmem_shared>> -> memref<10240xf32, #tpu.memory_space<vmem_shared>>
      tpu.wait_indirect_dma semaphore(%arg19 : memref<!tpu.dma_semaphore, #tpu.memory_space<semaphore_mem>>) src(%arg8 : memref<128xf32, #tpu.memory_space<vmem>>) dst(%dma_wait3A_399 : memref<10240xf32, #tpu.memory_space<vmem_shared>>)
      %dma_wait3A_400 = tpu.memref_slice %arg6[%mul3A_338] : memref<10000xi32, #tpu.memory_space<vmem>> -> memref<128xi32, #tpu.memory_space<vmem>>
      %dma_wait3A_401 = arith.constant 0 : i32
      %dma_wait3A_402 = tpu.memref_slice %arg10[%dma_wait3A_401] : memref<10240xf32, #tpu.memory_space<vmem_shared>> -> memref<10240xf32, #tpu.memory_space<vmem_shared>>
      tpu.wait_indirect_dma semaphore(%arg14 : memref<!tpu.dma_semaphore, #tpu.memory_space<semaphore_mem>>) src(%arg8 : memref<128xf32, #tpu.memory_space<vmem>>) dst(%dma_wait3A_402 : memref<10240xf32, #tpu.memory_space<vmem_shared>>)
      %dma_wait3A_403 = tpu.memref_slice %arg7[%mul3A_343] : memref<10000xi32, #tpu.memory_space<vmem>> -> memref<128xi32, #tpu.memory_space<vmem>>
      %dma_wait3A_404 = arith.constant 0 : i32
      %dma_wait3A_405 = tpu.memref_slice %arg11[%dma_wait3A_404] : memref<10240xf32, #tpu.memory_space<vmem_shared>> -> memref<10240xf32, #tpu.memory_space<vmem_shared>>
      tpu.wait_indirect_dma semaphore(%arg20 : memref<!tpu.dma_semaphore, #tpu.memory_space<semaphore_mem>>) src(%arg8 : memref<128xf32, #tpu.memory_space<vmem>>) dst(%dma_wait3A_405 : memref<10240xf32, #tpu.memory_space<vmem_shared>>)
      %dma_wait3A_406 = tpu.memref_slice %arg6[%mul3A_352] : memref<10000xi32, #tpu.memory_space<vmem>> -> memref<128xi32, #tpu.memory_space<vmem>>
      %dma_wait3A_407 = arith.constant 0 : i32
      %dma_wait3A_408 = tpu.memref_slice %arg10[%dma_wait3A_407] : memref<10240xf32, #tpu.memory_space<vmem_shared>> -> memref<10240xf32, #tpu.memory_space<vmem_shared>>
      tpu.wait_indirect_dma semaphore(%arg15 : memref<!tpu.dma_semaphore, #tpu.memory_space<semaphore_mem>>) src(%arg8 : memref<128xf32, #tpu.memory_space<vmem>>) dst(%dma_wait3A_408 : memref<10240xf32, #tpu.memory_space<vmem_shared>>)
      %dma_wait3A_409 = tpu.memref_slice %arg7[%mul3A_357] : memref<10000xi32, #tpu.memory_space<vmem>> -> memref<128xi32, #tpu.memory_space<vmem>>
      %dma_wait3A_410 = arith.constant 0 : i32
      %dma_wait3A_411 = tpu.memref_slice %arg11[%dma_wait3A_410] : memref<10240xf32, #tpu.memory_space<vmem_shared>> -> memref<10240xf32, #tpu.memory_space<vmem_shared>>
      tpu.wait_indirect_dma semaphore(%arg21 : memref<!tpu.dma_semaphore, #tpu.memory_space<semaphore_mem>>) src(%arg8 : memref<128xf32, #tpu.memory_space<vmem>>) dst(%dma_wait3A_411 : memref<10240xf32, #tpu.memory_space<vmem_shared>>)
      %dma_wait3A_412 = tpu.memref_slice %arg6[%mul3A_366] : memref<10000xi32, #tpu.memory_space<vmem>> -> memref<128xi32, #tpu.memory_space<vmem>>
      %dma_wait3A_413 = arith.constant 0 : i32
      %dma_wait3A_414 = tpu.memref_slice %arg10[%dma_wait3A_413] : memref<10240xf32, #tpu.memory_space<vmem_shared>> -> memref<10240xf32, #tpu.memory_space<vmem_shared>>
      tpu.wait_indirect_dma semaphore(%arg16 : memref<!tpu.dma_semaphore, #tpu.memory_space<semaphore_mem>>) src(%arg8 : memref<128xf32, #tpu.memory_space<vmem>>) dst(%dma_wait3A_414 : memref<10240xf32, #tpu.memory_space<vmem_shared>>)
      %dma_wait3A_415 = tpu.memref_slice %arg7[%mul3A_371] : memref<10000xi32, #tpu.memory_space<vmem>> -> memref<128xi32, #tpu.memory_space<vmem>>
      %dma_wait3A_416 = arith.constant 0 : i32
      %dma_wait3A_417 = tpu.memref_slice %arg11[%dma_wait3A_416] : memref<10240xf32, #tpu.memory_space<vmem_shared>> -> memref<10240xf32, #tpu.memory_space<vmem_shared>>
      tpu.wait_indirect_dma semaphore(%arg22 : memref<!tpu.dma_semaphore, #tpu.memory_space<semaphore_mem>>) src(%arg8 : memref<128xf32, #tpu.memory_space<vmem>>) dst(%dma_wait3A_417 : memref<10240xf32, #tpu.memory_space<vmem_shared>>)
      %dma_wait3A_418 = tpu.memref_slice %arg6[%mul3A_380] : memref<10000xi32, #tpu.memory_space<vmem>> -> memref<128xi32, #tpu.memory_space<vmem>>
      %dma_wait3A_419 = arith.constant 0 : i32
      %dma_wait3A_420 = tpu.memref_slice %arg10[%dma_wait3A_419] : memref<10240xf32, #tpu.memory_space<vmem_shared>> -> memref<10240xf32, #tpu.memory_space<vmem_shared>>
      tpu.wait_indirect_dma semaphore(%arg17 : memref<!tpu.dma_semaphore, #tpu.memory_space<semaphore_mem>>) src(%arg8 : memref<128xf32, #tpu.memory_space<vmem>>) dst(%dma_wait3A_420 : memref<10240xf32, #tpu.memory_space<vmem_shared>>)
      %dma_wait3A_421 = tpu.memref_slice %arg7[%mul3A_385] : memref<10000xi32, #tpu.memory_space<vmem>> -> memref<128xi32, #tpu.memory_space<vmem>>
      %dma_wait3A_422 = arith.constant 0 : i32
      %dma_wait3A_423 = tpu.memref_slice %arg11[%dma_wait3A_422] : memref<10240xf32, #tpu.memory_space<vmem_shared>> -> memref<10240xf32, #tpu.memory_space<vmem_shared>>
      tpu.wait_indirect_dma semaphore(%arg23 : memref<!tpu.dma_semaphore, #tpu.memory_space<semaphore_mem>>) src(%arg8 : memref<128xf32, #tpu.memory_space<vmem>>) dst(%dma_wait3A_423 : memref<10240xf32, #tpu.memory_space<vmem_shared>>)
    }
    %scan3A_295 = arith.constant 13 : i32
    %barrier3A_296 = arith.constant 0 : index
    tpu.barrier barrier_id(%barrier3A_296)
    %mul3A_297 = arith.constant 640 : i32
    %mul3A_298 = arith.muli %arg1, %mul3A_297 : i32
    %mul3A_299 = arith.constant 640 : i32
    %mul3A_300 = arith.muli %arg1, %mul3A_299 : i32
    "tpu.region"() ({
      %run_scoped3A = tpu.sem_alloc : memref<!tpu.dma_semaphore, #tpu.memory_space<semaphore_mem>>
      %dma_start3A = tpu.memref_slice %arg4[%arg0, %mul3A_300] : memref<2x10240xf32, #tpu.memory_space<hbm>> -> memref<1x640xf32, #tpu.memory_space<hbm>>
      %dma_start3A_305 = tpu.memref_squeeze %dma_start3A : memref<1x640xf32, #tpu.memory_space<hbm>> -> memref<640xf32, #tpu.memory_space<hbm>>
      %dma_start3A_306 = tpu.memref_slice %arg10[%mul3A_298] : memref<10240xf32, #tpu.memory_space<vmem_shared>> -> memref<640xf32, #tpu.memory_space<vmem_shared>>
      tpu.enqueue_dma source(%dma_start3A_306 : memref<640xf32, #tpu.memory_space<vmem_shared>>) target(%dma_start3A_305 : memref<640xf32, #tpu.memory_space<hbm>>) target_semaphore(%run_scoped3A : memref<!tpu.dma_semaphore, #tpu.memory_space<semaphore_mem>>)
      %dma_wait3A = tpu.memref_slice %arg4[%arg0, %mul3A_300] : memref<2x10240xf32, #tpu.memory_space<hbm>> -> memref<1x640xf32, #tpu.memory_space<hbm>>
      %dma_wait3A_307 = tpu.memref_squeeze %dma_wait3A : memref<1x640xf32, #tpu.memory_space<hbm>> -> memref<640xf32, #tpu.memory_space<hbm>>
      %dma_wait3A_308 = tpu.memref_slice %arg10[%mul3A_298] : memref<10240xf32, #tpu.memory_space<vmem_shared>> -> memref<640xf32, #tpu.memory_space<vmem_shared>>
      tpu.wait_dma2 semaphore(%run_scoped3A : memref<!tpu.dma_semaphore, #tpu.memory_space<semaphore_mem>>) src(%dma_wait3A_308 : memref<640xf32, #tpu.memory_space<vmem_shared>>) dst(%dma_wait3A_307 : memref<640xf32, #tpu.memory_space<hbm>>)
      tpu.yield
    }) : () -> ()
    %mul3A_301 = arith.constant 640 : i32
    %mul3A_302 = arith.muli %arg1, %mul3A_301 : i32
    %mul3A_303 = arith.constant 640 : i32
    %mul3A_304 = arith.muli %arg1, %mul3A_303 : i32
    "tpu.region"() ({
      %run_scoped3A = tpu.sem_alloc : memref<!tpu.dma_semaphore, #tpu.memory_space<semaphore_mem>>
      %dma_start3A = tpu.memref_slice %arg5[%arg0, %mul3A_304] : memref<2x10240xf32, #tpu.memory_space<hbm>> -> memref<1x640xf32, #tpu.memory_space<hbm>>
      %dma_start3A_305 = tpu.memref_squeeze %dma_start3A : memref<1x640xf32, #tpu.memory_space<hbm>> -> memref<640xf32, #tpu.memory_space<hbm>>
      %dma_start3A_306 = tpu.memref_slice %arg11[%mul3A_302] : memref<10240xf32, #tpu.memory_space<vmem_shared>> -> memref<640xf32, #tpu.memory_space<vmem_shared>>
      tpu.enqueue_dma source(%dma_start3A_306 : memref<640xf32, #tpu.memory_space<vmem_shared>>) target(%dma_start3A_305 : memref<640xf32, #tpu.memory_space<hbm>>) target_semaphore(%run_scoped3A : memref<!tpu.dma_semaphore, #tpu.memory_space<semaphore_mem>>)
      %dma_wait3A = tpu.memref_slice %arg5[%arg0, %mul3A_304] : memref<2x10240xf32, #tpu.memory_space<hbm>> -> memref<1x640xf32, #tpu.memory_space<hbm>>
      %dma_wait3A_307 = tpu.memref_squeeze %dma_wait3A : memref<1x640xf32, #tpu.memory_space<hbm>> -> memref<640xf32, #tpu.memory_space<hbm>>
      %dma_wait3A_308 = tpu.memref_slice %arg11[%mul3A_302] : memref<10240xf32, #tpu.memory_space<vmem_shared>> -> memref<640xf32, #tpu.memory_space<vmem_shared>>
      tpu.wait_dma2 semaphore(%run_scoped3A : memref<!tpu.dma_semaphore, #tpu.memory_space<semaphore_mem>>) src(%dma_wait3A_308 : memref<640xf32, #tpu.memory_space<vmem_shared>>) dst(%dma_wait3A_307 : memref<640xf32, #tpu.memory_space<hbm>>)
      tpu.yield
    }) : () -> ()
    return
  }
}

module attributes {stable_mosaic.version = 14 : i64} {
  func.func @body(%arg0: memref<5000x256xf32, #tpu.memory_space<vmem>>, %arg1: memref<256x128xf32, #tpu.memory_space<vmem>>, %arg2: memref<5000x128xf32, #tpu.memory_space<vmem>>, %arg3: memref<5000x128xf32, #tpu.memory_space<vmem>>) attributes {dimension_semantics = [], scalar_prefetch = 0 : i64, scratch_operands = 0 : i64, tpu.core_type = #tpu.core_type<tc>} {
    %get3A = arith.constant 0 : index
    %get3A_0 = arith.constant 0 : index
    %get3A_1 = vector.load %arg0[%get3A, %get3A_0] : memref<5000x256xf32, #tpu.memory_space<vmem>>, vector<5000x256xf32>
    %get3A_2 = arith.constant 0 : index
    %get3A_3 = arith.constant 0 : index
    %get3A_4 = vector.load %arg1[%get3A_2, %get3A_3] : memref<256x128xf32, #tpu.memory_space<vmem>>, vector<256x128xf32>
    %dot_general3A = arith.constant dense<0.000000e+00> : vector<5000x128xf32>
    %dot_general3A_5 = tpu.matmul %get3A_1, %get3A_4, %dot_general3A {dimension_numbers = #tpu.dot_dimension_numbers<[1], [0], [0], [1], [0, 0, 1, 1], [], []>, transpose_lhs_hint = false} : vector<5000x256xf32>, vector<256x128xf32>, vector<5000x128xf32> -> vector<5000x128xf32>
    %get3A_6 = arith.constant 0 : index
    %get3A_7 = arith.constant 0 : index
    %get3A_8 = vector.load %arg2[%get3A_6, %get3A_7] : memref<5000x128xf32, #tpu.memory_space<vmem>>, vector<5000x128xf32>
    %mul3A = arith.mulf %dot_general3A_5, %get3A_8 : vector<5000x128xf32>
    %swap3A = arith.constant 0 : index
    %swap3A_9 = arith.constant 0 : index
    %swap3A_10 = vector.load %arg3[%swap3A, %swap3A_9] : memref<5000x128xf32, #tpu.memory_space<vmem>>, vector<5000x128xf32>
    tpu.vector_store %arg3[%swap3A, %swap3A_9], %mul3A {strides = array<i32>} : memref<5000x128xf32, #tpu.memory_space<vmem>>, vector<5000x128xf32>,
    return
  }
}

module attributes {stable_mosaic.version = 14 : i64} {
  func.func @body(%arg0: memref<5000x128xf32, #tpu.memory_space<vmem>>, %arg1: memref<5000x128xf32, #tpu.memory_space<vmem>>, %arg2: memref<1x128xf32, #tpu.memory_space<vmem>>, %arg3: memref<128x128xf32, #tpu.memory_space<vmem>>, %arg4: memref<5000x128xf32, #tpu.memory_space<vmem>>, %arg5: memref<5000x128xf32, #tpu.memory_space<vmem>>) attributes {dimension_semantics = [], scalar_prefetch = 0 : i64, scratch_operands = 0 : i64, tpu.core_type = #tpu.core_type<tc>} {
    %get3A = arith.constant 0 : index
    %get3A_0 = arith.constant 0 : index
    %get3A_1 = vector.load %arg0[%get3A, %get3A_0] : memref<5000x128xf32, #tpu.memory_space<vmem>>, vector<5000x128xf32>
    %get3A_2 = arith.constant 0 : index
    %get3A_3 = arith.constant 0 : index
    %get3A_4 = vector.load %arg1[%get3A_2, %get3A_3] : memref<5000x128xf32, #tpu.memory_space<vmem>>, vector<5000x128xf32>
    %mul3A = arith.mulf %get3A_1, %get3A_4 : vector<5000x128xf32>
    %get3A_5 = arith.constant 0 : index
    %get3A_6 = arith.constant 0 : index
    %get3A_7 = vector.load %arg2[%get3A_5, %get3A_6] : memref<1x128xf32, #tpu.memory_space<vmem>>, vector<1x128xf32>
    %add3A = vector.broadcast %get3A_7 : vector<1x128xf32> to vector<5000x128xf32>
    %add3A_8 = arith.addf %mul3A, %add3A : vector<5000x128xf32>
    %max3A = arith.constant 0.000000e+00 : f32
    %max3A_9 = vector.broadcast %max3A : f32 to vector<5000x128xf32>
    %max3A_10 = arith.maximumf %add3A_8, %max3A_9 : vector<5000x128xf32>
    %get3A_11 = arith.constant 0 : index
    %get3A_12 = arith.constant 0 : index
    %get3A_13 = vector.load %arg3[%get3A_11, %get3A_12] : memref<128x128xf32, #tpu.memory_space<vmem>>, vector<128x128xf32>
    %dot_general3A = arith.constant dense<0.000000e+00> : vector<5000x128xf32>
    %dot_general3A_14 = tpu.matmul %max3A_10, %get3A_13, %dot_general3A {dimension_numbers = #tpu.dot_dimension_numbers<[1], [0], [0], [1], [0, 0, 1, 1], [], []>, transpose_lhs_hint = false} : vector<5000x128xf32>, vector<128x128xf32>, vector<5000x128xf32> -> vector<5000x128xf32>
    %get3A_15 = arith.constant 0 : index
    %get3A_16 = arith.constant 0 : index
    %get3A_17 = vector.load %arg4[%get3A_15, %get3A_16] : memref<5000x128xf32, #tpu.memory_space<vmem>>, vector<5000x128xf32>
    %mul3A_18 = arith.mulf %dot_general3A_14, %get3A_17 : vector<5000x128xf32>
    %swap3A = arith.constant 0 : index
    %swap3A_19 = arith.constant 0 : index
    %swap3A_20 = vector.load %arg5[%swap3A, %swap3A_19] : memref<5000x128xf32, #tpu.memory_space<vmem>>, vector<5000x128xf32>
    tpu.vector_store %arg5[%swap3A, %swap3A_19], %mul3A_18 {strides = array<i32>} : memref<5000x128xf32, #tpu.memory_space<vmem>>, vector<5000x128xf32>,
    return
  }
}

module attributes {stable_mosaic.version = 14 : i64} {
  func.func @body(%arg0: memref<5000x128xf32, #tpu.memory_space<vmem>>, %arg1: memref<5000x128xf32, #tpu.memory_space<vmem>>, %arg2: memref<1x128xf32, #tpu.memory_space<vmem>>, %arg3: memref<64x16xf32, #tpu.memory_space<vmem>>, %arg4: memref<1x16xf32, #tpu.memory_space<vmem>>, %arg5: memref<64x16xf32, #tpu.memory_space<vmem>>, %arg6: memref<1x16xf32, #tpu.memory_space<vmem>>, %arg7: memref<2x16xf32, #tpu.memory_space<vmem>>) attributes {dimension_semantics = [], scalar_prefetch = 0 : i64, scratch_operands = 0 : i64, tpu.core_type = #tpu.core_type<tc>} {
    %get3A = arith.constant 0 : index
    %get3A_0 = arith.constant 0 : index
    %get3A_1 = vector.load %arg0[%get3A, %get3A_0] : memref<5000x128xf32, #tpu.memory_space<vmem>>, vector<5000x128xf32>
    %get3A_2 = arith.constant 0 : index
    %get3A_3 = arith.constant 0 : index
    %get3A_4 = vector.load %arg1[%get3A_2, %get3A_3] : memref<5000x128xf32, #tpu.memory_space<vmem>>, vector<5000x128xf32>
    %mul3A = arith.mulf %get3A_1, %get3A_4 : vector<5000x128xf32>
    %get3A_5 = arith.constant 0 : index
    %get3A_6 = arith.constant 0 : index
    %get3A_7 = vector.load %arg2[%get3A_5, %get3A_6] : memref<1x128xf32, #tpu.memory_space<vmem>>, vector<1x128xf32>
    %add3A = vector.broadcast %get3A_7 : vector<1x128xf32> to vector<5000x128xf32>
    %add3A_8 = arith.addf %mul3A, %add3A : vector<5000x128xf32>
    %max3A = arith.constant 0.000000e+00 : f32
    %max3A_9 = vector.broadcast %max3A : f32 to vector<5000x128xf32>
    %max3A_10 = arith.maximumf %add3A_8, %max3A_9 : vector<5000x128xf32>
    %reduce_sum3A = arith.constant dense<0.000000e+00> : vector<128xf32>
    %reduce_sum3A_11 = vector.multi_reduction <add>, %max3A_10, %reduce_sum3A [0] : vector<5000x128xf32> to vector<128xf32>
    %broadcast_in_dim3A = vector.shape_cast %reduce_sum3A_11 : vector<128xf32> to vector<1x128xf32>
    %slice3A = vector.extract_strided_slice %broadcast_in_dim3A {offsets = [0, 0], sizes = [1, 64], strides = [1, 1]} : vector<1x128xf32> to vector<1x64xf32>
    %slice3A_12 = vector.extract_strided_slice %broadcast_in_dim3A {offsets = [0, 64], sizes = [1, 64], strides = [1, 1]} : vector<1x128xf32> to vector<1x64xf32>
    %add3A_13 = arith.addf %slice3A, %slice3A_12 : vector<1x64xf32>
    %mul3A_14 = arith.constant 9.99999974E-5 : f32
    %mul3A_15 = vector.broadcast %mul3A_14 : f32 to vector<1x64xf32>
    %mul3A_16 = arith.mulf %add3A_13, %mul3A_15 : vector<1x64xf32>
    %get3A_17 = arith.constant 0 : index
    %get3A_18 = arith.constant 0 : index
    %get3A_19 = vector.load %arg3[%get3A_17, %get3A_18] : memref<64x16xf32, #tpu.memory_space<vmem>>, vector<64x16xf32>
    %dot_general3A = arith.constant dense<0.000000e+00> : vector<1x16xf32>
    %dot_general3A_20 = tpu.matmul %mul3A_16, %get3A_19, %dot_general3A {dimension_numbers = #tpu.dot_dimension_numbers<[1], [0], [0], [1], [0, 0, 1, 1], [], []>, transpose_lhs_hint = false} : vector<1x64xf32>, vector<64x16xf32>, vector<1x16xf32> -> vector<1x16xf32>
    %get3A_21 = arith.constant 0 : index
    %get3A_22 = arith.constant 0 : index
    %get3A_23 = vector.load %arg5[%get3A_21, %get3A_22] : memref<64x16xf32, #tpu.memory_space<vmem>>, vector<64x16xf32>
    %dot_general3A_24 = arith.constant dense<0.000000e+00> : vector<1x16xf32>
    %dot_general3A_25 = tpu.matmul %mul3A_16, %get3A_23, %dot_general3A_24 {dimension_numbers = #tpu.dot_dimension_numbers<[1], [0], [0], [1], [0, 0, 1, 1], [], []>, transpose_lhs_hint = false} : vector<1x64xf32>, vector<64x16xf32>, vector<1x16xf32> -> vector<1x16xf32>
    %get3A_26 = arith.constant 0 : index
    %get3A_27 = arith.constant 0 : index
    %get3A_28 = vector.load %arg4[%get3A_26, %get3A_27] : memref<1x16xf32, #tpu.memory_space<vmem>>, vector<1x16xf32>
    %add3A_29 = arith.addf %dot_general3A_20, %get3A_28 : vector<1x16xf32>
    %get3A_30 = arith.constant 0 : index
    %get3A_31 = arith.constant 0 : index
    %get3A_32 = vector.load %arg6[%get3A_30, %get3A_31] : memref<1x16xf32, #tpu.memory_space<vmem>>, vector<1x16xf32>
    %add3A_33 = arith.addf %dot_general3A_25, %get3A_32 : vector<1x16xf32>
    %concatenate3A = tpu.concatenate %add3A_29, %add3A_33 in 0 : vector<1x16xf32>, vector<1x16xf32> -> vector<2x16xf32>
    %swap3A = arith.constant 0 : index
    %swap3A_34 = arith.constant 0 : index
    %swap3A_35 = vector.load %arg7[%swap3A, %swap3A_34] : memref<2x16xf32, #tpu.memory_space<vmem>>, vector<2x16xf32>
    tpu.vector_store %arg7[%swap3A, %swap3A_34], %concatenate3A {strides = array<i32>} : memref<2x16xf32, #tpu.memory_space<vmem>>, vector<2x16xf32>,
    return
  }
}

</mosaic_0001>

<sc_bundles>
// kernel: kernel.11.cloned.1.call-start
scs
__scs_entry_jumppad:
0x0: {  	(pc) =	sbr.rel $0x88, $3  }
0x1: {  	(tag) =	ssettag $0x0;
	lr =	simm.s32 $0x1  }
0x2: {  	[smem:$0x3F97] =	sst lr;
	_ =	strace $0xD0000000  }
0x3: {  	_ = 	snop  }
0x4: {  	_ = 	snop  }
0x5: {  	_ = 	snop  }
0x6: {  	_ = 	snop  }
0x7: {  	_ = 	snop  }
__scs_overlays_trampoline_lowered:
0x8: {  	[smem:$0x3FA6] =	sst s0  }
0x9: {  	[smem:$0x3FA7] =	sst s1  }
0xa: {  	[smem:$0x3FA8] =	sst s2  }
0xb: {  	[smem:$0x3FA9] =	sst s3  }
0xc: {  	[smem:$0x3FAA] =	sst s4  }
0xd: {  	[smem:$0x3FAB] =	sst s5  }
0xe: {  	[smem:$0x3FAC] =	sst s6  }
0xf: {  	[smem:$0x3FAD] =	sst s7  }
0x10: {  	[smem:$0x3FAE] =	sst s8  }
0x11: {  	[smem:$0x3FAF] =	sst s9;
	s0 =	simm.s32 @!p0 $0x0  }
0x12: {  	s1 =	sld [smem:$0x3F95];
	s0 =	simm.s32 @p0 $0x1  }
0x13: {  	[smem:$0x3FB0] =	sst s0;
	s0 =	simm.s32 @!p1 $0x0  }
0x14: {  	s2 =	sld [smem:$0x3F94];
	s0 =	simm.s32 @p1 $0x1  }
0x15: {  	[smem:$0x3FB1] =	sst s0;
	s0 =	simm.s32 @!p2 $0x0  }
0x16: {  	s3 =	sld [smem:$0x3FDB];
	s0 =	simm.s32 @p2 $0x1  }
0x17: {  	s4 =	simm.s32 $0x1BF5;
	[smem:$0x3FB3] =	sst s0  }
0x18: {  	s0 =	sld [smem:$0x3F96];
	_ =	swait.ge [sflag:s4], $0x0  }
0x19: {  	s7 =	sld [smem:$0x3F97]  }
0x1a: {  	s8 =	sadd.s32 $0xFFFFE003, lr  }
0x1b: {  	s9 =	sadd.s32 $0xFFFFFEF7, lr;
	s5 =	simm.s32 $0xFFFFFFFF;
	p2 =	slt.u32 s8, $0xFFFFF086  }
0x1c: {  	p1 =	slt.u32 s9, $0xF7A;
	s5 =	simm.s32 @!p2 $0x0  }
0x1d: {  	s5 =	simm.s32 @p1 $0x1;
	p0 =	seq.s32 s7, s2  }
0x1e: {  	s7 =	smul.u32 @!p0 $0xF7A, s2;
	p2 =	seq.s32 @!p0 s5, $0x0  }
0x1f: {  	s9 =	smul.u32 $0xF7A, s1;
	s8 =	simm.s32 @!p0 $0x1BF5;
	p2 =	por !p2, p0  }
0x20: {  	[sflag:s8] =	ssyncset.s32 @!p0 $0xFFFFF086;
	s6 =	sadd.s32 @!p0 s3, s7;
	s7 =	simm.s32 @!p0 $0x108  }
0x21: {  	s3 =	sadd.s32 s3, s9;
	s6 =	sadd.s32 @!p0 $0x88, s6;
	s7 =	simm.s32 @p2 $0x1082  }
0x22: {  	[simem:s7], [sflag:s8] =	dma.local @!p0 [hbm:s6], $0xF7A  }
0x23: {  	s9 =	sor.u32 $0xD0000000, s2;
	s6 =	simm.s32 $0x108;
	_ =	swait.ge @!p0 [sflag:s8], $0x0  }
0x24: {  	s3 =	sadd.s32 $0x88, s3;
	s6 =	simm.s32 @!p1 $0x1082;
	[sflag:s4] =	ssyncset.s32 $0xFFFFF086  }
0x25: {  	[simem:s6], [sflag:s4] =	dma.local [hbm:s3], $0xF7A  }
0x26: {  	[smem:$0x3F97] =	sst s1;
	(tag) =	ssettag s2;
	_ =	strace s9  }
0x27: {  	s1 =	sld [smem:$0x3FA7]  }
0x28: {  	s2 =	sld [smem:$0x3FA8]  }
0x29: {  	s4 =	sld [smem:$0x3FAA]  }
0x2a: {  	p0 =	seq.s32 s5, $0x0;
	s5 =	sld [smem:$0x3FAB]  }
0x2b: {  	s6 =	sld [smem:$0x3FAC]  }
0x2c: {  	s7 =	sld [smem:$0x3FAD]  }
0x2d: {  	s3 =	simm.s32 $0x108;
	s8 =	sld [smem:$0x3FAE]  }
0x2e: {  	s3 =	simm.s32 @!p0 $0x1082;
	s9 =	sld [smem:$0x3FAF]  }
0x2f: {  	lr =	sadd.s32 s0, s3;
	s0 =	sld [smem:$0x3FA6]  }
0x30: {  	s3 =	sld [smem:$0x3FA9]  }
0x31: {  	[smem:$0x3FB2] =	sst s10  }
0x32: {  	s10 =	sld [smem:$0x3FB0];
	_ =	sdelay $0x3  }
0x33: {  	p0 =	seq.s32 s10, $0x1;
	s10 =	sld [smem:$0x3FB2];
	_ =	sdelay $0x3  }
0x34: {  	[smem:$0x3FB2] =	sst s10  }
0x35: {  	s10 =	sld [smem:$0x3FB1];
	_ =	sdelay $0x3  }
0x36: {  	p1 =	seq.s32 s10, $0x1;
	s10 =	sld [smem:$0x3FB2];
	_ =	sdelay $0x3  }
0x37: {  	[smem:$0x3FB2] =	sst s10  }
0x38: {  	s10 =	sld [smem:$0x3FB3]  }
0x39: {  	_ = 	snop;
	(pc) =	sbr.ind lr, $3  }
0x3a: {  	_ = 	snop  }
0x3b: {  	_ = 	snop  }
0x3c: {  	p2 =	seq.s32 s10, $0x1;
	s10 =	sld [smem:$0x3FB2]  }
0x3d: {  	_ =	shalt  }
0x3e: {  	_ =	shalt  }
0x3f: {  	_ =	shalt  }
0x40: {  	_ =	shalt  }
0x41: {  	_ =	shalt  }
0x42: {  	_ =	shalt  }
0x43: {  	_ =	shalt  }
0x44: {  	_ =	shalt  }
0x45: {  	_ =	shalt  }
0x46: {  	_ =	shalt  }
0x47: {  	_ =	shalt  }
0x48: {  	_ =	shalt  }
0x49: {  	_ =	shalt  }
0x4a: {  	_ =	shalt  }
0x4b: {  	_ =	shalt  }
0x4c: {  	_ =	shalt  }
0x4d: {  	_ =	shalt  }
0x4e: {  	_ =	shalt  }
0x4f: {  	_ =	shalt  }
0x50: {  	_ =	shalt  }
0x51: {  	_ =	shalt  }
0x52: {  	_ =	shalt  }
0x53: {  	_ =	shalt  }
0x54: {  	_ =	shalt  }
0x55: {  	_ =	shalt  }
0x56: {  	_ =	shalt  }
0x57: {  	_ =	shalt  }
0x58: {  	_ =	shalt  }
0x59: {  	_ =	shalt  }
0x5a: {  	_ =	shalt  }
0x5b: {  	_ =	shalt  }
0x5c: {  	_ =	shalt  }
0x5d: {  	_ =	shalt  }
0x5e: {  	_ =	shalt  }
0x5f: {  	_ =	shalt  }
0x60: {  	_ =	shalt  }
0x61: {  	_ =	shalt  }
0x62: {  	_ =	shalt  }
0x63: {  	_ =	shalt  }
0x64: {  	_ =	shalt  }
0x65: {  	_ =	shalt  }
0x66: {  	_ =	shalt  }
0x67: {  	_ =	shalt  }
0x68: {  	_ =	shalt  }
0x69: {  	_ =	shalt  }
0x6a: {  	_ =	shalt  }
0x6b: {  	_ =	shalt  }
0x6c: {  	_ =	shalt  }
0x6d: {  	_ =	shalt  }
0x6e: {  	_ =	shalt  }
0x6f: {  	_ =	shalt  }
0x70: {  	_ =	shalt  }
0x71: {  	_ =	shalt  }
0x72: {  	_ =	shalt  }
0x73: {  	_ =	shalt  }
0x74: {  	_ =	shalt  }
0x75: {  	_ =	shalt  }
0x76: {  	_ =	shalt  }
0x77: {  	_ =	shalt  }
0x78: {  	_ =	shalt  }
0x79: {  	_ =	shalt  }
0x7a: {  	_ =	shalt  }
0x7b: {  	_ =	shalt  }
0x7c: {  	_ =	shalt  }
0x7d: {  	_ =	shalt  }
0x7e: {  	_ =	shalt  }
0x7f: {  	_ =	shalt  }
0x80: {  	_ =	shalt  }
0x81: {  	_ =	shalt  }
0x82: {  	_ =	shalt  }
0x83: {  	_ =	shalt  }
0x84: {  	_ =	shalt  }
0x85: {  	_ =	shalt  }
0x86: {  	_ =	shalt  }
0x87: {  	_ =	shalt  }
.Lfunc_end0:
.L_simem_size_0:
called_computation.1_lowered:
.L_overlay_start_0:
0x88: {  	s2 =	sld [smem:$0x3FD9]  }
0x89: {  	s3 =	sld [smem:$0x3FFE];
	_ =	sdelay $0x1  }
0x8a: {  	s1 =	srdreg.scid  }
0x8b: {  	s0 =	sand.u32 $0x1, s1  }
0x8c: {  	s16 =	sshll.u32 s0, $0xA;
	s2 =	sadd.s32 s3, s2  }
0x8d: {  	s2 =	sadd.s32 s2, s16  }
0x8e: {  	[smem:$0x3FBE] =	sst s2  }
0x8f: {  	_ = 	snop  }
0x90: {  	(tm) =	ssettm $0x1  }
0x91: {  	s17 =	sld [smem:$0x3FFB];
	_ =	sdelay $0x3  }
0x92: {  	_ =	strace s17  }
0x93: {  	s2 =	sld [smem:$0x3FFC];
	_ =	sdelay $0x3  }
0x94: {  	_ =	strace s2  }
0x95: {  	s2 =	sld [smem:$0x3FFD];
	_ =	sdelay $0x3  }
0x96: {  	_ =	strace s2  }
0x97: {  	_ =	strace $0x8FFFFFFF  }
0x98: {  	s18 =	sld [smem:$0x3FDB];
	_ =	sdelay $0x1  }
0x99: {  	s19 =	simm.s32 $_scs_section_size  }
0x9a: {  	s4 =	simm.s32 $_size__tile_overlayer_lowered;
	s5 =	simm.s32 $_tile_overlayer_lowered  }
0x9b: {  	s22 =	simm.s32 $0x1BFF;
	s21 =	sshll.u32 s5, $0x1;
	s2 =	sadd.s32 s19, s18  }
0x9c: {  	s6 =	simm.s32 $0x0;
	s20 =	sshll.u32 s4, $0x1;
	s4 =	sadd.s32 s21, s2  }
0x9d: {  	[timem:s6], [sflag:s22] =	dma.local [hbm:s4], s20  }
0x9e: {  	_ =	swait.ge [sflag:s22], s20  }
0x9f: {  	s3 =	ssub.s32 $0x0, s20;
	[sflag:s22] =	ssyncset.done $0x0  }
0xa0: {  	[sflag:s22] =	ssyncadd.s32 s3;
	_ =	sdelay $0x1  }
0xa1: {  	s23 =	simm.s32 $0x1B8B  }
0xa2: {  	_ =	swait.ge [sflag:s23], $0x1  }
0xa3: {  	[sflag:s23] =	ssyncset.done $0x0  }
0xa4: {  	s25 =	simm.s32 $0x1B8E;
	s24 =	sld [smem:$0x3FFE];
	[sflag:s23] =	ssyncadd.s32 $0xFFFFFFFF  }
0xa5: {  	s26 =	simm.s32 $execute0_lowered;
	[smem:$0x3FD2] =	sst s25  }
0xa6: {  	s4 =	sshll.u32 s26, $0x1;
	_ =	strace $0x80000049;
	[dreg:$0x1] =	wrdreg $0xFFFFFFFF  }
0xa7: {  	s28 =	simm.s32 $_size_execute0_lowered;
	s2 =	sadd.s32 s2, s4;
	[dreg:$0x0] =	wrdreg $0x0  }
0xa8: {  	s4 =	sshll.u32 s28, $0x1;
	[dreg:$0x2] =	wrdreg s2  }
0xa9: {  	[dreg:$0x3] =	wrdreg s4  }
0xaa: {  	[dreg:$0x4] =	wrdreg $0xC0  }
0xab: {  	_ =	task [dreg:s6], $0x5FFFF  }
0xac: {  	[dreg:$0x1] =	wrdreg $0xFFFFFFFF  }
0xad: {  	[dreg:$0x0] =	wrdreg $0x60  }
0xae: {  	[dreg:$0x2] =	wrdreg s24  }
0xaf: {  	[dreg:$0x3] =	wrdreg $0x52200  }
0xb0: {  	[dreg:$0x4] =	wrdreg $0x9  }
0xb1: {  	_ =	task.clear_ibuf [dreg:s6], $0x5FFFF;
	_ =	strace $0x90000049  }
0xb2: {  	s29 =	simm.s32 $0x9;
	_ =	strace $0x8000004B  }
0xb3: {  	_ =	swait.ge [sflag:s29], $0x1  }
0xb4: {  	[sflag:s29] =	ssyncadd.s32 $0xFFFFFFFF  }
0xb5: {  	_ =	strace $0x9000004B  }
0xb6: {  	_ =	sfence  }
0xb7: {  	s30 =	sld [smem:$0x0];
	_ =	sdelay $0x2  }
0xb8: {  	s31 =	sshll.u32 s1, $0xD;
	s1 =	sshrl.u32 s1, $0x2  }
0xb9: {  	s3 =	sand.u32 $0x4000, s31;
	s1 =	sadd.s32 s1, s30  }
0xba: {  	s0 =	sor.u32 s3, s0;
	s1 =	sshll.u32 s1, $0x11  }
0xbb: {  	s0 =	sor.u32 s1, s0  }
0xbc: {  	s0 =	sadd.s32 $0x8F2B, s0  }
0xbd: {  	[sflag:s0] =	ssyncadd.remote.s32 $0x1  }
0xbe: {  	_ =	sfence.sel $0xFFFF  }
0xbf: {  	[dreg:$0x0] =	wrdreg $0xFFFFFFFF;
	(pc) =	sbr.abs _section_cstart, $3  }
0xc0: {  	[dreg:$0x1] =	wrdreg $0xFFFFFFFF  }
0xc1: {  	_ =	task.clear_ibuf [dreg:s6], $0x2FFFF;
	_ =	strace $0x9FFFFFFF  }
0xc2: {  	(tm) =	ssettm $0x7FFFFFFF  }
0xc3: {  	_ =	shalt  }
tec
execute0_lowered:
.L_overlay_start_1:
0x0: {  	(tag) =	ssettag $0x1  }
0x1: {  	s0 =	srdreg.scid  }
0x2: {  	s11 =	stileid.u32;
	s5 =	rddreg [dreg:$0x0]  }
0x3: {  	s2 =	rddreg [dreg:$0x1];
	s3 =	simm.s32 $0x0;
	s12 =	simm.s32 $0x7  }
0x4: {  	s14 =	simm.s32 $0x10;
	s16 =	simm.s32 $0x4E20;
	s18 =	simm.s32 $0x80  }
0x5: {  	s19 =	simm.s32 $0xEE60;
	s22 =	simm.s32 $0x12E60;
	s29 =	simm.s32 $0x18E60  }
0x6: {  	s30 =	simm.s32 $0x1;
	s31 =	simm.s32 $0x3;
	s13 =	simm.s32 $0x0  }
0x7: {  	s0 =	sand.u32 $0x1, s0;
	s6 =	smul.u32 $0x9C40, s11;
	[smem:$0x7FF] =	sst s3  }
0x8: {  	s4 =	sadd.s32 $0x16C00, s5;
	s24 =	sshll.u32 s11, $0x6;
	s1 =	sshll.u32 s0, $0x4  }
0x9: {  	s7 =	smul.u32 $0x9C400, s0;
	_ =	strace $0x8000004A;
	s0 =	ssub.s32 $0x2, s0  }
0xa: {  	s1 =	sor.u32 s11, s1;
	s8 =	sshrl.u32 s6, $0x3;
	s9 =	sshrl.u32 s0, $0x1  }
0xb: {  	s25 =	sadd.s32 s6, s2;
	s1 =	smul.u32 $0x4E2, s1;
	s7 =	sadd.s32 s6, s7  }
0xc: {  	s8 =	sadd.s32 s8, s5;
	s0 =	ssub.s32 s0, s9;
	s6 =	sor.u32 $0x1C07, s24  }
.Ltmp0:
0xd: {  	s11 =	sshrl.u32 s25, $0x3;
	s7 =	sshrl.u32 s7, $0x3;
	(pc) =	sbr.rel .LBB2_1-.Ltmp0, $4  }
0xe: {  	s26 =	sadd.s32 $0x2A600, s8;
	s1 =	sadd.s32 s1, s5;
	s10 =	sadd.s32 s7, s5  }
0xf: {  	[dreg:$0x3] =	wrdreg s26;
	s26 =	simm.s32 $0x16E60;
	s28 =	sadd.s32 $0xBA00, s1  }
0x10: {  	s8 =	sadd.s32 $0x1C00, s1;
	s9 =	sadd.s32 $0x3E000, s10;
	s10 =	smax.u32 s0, $0x1  }
0x11: {  	s1 =	simm.s32 $0x5;
	s0 =	simm.s32 $0x6;
	[dreg:$0x4] =	wrdreg s28  }
.LBB2_4:
0x12: {  	_ =	swait.ge [sflag:s0], $0x2000  }
0x13: {  	[sflag:s0] =	ssyncset.done $0x0  }
0x14: {  	[sflag:s0] =	ssyncadd.s32 $0xFFFFE000  }
0x15: {  	[spmem:s2] =	stream.indirect.scatter.add.f32 [tilespmem:s29], [sflag:$0x7], $0x40, s20, s18, $0xb8;
	[tilespmem:$0x1AE60] =	vst v63  }
0x16: {  	_ =	swait.ge [sflag:s12], $0x2000  }
0x17: {  	s13 =	sadd.s32 $0x1, s13;
	[sflag:s12] =	ssyncset.done $0x0  }
0x18: {  	p0 =	sne.s32 s13, s10;
	[sflag:s12] =	ssyncadd.s32 $0xFFFFE000  }
.Ltmp1:
0x19: {  	[bflag:$0x0] =	sbarrier.arrive $0xFFFF;
	(pc) =	sbr.rel @!p0 .LBB2_5-.Ltmp1, $4  }
0x1a: {  	[hbm:s9], [sflag:s6] =	dma.local [spmem:s11], $0x1388  }
0x1b: {  	_ =	swait.ge [sflag:s12], $0x1388  }
0x1c: {  	[sflag:s12] =	ssyncset.done $0x0  }
0x1d: {  	[sflag:s12] =	ssyncadd.s32 $0xFFFFEC78  }
.LBB2_1:
0x1e: {  	s5 =	rddreg [dreg:$0x3]  }
0x1f: {  	[spmem:s11], [sflag:s6] =	dma.local [hbm:s5], $0x1388  }
0x20: {  	_ =	swait.ge [sflag:s12], $0x1388  }
0x21: {  	[sflag:s12] =	ssyncset.done $0x0  }
0x22: {  	s7 =	rddreg [dreg:$0x4];
	[sflag:s12] =	ssyncadd.s32 $0xFFFFEC78  }
0x23: {  	[tilespmem:s3], [sflag:$0x7] =	stream.linear.gather [hbm4b:s7+s3], $0x2710, $0x38;
	[tilespmem:$0x1AE60] =	vst v63  }
0x24: {  	_ =	swait.ge [sflag:s12], $0x2710  }
0x25: {  	[sflag:s12] =	ssyncset.done $0x0  }
0x26: {  	s15 =	simm.s32 $0x2710;
	[sflag:s12] =	ssyncadd.s32 $0xFFFFD8F0  }
0x27: {  	[tilespmem:s15], [sflag:$0x7] =	stream.linear.gather [hbm4b:s8+s3], $0x2710, $0x38;
	[tilespmem:$0x1AE60] =	vst v63  }
0x28: {  	_ =	swait.ge [sflag:s12], $0x2710  }
0x29: {  	[sflag:s12] =	ssyncset.done $0x0  }
0x2a: {  	[sflag:s12] =	ssyncadd.s32 $0xFFFFD8F0  }
0x2b: {  	s17 =	simm.s32 $0x2700;
	[bflag:$0x0] =	sbarrier.arrive $0xFFFF  }
0x2c: {  	[tilespmem:s16], [sflag:$0x7] =	stream.indirect.gather [hbm4b:s4+s14], $0x40, s17, s14, $0xb8;
	[tilespmem:$0x1AE60] =	vst v63  }
0x2d: {  	_ =	swait.ge [sflag:s12], $0x400  }
0x2e: {  	[sflag:s12] =	ssyncset.done $0x0  }
0x2f: {  	s20 =	simm.s32 $0x4E10;
	[sflag:s12] =	ssyncadd.s32 $0xFFFFFC00  }
0x30: {  	[spmem:s2] =	stream.indirect.scatter.add.f32 [tilespmem:s16], [sflag:$0x7], $0x40, s20, s14, $0xb8;
	[tilespmem:$0x1AE60] =	vst v63  }
0x31: {  	_ =	swait.ge [sflag:s12], $0x400  }
0x32: {  	[sflag:s12] =	ssyncset.done $0x0  }
0x33: {  	[sflag:s12] =	ssyncadd.s32 $0xFFFFFC00  }
0x34: {  	[tilespmem:s19], [sflag:$0x1] =	stream.indirect.gather [hbm4b:s4+s18], $0x40, s3, s18, $0xb8;
	[tilespmem:$0x1AE60] =	vst v63  }
0x35: {  	s21 =	simm.s32 $0x10E60  }
0x36: {  	[tilespmem:s21], [sflag:$0x2] =	stream.indirect.gather [hbm4b:s4+s18], $0x40, s18, s18, $0xb8;
	[tilespmem:$0x1AE60] =	vst v63  }
0x37: {  	s23 =	simm.s32 $0x100  }
0x38: {  	[tilespmem:s22], [sflag:$0x3] =	stream.indirect.gather [hbm4b:s4+s18], $0x40, s23, s18, $0xb8;
	[tilespmem:$0x1AE60] =	vst v63  }
0x39: {  	s24 =	simm.s32 $0x180;
	s7 =	simm.s32 $0x14E60  }
0x3a: {  	[tilespmem:s7], [sflag:$0x4] =	stream.indirect.gather [hbm4b:s4+s18], $0x40, s24, s18, $0xb8;
	[tilespmem:$0x1AE60] =	vst v63  }
0x3b: {  	s25 =	simm.s32 $0x200  }
0x3c: {  	[tilespmem:s26], [sflag:$0x5] =	stream.indirect.gather [hbm4b:s4+s18], $0x40, s25, s18, $0xb8;
	[tilespmem:$0x1AE60] =	vst v63  }
0x3d: {  	s28 =	simm.s32 $0x280;
	s15 =	simm.s32 $0x0  }
0x3e: {  	[tilespmem:s29], [sflag:$0x6] =	stream.indirect.gather [hbm4b:s4+s18], $0x40, s28, s18, $0xb8;
	[tilespmem:$0x1AE60] =	vst v63  }
.LBB2_2:
0x3f: {  	_ =	swait.ge [sflag:s30], $0x2000  }
0x40: {  	s17 =	sshra.s32 s15, $0x2;
	[sflag:s30] =	ssyncset.done $0x0  }
0x41: {  	s20 =	sadd.s32 $0x2710, s17;
	[sflag:s30] =	ssyncadd.s32 $0xFFFFE000  }
0x42: {  	[spmem:s2] =	stream.indirect.scatter.add.f32 [tilespmem:s19], [sflag:$0x7], $0x40, s20, s18, $0xb8;
	[tilespmem:$0x1AE60] =	vst v63  }
0x43: {  	_ =	swait.ge [sflag:s12], $0x2000  }
0x44: {  	p0 =	seq.s32 s15, $0x9000;
	[sflag:s12] =	ssyncset.done $0x0  }
0x45: {  	s20 =	simm.s32 @p0 $0x2;
	[sflag:s12] =	ssyncadd.s32 $0xFFFFE000  }
0x46: {  	_ =	swait.ge @p0 [sflag:s20], $0x2000  }
0x47: {  	[sflag:s20] =	ssyncset.done @p0 $0x0  }
0x48: {  	[sflag:s20] =	ssyncadd.s32 @p0 $0xFFFFE000;
	s20 =	sshra.s32 @p0 s15, $0x2  }
0x49: {  	s23 =	simm.s32 @p0 $0x80;
	s24 =	simm.s32 @p0 $0x10E60;
	s21 =	sadd.s32 @p0 $0x2790, s20  }
0x4a: {  	[spmem:s2] =	stream.indirect.scatter.add.f32 @p0 [tilespmem:s24], [sflag:$0x7], $0x40, s21, s23, $0xb8;
	[tilespmem:$0x1AE60] =	vst v63  }
0x4b: {  	s21 =	simm.s32 @p0 $0x7  }
0x4c: {  	_ =	swait.ge @p0 [sflag:s21], $0x2000  }
0x4d: {  	s28 =	simm.s32 @!p0 $0x80;
	s24 =	sshra.s32 @!p0 s15, $0x2;
	[sflag:s21] =	ssyncset.done @p0 $0x0  }
0x4e: {  	s5 =	simm.s32 @!p0 $0xEE60;
	s25 =	sadd.s32 @!p0 $0x300, s24;
	[sflag:s21] =	ssyncadd.s32 @p0 $0xFFFFE000  }
0x4f: {  	[tilespmem:s5], [sflag:$0x1] =	stream.indirect.gather @!p0 [hbm4b:s4+s28], $0x40, s25, s28, $0xb8;
	[tilespmem:$0x1AE60] =	vst v63  }
0x50: {  	s5 =	simm.s32 @!p0 $0x2  }
0x51: {  	_ =	swait.ge @!p0 [sflag:s5], $0x2000  }
0x52: {  	[sflag:s5] =	ssyncset.done @!p0 $0x0  }
0x53: {  	s25 =	simm.s32 @!p0 $0x10E60;
	[sflag:s5] =	ssyncadd.s32 @!p0 $0xFFFFE000;
	s5 =	sadd.s32 @!p0 $0x2790, s24  }
0x54: {  	[spmem:s2] =	stream.indirect.scatter.add.f32 @!p0 [tilespmem:s25], [sflag:$0x7], $0x40, s5, s28, $0xb8;
	[tilespmem:$0x1AE60] =	vst v63  }
0x55: {  	s5 =	simm.s32 @!p0 $0x7  }
0x56: {  	_ =	swait.ge @!p0 [sflag:s5], $0x2000  }
0x57: {  	[sflag:s5] =	ssyncset.done @!p0 $0x0  }
0x58: {  	s7 =	sadd.s32 @!p0 $0x380, s24;
	[sflag:s5] =	ssyncadd.s32 @!p0 $0xFFFFE000  }
0x59: {  	[tilespmem:s25], [sflag:$0x2] =	stream.indirect.gather @!p0 [hbm4b:s4+s28], $0x40, s7, s28, $0xb8;
	[tilespmem:$0x1AE60] =	vst v63  }
0x5a: {  	_ =	swait.ge [sflag:s31], $0x2000  }
0x5b: {  	[sflag:s31] =	ssyncset.done $0x0  }
0x5c: {  	s25 =	sadd.s32 $0x2810, s17;
	[sflag:s31] =	ssyncadd.s32 $0xFFFFE000  }
0x5d: {  	[spmem:s2] =	stream.indirect.scatter.add.f32 [tilespmem:s22], [sflag:$0x7], $0x40, s25, s18, $0xb8;
	[tilespmem:$0x1AE60] =	vst v63  }
0x5e: {  	_ =	swait.ge [sflag:s12], $0x2000  }
0x5f: {  	[sflag:s12] =	ssyncset.done $0x0  }
0x60: {  	s7 =	simm.s32 @p0 $0x4;
	[sflag:s12] =	ssyncadd.s32 $0xFFFFE000  }
0x61: {  	_ =	swait.ge @p0 [sflag:s7], $0x2000  }
0x62: {  	[sflag:s7] =	ssyncset.done @p0 $0x0  }
0x63: {  	[sflag:s7] =	ssyncadd.s32 @p0 $0xFFFFE000;
	s7 =	sadd.s32 @p0 $0x2890, s20;
	s20 =	simm.s32 @p0 $0x14E60  }
0x64: {  	[spmem:s2] =	stream.indirect.scatter.add.f32 @p0 [tilespmem:s20], [sflag:$0x7], $0x40, s7, s23, $0xb8;
	[tilespmem:$0x1AE60] =	vst v63  }
0x65: {  	_ =	swait.ge @p0 [sflag:s21], $0x2000  }
0x66: {  	[sflag:s21] =	ssyncset.done @p0 $0x0  }
0x67: {  	s7 =	sadd.s32 @!p0 $0x400, s24;
	s20 =	simm.s32 @!p0 $0x12E60;
	[sflag:s21] =	ssyncadd.s32 @p0 $0xFFFFE000  }
0x68: {  	[tilespmem:s20], [sflag:$0x3] =	stream.indirect.gather @!p0 [hbm4b:s4+s28], $0x40, s7, s28, $0xb8;
	[tilespmem:$0x1AE60] =	vst v63  }
0x69: {  	s7 =	simm.s32 @!p0 $0x4  }
0x6a: {  	_ =	swait.ge @!p0 [sflag:s7], $0x2000  }
0x6b: {  	[sflag:s7] =	ssyncset.done @!p0 $0x0  }
0x6c: {  	s20 =	simm.s32 @!p0 $0x14E60;
	[sflag:s7] =	ssyncadd.s32 @!p0 $0xFFFFE000;
	s7 =	sadd.s32 @!p0 $0x2890, s24  }
0x6d: {  	[spmem:s2] =	stream.indirect.scatter.add.f32 @!p0 [tilespmem:s20], [sflag:$0x7], $0x40, s7, s28, $0xb8;
	[tilespmem:$0x1AE60] =	vst v63  }
0x6e: {  	_ =	swait.ge @!p0 [sflag:s5], $0x2000  }
0x6f: {  	[sflag:s5] =	ssyncset.done @!p0 $0x0  }
0x70: {  	[sflag:s5] =	ssyncadd.s32 @!p0 $0xFFFFE000;
	s5 =	sadd.s32 @!p0 $0x480, s24  }
0x71: {  	[tilespmem:s20], [sflag:$0x4] =	stream.indirect.gather @!p0 [hbm4b:s4+s28], $0x40, s5, s28, $0xb8;
	[tilespmem:$0x1AE60] =	vst v63  }
0x72: {  	_ =	swait.ge [sflag:s1], $0x2000  }
0x73: {  	[sflag:s1] =	ssyncset.done $0x0  }
.Ltmp2:
0x74: {  	s28 =	sadd.s32 $0x2910, s17;
	[sflag:s1] =	ssyncadd.s32 $0xFFFFE000;
	(pc) =	sbr.rel @p0 .LBB2_4-.Ltmp2, $4  }
0x75: {  	[spmem:s2] =	stream.indirect.scatter.add.f32 [tilespmem:s26], [sflag:$0x7], $0x40, s28, s18, $0xb8;
	[tilespmem:$0x1AE60] =	vst v63  }
0x76: {  	_ =	swait.ge [sflag:s12], $0x2000  }
0x77: {  	[sflag:s12] =	ssyncset.done $0x0  }
0x78: {  	s20 =	sadd.s32 $0x2990, s17;
	[sflag:s12] =	ssyncadd.s32 $0xFFFFE000  }
0x79: {  	s5 =	sadd.s32 $0x500, s17  }
0x7a: {  	[tilespmem:s26], [sflag:$0x5] =	stream.indirect.gather [hbm4b:s4+s18], $0x40, s5, s18, $0xb8;
	[tilespmem:$0x1AE60] =	vst v63  }
0x7b: {  	_ =	swait.ge [sflag:s0], $0x2000  }
0x7c: {  	[sflag:s0] =	ssyncset.done $0x0  }
0x7d: {  	[sflag:s0] =	ssyncadd.s32 $0xFFFFE000  }
0x7e: {  	[spmem:s2] =	stream.indirect.scatter.add.f32 [tilespmem:s29], [sflag:$0x7], $0x40, s20, s18, $0xb8;
	[tilespmem:$0x1AE60] =	vst v63  }
.Ltmp3:
0x7f: {  	_ = 	snop;
	(pc) =	sbr.rel .LBB2_2-.Ltmp3, $4  }
0x80: {  	_ =	swait.ge [sflag:s12], $0x2000  }
0x81: {  	[sflag:s12] =	ssyncset.done $0x0  }
0x82: {  	s28 =	sadd.s32 $0x580, s17;
	s15 =	sadd.s32 $0xC00, s15;
	[sflag:s12] =	ssyncadd.s32 $0xFFFFE000  }
0x83: {  	[tilespmem:s29], [sflag:$0x6] =	stream.indirect.gather [hbm4b:s4+s18], $0x40, s28, s18, $0xb8;
	[tilespmem:$0x1AE60] =	vst v63  }
.LBB2_5:
0x84: {  	_ =	sfence.sel $0x180000  }
0x85: {  	[bflag:$0x0] =	sbarrier.arrive $0xFFFF  }
0x86: {  	_ =	strace $0x9000004A  }
0x87: {  	s0 =	stileid.u32;
	[bflag:$0x2] =	sbarrier.arrive $0xFFFF  }
0x88: {  	p0 =	sne.s32 s0, $0x0;
	s0 =	rddreg [dreg:$0x2]  }
0x89: {  	s0 =	sadd.s32 @!p0 $0x100000, s0  }
0x8a: {  	[sflag:s0] =	ssyncadd.tile.s32 @!p0 $0x1;
	_ =	shalt  }
.Lfunc_end2:
_tile_overlayer_lowered:
.L_overlay_start_2:
0x8b: {  	(tag) =	ssettag $0x2  }
0x8c: {  	s0 =	rddreg [dreg:$0x0];
	s2 =	stileid.u32  }
0x8d: {  	s1 =	rddreg [dreg:$0x1];
	p0 =	sne.s32 s2, $0x0  }
0x8e: {  	s3 =	rddreg [dreg:$0x2];
	[bflag:$0x3] =	sbarrier.arrive $0xFFFF;
	s2 =	simm.s32 @!p0 $0x1C07  }
0x8f: {  	[timem:s3], [sflag:s2] =	dma.local @!p0 [hbm:s0], s1  }
0x90: {  	s0 =	simm.s32 @!p0 $0x7  }
0x91: {  	_ =	swait.ge @!p0 [sflag:s0], s1  }
0x92: {  	s1 =	ssub.s32 @!p0 $0x0, s1;
	[sflag:s0] =	ssyncset.done @!p0 $0x0  }
0x93: {  	[sflag:s0] =	ssyncadd.s32 @!p0 s1  }
0x94: {  	[bflag:$0x3] =	sbarrier.arrive $0xFFFF  }
0x95: {  	_ =	shalt  }

// kernel: kernel.14.cloned.1.call-start
scs
__scs_entry_jumppad:
0x0: {  	(pc) =	sbr.rel $0x88, $3  }
0x1: {  	(tag) =	ssettag $0x0;
	lr =	simm.s32 $0x1  }
0x2: {  	[smem:$0x3F97] =	sst lr;
	_ =	strace $0xD0000000  }
0x3: {  	_ = 	snop  }
0x4: {  	_ = 	snop  }
0x5: {  	_ = 	snop  }
0x6: {  	_ = 	snop  }
0x7: {  	_ = 	snop  }
__scs_overlays_trampoline_lowered:
0x8: {  	[smem:$0x3FA6] =	sst s0  }
0x9: {  	[smem:$0x3FA7] =	sst s1  }
0xa: {  	[smem:$0x3FA8] =	sst s2  }
0xb: {  	[smem:$0x3FA9] =	sst s3  }
0xc: {  	[smem:$0x3FAA] =	sst s4  }
0xd: {  	[smem:$0x3FAB] =	sst s5  }
0xe: {  	[smem:$0x3FAC] =	sst s6  }
0xf: {  	[smem:$0x3FAD] =	sst s7  }
0x10: {  	[smem:$0x3FAE] =	sst s8  }
0x11: {  	[smem:$0x3FAF] =	sst s9;
	s0 =	simm.s32 @!p0 $0x0  }
0x12: {  	s1 =	sld [smem:$0x3F95];
	s0 =	simm.s32 @p0 $0x1  }
0x13: {  	[smem:$0x3FB0] =	sst s0;
	s0 =	simm.s32 @!p1 $0x0  }
0x14: {  	s2 =	sld [smem:$0x3F94];
	s0 =	simm.s32 @p1 $0x1  }
0x15: {  	[smem:$0x3FB1] =	sst s0;
	s0 =	simm.s32 @!p2 $0x0  }
0x16: {  	s3 =	sld [smem:$0x3FDB];
	s0 =	simm.s32 @p2 $0x1  }
0x17: {  	s4 =	simm.s32 $0x1BF5;
	[smem:$0x3FB3] =	sst s0  }
0x18: {  	s0 =	sld [smem:$0x3F96];
	_ =	swait.ge [sflag:s4], $0x0  }
0x19: {  	s7 =	sld [smem:$0x3F97]  }
0x1a: {  	s8 =	sadd.s32 $0xFFFFE003, lr  }
0x1b: {  	s9 =	sadd.s32 $0xFFFFFEF7, lr;
	s5 =	simm.s32 $0xFFFFFFFF;
	p2 =	slt.u32 s8, $0xFFFFF086  }
0x1c: {  	p1 =	slt.u32 s9, $0xF7A;
	s5 =	simm.s32 @!p2 $0x0  }
0x1d: {  	s5 =	simm.s32 @p1 $0x1;
	p0 =	seq.s32 s7, s2  }
0x1e: {  	s7 =	smul.u32 @!p0 $0xF7A, s2;
	p2 =	seq.s32 @!p0 s5, $0x0  }
0x1f: {  	s9 =	smul.u32 $0xF7A, s1;
	s8 =	simm.s32 @!p0 $0x1BF5;
	p2 =	por !p2, p0  }
0x20: {  	[sflag:s8] =	ssyncset.s32 @!p0 $0xFFFFF086;
	s6 =	sadd.s32 @!p0 s3, s7;
	s7 =	simm.s32 @!p0 $0x108  }
0x21: {  	s3 =	sadd.s32 s3, s9;
	s6 =	sadd.s32 @!p0 $0x88, s6;
	s7 =	simm.s32 @p2 $0x1082  }
0x22: {  	[simem:s7], [sflag:s8] =	dma.local @!p0 [hbm:s6], $0xF7A  }
0x23: {  	s9 =	sor.u32 $0xD0000000, s2;
	s6 =	simm.s32 $0x108;
	_ =	swait.ge @!p0 [sflag:s8], $0x0  }
0x24: {  	s3 =	sadd.s32 $0x88, s3;
	s6 =	simm.s32 @!p1 $0x1082;
	[sflag:s4] =	ssyncset.s32 $0xFFFFF086  }
0x25: {  	[simem:s6], [sflag:s4] =	dma.local [hbm:s3], $0xF7A  }
0x26: {  	[smem:$0x3F97] =	sst s1;
	(tag) =	ssettag s2;
	_ =	strace s9  }
0x27: {  	s1 =	sld [smem:$0x3FA7]  }
0x28: {  	s2 =	sld [smem:$0x3FA8]  }
0x29: {  	s4 =	sld [smem:$0x3FAA]  }
0x2a: {  	p0 =	seq.s32 s5, $0x0;
	s5 =	sld [smem:$0x3FAB]  }
0x2b: {  	s6 =	sld [smem:$0x3FAC]  }
0x2c: {  	s7 =	sld [smem:$0x3FAD]  }
0x2d: {  	s3 =	simm.s32 $0x108;
	s8 =	sld [smem:$0x3FAE]  }
0x2e: {  	s3 =	simm.s32 @!p0 $0x1082;
	s9 =	sld [smem:$0x3FAF]  }
0x2f: {  	lr =	sadd.s32 s0, s3;
	s0 =	sld [smem:$0x3FA6]  }
0x30: {  	s3 =	sld [smem:$0x3FA9]  }
0x31: {  	[smem:$0x3FB2] =	sst s10  }
0x32: {  	s10 =	sld [smem:$0x3FB0];
	_ =	sdelay $0x3  }
0x33: {  	p0 =	seq.s32 s10, $0x1;
	s10 =	sld [smem:$0x3FB2];
	_ =	sdelay $0x3  }
0x34: {  	[smem:$0x3FB2] =	sst s10  }
0x35: {  	s10 =	sld [smem:$0x3FB1];
	_ =	sdelay $0x3  }
0x36: {  	p1 =	seq.s32 s10, $0x1;
	s10 =	sld [smem:$0x3FB2];
	_ =	sdelay $0x3  }
0x37: {  	[smem:$0x3FB2] =	sst s10  }
0x38: {  	s10 =	sld [smem:$0x3FB3]  }
0x39: {  	_ = 	snop;
	(pc) =	sbr.ind lr, $3  }
0x3a: {  	_ = 	snop  }
0x3b: {  	_ = 	snop  }
0x3c: {  	p2 =	seq.s32 s10, $0x1;
	s10 =	sld [smem:$0x3FB2]  }
0x3d: {  	_ =	shalt  }
0x3e: {  	_ =	shalt  }
0x3f: {  	_ =	shalt  }
0x40: {  	_ =	shalt  }
0x41: {  	_ =	shalt  }
0x42: {  	_ =	shalt  }
0x43: {  	_ =	shalt  }
0x44: {  	_ =	shalt  }
0x45: {  	_ =	shalt  }
0x46: {  	_ =	shalt  }
0x47: {  	_ =	shalt  }
0x48: {  	_ =	shalt  }
0x49: {  	_ =	shalt  }
0x4a: {  	_ =	shalt  }
0x4b: {  	_ =	shalt  }
0x4c: {  	_ =	shalt  }
0x4d: {  	_ =	shalt  }
0x4e: {  	_ =	shalt  }
0x4f: {  	_ =	shalt  }
0x50: {  	_ =	shalt  }
0x51: {  	_ =	shalt  }
0x52: {  	_ =	shalt  }
0x53: {  	_ =	shalt  }
0x54: {  	_ =	shalt  }
0x55: {  	_ =	shalt  }
0x56: {  	_ =	shalt  }
0x57: {  	_ =	shalt  }
0x58: {  	_ =	shalt  }
0x59: {  	_ =	shalt  }
0x5a: {  	_ =	shalt  }
0x5b: {  	_ =	shalt  }
0x5c: {  	_ =	shalt  }
0x5d: {  	_ =	shalt  }
0x5e: {  	_ =	shalt  }
0x5f: {  	_ =	shalt  }
0x60: {  	_ =	shalt  }
0x61: {  	_ =	shalt  }
0x62: {  	_ =	shalt  }
0x63: {  	_ =	shalt  }
0x64: {  	_ =	shalt  }
0x65: {  	_ =	shalt  }
0x66: {  	_ =	shalt  }
0x67: {  	_ =	shalt  }
0x68: {  	_ =	shalt  }
0x69: {  	_ =	shalt  }
0x6a: {  	_ =	shalt  }
0x6b: {  	_ =	shalt  }
0x6c: {  	_ =	shalt  }
0x6d: {  	_ =	shalt  }
0x6e: {  	_ =	shalt  }
0x6f: {  	_ =	shalt  }
0x70: {  	_ =	shalt  }
0x71: {  	_ =	shalt  }
0x72: {  	_ =	shalt  }
0x73: {  	_ =	shalt  }
0x74: {  	_ =	shalt  }
0x75: {  	_ =	shalt  }
0x76: {  	_ =	shalt  }
0x77: {  	_ =	shalt  }
0x78: {  	_ =	shalt  }
0x79: {  	_ =	shalt  }
0x7a: {  	_ =	shalt  }
0x7b: {  	_ =	shalt  }
0x7c: {  	_ =	shalt  }
0x7d: {  	_ =	shalt  }
0x7e: {  	_ =	shalt  }
0x7f: {  	_ =	shalt  }
0x80: {  	_ =	shalt  }
0x81: {  	_ =	shalt  }
0x82: {  	_ =	shalt  }
0x83: {  	_ =	shalt  }
0x84: {  	_ =	shalt  }
0x85: {  	_ =	shalt  }
0x86: {  	_ =	shalt  }
0x87: {  	_ =	shalt  }
.Lfunc_end0:
.L_simem_size_0:
called_computation.2_lowered:
.L_overlay_start_0:
0x88: {  	s2 =	sld [smem:$0x3FD9]  }
0x89: {  	s3 =	sld [smem:$0x3FFE];
	_ =	sdelay $0x1  }
0x8a: {  	s1 =	srdreg.scid  }
0x8b: {  	s0 =	sand.u32 $0x1, s1  }
0x8c: {  	s16 =	sshll.u32 s0, $0xA;
	s2 =	sadd.s32 s3, s2  }
0x8d: {  	s2 =	sadd.s32 s2, s16  }
0x8e: {  	[smem:$0x3FBE] =	sst s2  }
0x8f: {  	_ = 	snop  }
0x90: {  	(tm) =	ssettm $0x1  }
0x91: {  	s17 =	sld [smem:$0x3FFB];
	_ =	sdelay $0x3  }
0x92: {  	_ =	strace s17  }
0x93: {  	s2 =	sld [smem:$0x3FFC];
	_ =	sdelay $0x3  }
0x94: {  	_ =	strace s2  }
0x95: {  	s2 =	sld [smem:$0x3FFD];
	_ =	sdelay $0x3  }
0x96: {  	_ =	strace s2  }
0x97: {  	_ =	strace $0x8FFFFFFF  }
0x98: {  	s18 =	sld [smem:$0x3FDB];
	_ =	sdelay $0x1  }
0x99: {  	s19 =	simm.s32 $_scs_section_size  }
0x9a: {  	s4 =	simm.s32 $_size__tile_overlayer_lowered;
	s5 =	simm.s32 $_tile_overlayer_lowered  }
0x9b: {  	s22 =	simm.s32 $0x1BFF;
	s21 =	sshll.u32 s5, $0x1;
	s2 =	sadd.s32 s19, s18  }
0x9c: {  	s6 =	simm.s32 $0x0;
	s20 =	sshll.u32 s4, $0x1;
	s4 =	sadd.s32 s21, s2  }
0x9d: {  	[timem:s6], [sflag:s22] =	dma.local [hbm:s4], s20  }
0x9e: {  	_ =	swait.ge [sflag:s22], s20  }
0x9f: {  	s3 =	ssub.s32 $0x0, s20;
	[sflag:s22] =	ssyncset.done $0x0  }
0xa0: {  	[sflag:s22] =	ssyncadd.s32 s3;
	_ =	sdelay $0x1  }
0xa1: {  	s23 =	simm.s32 $0x1B8B  }
0xa2: {  	_ =	swait.ge [sflag:s23], $0x1  }
0xa3: {  	[sflag:s23] =	ssyncset.done $0x0  }
0xa4: {  	s25 =	simm.s32 $0x1B8E;
	s24 =	sld [smem:$0x3FFE];
	[sflag:s23] =	ssyncadd.s32 $0xFFFFFFFF  }
0xa5: {  	s26 =	simm.s32 $execute0_lowered;
	[smem:$0x3FD2] =	sst s25  }
0xa6: {  	s4 =	sshll.u32 s26, $0x1;
	_ =	strace $0x8000004C;
	[dreg:$0x1] =	wrdreg $0xFFFFFFFF  }
0xa7: {  	s28 =	simm.s32 $_size_execute0_lowered;
	s2 =	sadd.s32 s2, s4;
	[dreg:$0x0] =	wrdreg $0x0  }
0xa8: {  	s4 =	sshll.u32 s28, $0x1;
	[dreg:$0x2] =	wrdreg s2  }
0xa9: {  	[dreg:$0x3] =	wrdreg s4  }
0xaa: {  	[dreg:$0x4] =	wrdreg $0xC0  }
0xab: {  	_ =	task [dreg:s6], $0x5FFFF  }
0xac: {  	[dreg:$0x1] =	wrdreg $0xFFFFFFFF  }
0xad: {  	[dreg:$0x0] =	wrdreg $0x60  }
0xae: {  	[dreg:$0x2] =	wrdreg s24  }
0xaf: {  	[dreg:$0x3] =	wrdreg $0x52200  }
0xb0: {  	[dreg:$0x4] =	wrdreg $0x9  }
0xb1: {  	_ =	task.clear_ibuf [dreg:s6], $0x5FFFF;
	_ =	strace $0x9000004C  }
0xb2: {  	s29 =	simm.s32 $0x9;
	_ =	strace $0x8000004E  }
0xb3: {  	_ =	swait.ge [sflag:s29], $0x1  }
0xb4: {  	[sflag:s29] =	ssyncadd.s32 $0xFFFFFFFF  }
0xb5: {  	_ =	strace $0x9000004E  }
0xb6: {  	_ =	sfence  }
0xb7: {  	s30 =	sld [smem:$0x0];
	_ =	sdelay $0x2  }
0xb8: {  	s31 =	sshll.u32 s1, $0xD;
	s1 =	sshrl.u32 s1, $0x2  }
0xb9: {  	s3 =	sand.u32 $0x4000, s31;
	s1 =	sadd.s32 s1, s30  }
0xba: {  	s0 =	sor.u32 s3, s0;
	s1 =	sshll.u32 s1, $0x11  }
0xbb: {  	s0 =	sor.u32 s1, s0  }
0xbc: {  	s0 =	sadd.s32 $0x8F2B, s0  }
0xbd: {  	[sflag:s0] =	ssyncadd.remote.s32 $0x1  }
0xbe: {  	_ =	sfence.sel $0xFFFF  }
0xbf: {  	[dreg:$0x0] =	wrdreg $0xFFFFFFFF;
	(pc) =	sbr.abs _section_cstart, $3  }
0xc0: {  	[dreg:$0x1] =	wrdreg $0xFFFFFFFF  }
0xc1: {  	_ =	task.clear_ibuf [dreg:s6], $0x2FFFF;
	_ =	strace $0x9FFFFFFF  }
0xc2: {  	(tm) =	ssettm $0x7FFFFFFF  }
0xc3: {  	_ =	shalt  }
tec
execute0_lowered:
.L_overlay_start_1:
0x0: {  	(tag) =	ssettag $0x1  }
0x1: {  	s0 =	srdreg.scid  }
0x2: {  	s11 =	stileid.u32;
	s5 =	rddreg [dreg:$0x0]  }
0x3: {  	s2 =	rddreg [dreg:$0x1];
	s3 =	simm.s32 $0x0;
	s12 =	simm.s32 $0x7  }
0x4: {  	s14 =	simm.s32 $0x10;
	s16 =	simm.s32 $0x4E20;
	s18 =	simm.s32 $0x80  }
0x5: {  	s19 =	simm.s32 $0xEE60;
	s22 =	simm.s32 $0x12E60;
	s29 =	simm.s32 $0x18E60  }
0x6: {  	s30 =	simm.s32 $0x1;
	s31 =	simm.s32 $0x3;
	s13 =	simm.s32 $0x0  }
0x7: {  	s0 =	sand.u32 $0x1, s0;
	s6 =	smul.u32 $0x9C40, s11;
	[smem:$0x7FF] =	sst s3  }
0x8: {  	s4 =	sadd.s32 $0x15800, s5;
	s24 =	sshll.u32 s11, $0x6;
	s1 =	sshll.u32 s0, $0x4  }
0x9: {  	s7 =	smul.u32 $0x9C400, s0;
	_ =	strace $0x8000004D;
	s0 =	ssub.s32 $0x2, s0  }
0xa: {  	s1 =	sor.u32 s11, s1;
	s8 =	sshrl.u32 s6, $0x3;
	s9 =	sshrl.u32 s0, $0x1  }
0xb: {  	s25 =	sadd.s32 s6, s2;
	s1 =	smul.u32 $0x4E2, s1;
	s7 =	sadd.s32 s6, s7  }
0xc: {  	s8 =	sadd.s32 s8, s5;
	s0 =	ssub.s32 s0, s9;
	s6 =	sor.u32 $0x1C07, s24  }
.Ltmp0:
0xd: {  	s11 =	sshrl.u32 s25, $0x3;
	s7 =	sshrl.u32 s7, $0x3;
	(pc) =	sbr.rel .LBB2_1-.Ltmp0, $4  }
0xe: {  	s26 =	sadd.s32 $0x2A600, s8;
	s1 =	sadd.s32 s1, s5;
	s10 =	sadd.s32 s7, s5  }
0xf: {  	[dreg:$0x3] =	wrdreg s26;
	s26 =	simm.s32 $0x16E60;
	s28 =	sadd.s32 $0xBA00, s1  }
0x10: {  	s8 =	sadd.s32 $0x1C00, s1;
	s9 =	sadd.s32 $0x3E000, s10;
	s10 =	smax.u32 s0, $0x1  }
0x11: {  	s1 =	simm.s32 $0x5;
	s0 =	simm.s32 $0x6;
	[dreg:$0x4] =	wrdreg s28  }
.LBB2_4:
0x12: {  	_ =	swait.ge [sflag:s0], $0x2000  }
0x13: {  	[sflag:s0] =	ssyncset.done $0x0  }
0x14: {  	[sflag:s0] =	ssyncadd.s32 $0xFFFFE000  }
0x15: {  	[spmem:s2] =	stream.indirect.scatter.add.f32 [tilespmem:s29], [sflag:$0x7], $0x40, s20, s18, $0xb8;
	[tilespmem:$0x1AE60] =	vst v63  }
0x16: {  	_ =	swait.ge [sflag:s12], $0x2000  }
0x17: {  	s13 =	sadd.s32 $0x1, s13;
	[sflag:s12] =	ssyncset.done $0x0  }
0x18: {  	p0 =	sne.s32 s13, s10;
	[sflag:s12] =	ssyncadd.s32 $0xFFFFE000  }
.Ltmp1:
0x19: {  	[bflag:$0x0] =	sbarrier.arrive $0xFFFF;
	(pc) =	sbr.rel @!p0 .LBB2_5-.Ltmp1, $4  }
0x1a: {  	[hbm:s9], [sflag:s6] =	dma.local [spmem:s11], $0x1388  }
0x1b: {  	_ =	swait.ge [sflag:s12], $0x1388  }
0x1c: {  	[sflag:s12] =	ssyncset.done $0x0  }
0x1d: {  	[sflag:s12] =	ssyncadd.s32 $0xFFFFEC78  }
.LBB2_1:
0x1e: {  	s5 =	rddreg [dreg:$0x3]  }
0x1f: {  	[spmem:s11], [sflag:s6] =	dma.local [hbm:s5], $0x1388  }
0x20: {  	_ =	swait.ge [sflag:s12], $0x1388  }
0x21: {  	[sflag:s12] =	ssyncset.done $0x0  }
0x22: {  	s7 =	rddreg [dreg:$0x4];
	[sflag:s12] =	ssyncadd.s32 $0xFFFFEC78  }
0x23: {  	[tilespmem:s3], [sflag:$0x7] =	stream.linear.gather [hbm4b:s7+s3], $0x2710, $0x38;
	[tilespmem:$0x1AE60] =	vst v63  }
0x24: {  	_ =	swait.ge [sflag:s12], $0x2710  }
0x25: {  	[sflag:s12] =	ssyncset.done $0x0  }
0x26: {  	s15 =	simm.s32 $0x2710;
	[sflag:s12] =	ssyncadd.s32 $0xFFFFD8F0  }
0x27: {  	[tilespmem:s15], [sflag:$0x7] =	stream.linear.gather [hbm4b:s8+s3], $0x2710, $0x38;
	[tilespmem:$0x1AE60] =	vst v63  }
0x28: {  	_ =	swait.ge [sflag:s12], $0x2710  }
0x29: {  	[sflag:s12] =	ssyncset.done $0x0  }
0x2a: {  	[sflag:s12] =	ssyncadd.s32 $0xFFFFD8F0  }
0x2b: {  	s17 =	simm.s32 $0x2700;
	[bflag:$0x0] =	sbarrier.arrive $0xFFFF  }
0x2c: {  	[tilespmem:s16], [sflag:$0x7] =	stream.indirect.gather [hbm4b:s4+s14], $0x40, s17, s14, $0xb8;
	[tilespmem:$0x1AE60] =	vst v63  }
0x2d: {  	_ =	swait.ge [sflag:s12], $0x400  }
0x2e: {  	[sflag:s12] =	ssyncset.done $0x0  }
0x2f: {  	s20 =	simm.s32 $0x4E10;
	[sflag:s12] =	ssyncadd.s32 $0xFFFFFC00  }
0x30: {  	[spmem:s2] =	stream.indirect.scatter.add.f32 [tilespmem:s16], [sflag:$0x7], $0x40, s20, s14, $0xb8;
	[tilespmem:$0x1AE60] =	vst v63  }
0x31: {  	_ =	swait.ge [sflag:s12], $0x400  }
0x32: {  	[sflag:s12] =	ssyncset.done $0x0  }
0x33: {  	[sflag:s12] =	ssyncadd.s32 $0xFFFFFC00  }
0x34: {  	[tilespmem:s19], [sflag:$0x1] =	stream.indirect.gather [hbm4b:s4+s18], $0x40, s3, s18, $0xb8;
	[tilespmem:$0x1AE60] =	vst v63  }
0x35: {  	s21 =	simm.s32 $0x10E60  }
0x36: {  	[tilespmem:s21], [sflag:$0x2] =	stream.indirect.gather [hbm4b:s4+s18], $0x40, s18, s18, $0xb8;
	[tilespmem:$0x1AE60] =	vst v63  }
0x37: {  	s23 =	simm.s32 $0x100  }
0x38: {  	[tilespmem:s22], [sflag:$0x3] =	stream.indirect.gather [hbm4b:s4+s18], $0x40, s23, s18, $0xb8;
	[tilespmem:$0x1AE60] =	vst v63  }
0x39: {  	s24 =	simm.s32 $0x180;
	s7 =	simm.s32 $0x14E60  }
0x3a: {  	[tilespmem:s7], [sflag:$0x4] =	stream.indirect.gather [hbm4b:s4+s18], $0x40, s24, s18, $0xb8;
	[tilespmem:$0x1AE60] =	vst v63  }
0x3b: {  	s25 =	simm.s32 $0x200  }
0x3c: {  	[tilespmem:s26], [sflag:$0x5] =	stream.indirect.gather [hbm4b:s4+s18], $0x40, s25, s18, $0xb8;
	[tilespmem:$0x1AE60] =	vst v63  }
0x3d: {  	s28 =	simm.s32 $0x280;
	s15 =	simm.s32 $0x0  }
0x3e: {  	[tilespmem:s29], [sflag:$0x6] =	stream.indirect.gather [hbm4b:s4+s18], $0x40, s28, s18, $0xb8;
	[tilespmem:$0x1AE60] =	vst v63  }
.LBB2_2:
0x3f: {  	_ =	swait.ge [sflag:s30], $0x2000  }
0x40: {  	s17 =	sshra.s32 s15, $0x2;
	[sflag:s30] =	ssyncset.done $0x0  }
0x41: {  	s20 =	sadd.s32 $0x2710, s17;
	[sflag:s30] =	ssyncadd.s32 $0xFFFFE000  }
0x42: {  	[spmem:s2] =	stream.indirect.scatter.add.f32 [tilespmem:s19], [sflag:$0x7], $0x40, s20, s18, $0xb8;
	[tilespmem:$0x1AE60] =	vst v63  }
0x43: {  	_ =	swait.ge [sflag:s12], $0x2000  }
0x44: {  	p0 =	seq.s32 s15, $0x9000;
	[sflag:s12] =	ssyncset.done $0x0  }
0x45: {  	s20 =	simm.s32 @p0 $0x2;
	[sflag:s12] =	ssyncadd.s32 $0xFFFFE000  }
0x46: {  	_ =	swait.ge @p0 [sflag:s20], $0x2000  }
0x47: {  	[sflag:s20] =	ssyncset.done @p0 $0x0  }
0x48: {  	[sflag:s20] =	ssyncadd.s32 @p0 $0xFFFFE000;
	s20 =	sshra.s32 @p0 s15, $0x2  }
0x49: {  	s23 =	simm.s32 @p0 $0x80;
	s24 =	simm.s32 @p0 $0x10E60;
	s21 =	sadd.s32 @p0 $0x2790, s20  }
0x4a: {  	[spmem:s2] =	stream.indirect.scatter.add.f32 @p0 [tilespmem:s24], [sflag:$0x7], $0x40, s21, s23, $0xb8;
	[tilespmem:$0x1AE60] =	vst v63  }
0x4b: {  	s21 =	simm.s32 @p0 $0x7  }
0x4c: {  	_ =	swait.ge @p0 [sflag:s21], $0x2000  }
0x4d: {  	s28 =	simm.s32 @!p0 $0x80;
	s24 =	sshra.s32 @!p0 s15, $0x2;
	[sflag:s21] =	ssyncset.done @p0 $0x0  }
0x4e: {  	s5 =	simm.s32 @!p0 $0xEE60;
	s25 =	sadd.s32 @!p0 $0x300, s24;
	[sflag:s21] =	ssyncadd.s32 @p0 $0xFFFFE000  }
0x4f: {  	[tilespmem:s5], [sflag:$0x1] =	stream.indirect.gather @!p0 [hbm4b:s4+s28], $0x40, s25, s28, $0xb8;
	[tilespmem:$0x1AE60] =	vst v63  }
0x50: {  	s5 =	simm.s32 @!p0 $0x2  }
0x51: {  	_ =	swait.ge @!p0 [sflag:s5], $0x2000  }
0x52: {  	[sflag:s5] =	ssyncset.done @!p0 $0x0  }
0x53: {  	s25 =	simm.s32 @!p0 $0x10E60;
	[sflag:s5] =	ssyncadd.s32 @!p0 $0xFFFFE000;
	s5 =	sadd.s32 @!p0 $0x2790, s24  }
0x54: {  	[spmem:s2] =	stream.indirect.scatter.add.f32 @!p0 [tilespmem:s25], [sflag:$0x7], $0x40, s5, s28, $0xb8;
	[tilespmem:$0x1AE60] =	vst v63  }
0x55: {  	s5 =	simm.s32 @!p0 $0x7  }
0x56: {  	_ =	swait.ge @!p0 [sflag:s5], $0x2000  }
0x57: {  	[sflag:s5] =	ssyncset.done @!p0 $0x0  }
0x58: {  	s7 =	sadd.s32 @!p0 $0x380, s24;
	[sflag:s5] =	ssyncadd.s32 @!p0 $0xFFFFE000  }
0x59: {  	[tilespmem:s25], [sflag:$0x2] =	stream.indirect.gather @!p0 [hbm4b:s4+s28], $0x40, s7, s28, $0xb8;
	[tilespmem:$0x1AE60] =	vst v63  }
0x5a: {  	_ =	swait.ge [sflag:s31], $0x2000  }
0x5b: {  	[sflag:s31] =	ssyncset.done $0x0  }
0x5c: {  	s25 =	sadd.s32 $0x2810, s17;
	[sflag:s31] =	ssyncadd.s32 $0xFFFFE000  }
0x5d: {  	[spmem:s2] =	stream.indirect.scatter.add.f32 [tilespmem:s22], [sflag:$0x7], $0x40, s25, s18, $0xb8;
	[tilespmem:$0x1AE60] =	vst v63  }
0x5e: {  	_ =	swait.ge [sflag:s12], $0x2000  }
0x5f: {  	[sflag:s12] =	ssyncset.done $0x0  }
0x60: {  	s7 =	simm.s32 @p0 $0x4;
	[sflag:s12] =	ssyncadd.s32 $0xFFFFE000  }
0x61: {  	_ =	swait.ge @p0 [sflag:s7], $0x2000  }
0x62: {  	[sflag:s7] =	ssyncset.done @p0 $0x0  }
0x63: {  	[sflag:s7] =	ssyncadd.s32 @p0 $0xFFFFE000;
	s7 =	sadd.s32 @p0 $0x2890, s20;
	s20 =	simm.s32 @p0 $0x14E60  }
0x64: {  	[spmem:s2] =	stream.indirect.scatter.add.f32 @p0 [tilespmem:s20], [sflag:$0x7], $0x40, s7, s23, $0xb8;
	[tilespmem:$0x1AE60] =	vst v63  }
0x65: {  	_ =	swait.ge @p0 [sflag:s21], $0x2000  }
0x66: {  	[sflag:s21] =	ssyncset.done @p0 $0x0  }
0x67: {  	s7 =	sadd.s32 @!p0 $0x400, s24;
	s20 =	simm.s32 @!p0 $0x12E60;
	[sflag:s21] =	ssyncadd.s32 @p0 $0xFFFFE000  }
0x68: {  	[tilespmem:s20], [sflag:$0x3] =	stream.indirect.gather @!p0 [hbm4b:s4+s28], $0x40, s7, s28, $0xb8;
	[tilespmem:$0x1AE60] =	vst v63  }
0x69: {  	s7 =	simm.s32 @!p0 $0x4  }
0x6a: {  	_ =	swait.ge @!p0 [sflag:s7], $0x2000  }
0x6b: {  	[sflag:s7] =	ssyncset.done @!p0 $0x0  }
0x6c: {  	s20 =	simm.s32 @!p0 $0x14E60;
	[sflag:s7] =	ssyncadd.s32 @!p0 $0xFFFFE000;
	s7 =	sadd.s32 @!p0 $0x2890, s24  }
0x6d: {  	[spmem:s2] =	stream.indirect.scatter.add.f32 @!p0 [tilespmem:s20], [sflag:$0x7], $0x40, s7, s28, $0xb8;
	[tilespmem:$0x1AE60] =	vst v63  }
0x6e: {  	_ =	swait.ge @!p0 [sflag:s5], $0x2000  }
0x6f: {  	[sflag:s5] =	ssyncset.done @!p0 $0x0  }
0x70: {  	[sflag:s5] =	ssyncadd.s32 @!p0 $0xFFFFE000;
	s5 =	sadd.s32 @!p0 $0x480, s24  }
0x71: {  	[tilespmem:s20], [sflag:$0x4] =	stream.indirect.gather @!p0 [hbm4b:s4+s28], $0x40, s5, s28, $0xb8;
	[tilespmem:$0x1AE60] =	vst v63  }
0x72: {  	_ =	swait.ge [sflag:s1], $0x2000  }
0x73: {  	[sflag:s1] =	ssyncset.done $0x0  }
.Ltmp2:
0x74: {  	s28 =	sadd.s32 $0x2910, s17;
	[sflag:s1] =	ssyncadd.s32 $0xFFFFE000;
	(pc) =	sbr.rel @p0 .LBB2_4-.Ltmp2, $4  }
0x75: {  	[spmem:s2] =	stream.indirect.scatter.add.f32 [tilespmem:s26], [sflag:$0x7], $0x40, s28, s18, $0xb8;
	[tilespmem:$0x1AE60] =	vst v63  }
0x76: {  	_ =	swait.ge [sflag:s12], $0x2000  }
0x77: {  	[sflag:s12] =	ssyncset.done $0x0  }
0x78: {  	s20 =	sadd.s32 $0x2990, s17;
	[sflag:s12] =	ssyncadd.s32 $0xFFFFE000  }
0x79: {  	s5 =	sadd.s32 $0x500, s17  }
0x7a: {  	[tilespmem:s26], [sflag:$0x5] =	stream.indirect.gather [hbm4b:s4+s18], $0x40, s5, s18, $0xb8;
	[tilespmem:$0x1AE60] =	vst v63  }
0x7b: {  	_ =	swait.ge [sflag:s0], $0x2000  }
0x7c: {  	[sflag:s0] =	ssyncset.done $0x0  }
0x7d: {  	[sflag:s0] =	ssyncadd.s32 $0xFFFFE000  }
0x7e: {  	[spmem:s2] =	stream.indirect.scatter.add.f32 [tilespmem:s29], [sflag:$0x7], $0x40, s20, s18, $0xb8;
	[tilespmem:$0x1AE60] =	vst v63  }
.Ltmp3:
0x7f: {  	_ = 	snop;
	(pc) =	sbr.rel .LBB2_2-.Ltmp3, $4  }
0x80: {  	_ =	swait.ge [sflag:s12], $0x2000  }
0x81: {  	[sflag:s12] =	ssyncset.done $0x0  }
0x82: {  	s28 =	sadd.s32 $0x580, s17;
	s15 =	sadd.s32 $0xC00, s15;
	[sflag:s12] =	ssyncadd.s32 $0xFFFFE000  }
0x83: {  	[tilespmem:s29], [sflag:$0x6] =	stream.indirect.gather [hbm4b:s4+s18], $0x40, s28, s18, $0xb8;
	[tilespmem:$0x1AE60] =	vst v63  }
.LBB2_5:
0x84: {  	_ =	sfence.sel $0x180000  }
0x85: {  	[bflag:$0x0] =	sbarrier.arrive $0xFFFF  }
0x86: {  	_ =	strace $0x9000004D  }
0x87: {  	s0 =	stileid.u32;
	[bflag:$0x2] =	sbarrier.arrive $0xFFFF  }
0x88: {  	p0 =	sne.s32 s0, $0x0;
	s0 =	rddreg [dreg:$0x2]  }
0x89: {  	s0 =	sadd.s32 @!p0 $0x100000, s0  }
0x8a: {  	[sflag:s0] =	ssyncadd.tile.s32 @!p0 $0x1;
	_ =	shalt  }
.Lfunc_end2:
_tile_overlayer_lowered:
.L_overlay_start_2:
0x8b: {  	(tag) =	ssettag $0x2  }
0x8c: {  	s0 =	rddreg [dreg:$0x0];
	s2 =	stileid.u32  }
0x8d: {  	s1 =	rddreg [dreg:$0x1];
	p0 =	sne.s32 s2, $0x0  }
0x8e: {  	s3 =	rddreg [dreg:$0x2];
	[bflag:$0x3] =	sbarrier.arrive $0xFFFF;
	s2 =	simm.s32 @!p0 $0x1C07  }
0x8f: {  	[timem:s3], [sflag:s2] =	dma.local @!p0 [hbm:s0], s1  }
0x90: {  	s0 =	simm.s32 @!p0 $0x7  }
0x91: {  	_ =	swait.ge @!p0 [sflag:s0], s1  }
0x92: {  	s1 =	ssub.s32 @!p0 $0x0, s1;
	[sflag:s0] =	ssyncset.done @!p0 $0x0  }
0x93: {  	[sflag:s0] =	ssyncadd.s32 @!p0 s1  }
0x94: {  	[bflag:$0x3] =	sbarrier.arrive $0xFFFF  }
0x95: {  	_ =	shalt  }

// kernel: kernel.8.cloned.1.call-start
scs
__scs_entry_jumppad:
0x0: {  	(pc) =	sbr.rel $0x88, $3  }
0x1: {  	(tag) =	ssettag $0x0;
	lr =	simm.s32 $0x1  }
0x2: {  	[smem:$0x3F97] =	sst lr;
	_ =	strace $0xD0000000  }
0x3: {  	_ = 	snop  }
0x4: {  	_ = 	snop  }
0x5: {  	_ = 	snop  }
0x6: {  	_ = 	snop  }
0x7: {  	_ = 	snop  }
__scs_overlays_trampoline_lowered:
0x8: {  	[smem:$0x3FA6] =	sst s0  }
0x9: {  	[smem:$0x3FA7] =	sst s1  }
0xa: {  	[smem:$0x3FA8] =	sst s2  }
0xb: {  	[smem:$0x3FA9] =	sst s3  }
0xc: {  	[smem:$0x3FAA] =	sst s4  }
0xd: {  	[smem:$0x3FAB] =	sst s5  }
0xe: {  	[smem:$0x3FAC] =	sst s6  }
0xf: {  	[smem:$0x3FAD] =	sst s7  }
0x10: {  	[smem:$0x3FAE] =	sst s8  }
0x11: {  	[smem:$0x3FAF] =	sst s9;
	s0 =	simm.s32 @!p0 $0x0  }
0x12: {  	s1 =	sld [smem:$0x3F95];
	s0 =	simm.s32 @p0 $0x1  }
0x13: {  	[smem:$0x3FB0] =	sst s0;
	s0 =	simm.s32 @!p1 $0x0  }
0x14: {  	s2 =	sld [smem:$0x3F94];
	s0 =	simm.s32 @p1 $0x1  }
0x15: {  	[smem:$0x3FB1] =	sst s0;
	s0 =	simm.s32 @!p2 $0x0  }
0x16: {  	s3 =	sld [smem:$0x3FDB];
	s0 =	simm.s32 @p2 $0x1  }
0x17: {  	s4 =	simm.s32 $0x1BF5;
	[smem:$0x3FB3] =	sst s0  }
0x18: {  	s0 =	sld [smem:$0x3F96];
	_ =	swait.ge [sflag:s4], $0x0  }
0x19: {  	s7 =	sld [smem:$0x3F97]  }
0x1a: {  	s8 =	sadd.s32 $0xFFFFE003, lr  }
0x1b: {  	s9 =	sadd.s32 $0xFFFFFEF7, lr;
	s5 =	simm.s32 $0xFFFFFFFF;
	p2 =	slt.u32 s8, $0xFFFFF086  }
0x1c: {  	p1 =	slt.u32 s9, $0xF7A;
	s5 =	simm.s32 @!p2 $0x0  }
0x1d: {  	s5 =	simm.s32 @p1 $0x1;
	p0 =	seq.s32 s7, s2  }
0x1e: {  	s7 =	smul.u32 @!p0 $0xF7A, s2;
	p2 =	seq.s32 @!p0 s5, $0x0  }
0x1f: {  	s9 =	smul.u32 $0xF7A, s1;
	s8 =	simm.s32 @!p0 $0x1BF5;
	p2 =	por !p2, p0  }
0x20: {  	[sflag:s8] =	ssyncset.s32 @!p0 $0xFFFFF086;
	s6 =	sadd.s32 @!p0 s3, s7;
	s7 =	simm.s32 @!p0 $0x108  }
0x21: {  	s3 =	sadd.s32 s3, s9;
	s6 =	sadd.s32 @!p0 $0x88, s6;
	s7 =	simm.s32 @p2 $0x1082  }
0x22: {  	[simem:s7], [sflag:s8] =	dma.local @!p0 [hbm:s6], $0xF7A  }
0x23: {  	s9 =	sor.u32 $0xD0000000, s2;
	s6 =	simm.s32 $0x108;
	_ =	swait.ge @!p0 [sflag:s8], $0x0  }
0x24: {  	s3 =	sadd.s32 $0x88, s3;
	s6 =	simm.s32 @!p1 $0x1082;
	[sflag:s4] =	ssyncset.s32 $0xFFFFF086  }
0x25: {  	[simem:s6], [sflag:s4] =	dma.local [hbm:s3], $0xF7A  }
0x26: {  	[smem:$0x3F97] =	sst s1;
	(tag) =	ssettag s2;
	_ =	strace s9  }
0x27: {  	s1 =	sld [smem:$0x3FA7]  }
0x28: {  	s2 =	sld [smem:$0x3FA8]  }
0x29: {  	s4 =	sld [smem:$0x3FAA]  }
0x2a: {  	p0 =	seq.s32 s5, $0x0;
	s5 =	sld [smem:$0x3FAB]  }
0x2b: {  	s6 =	sld [smem:$0x3FAC]  }
0x2c: {  	s7 =	sld [smem:$0x3FAD]  }
0x2d: {  	s3 =	simm.s32 $0x108;
	s8 =	sld [smem:$0x3FAE]  }
0x2e: {  	s3 =	simm.s32 @!p0 $0x1082;
	s9 =	sld [smem:$0x3FAF]  }
0x2f: {  	lr =	sadd.s32 s0, s3;
	s0 =	sld [smem:$0x3FA6]  }
0x30: {  	s3 =	sld [smem:$0x3FA9]  }
0x31: {  	[smem:$0x3FB2] =	sst s10  }
0x32: {  	s10 =	sld [smem:$0x3FB0];
	_ =	sdelay $0x3  }
0x33: {  	p0 =	seq.s32 s10, $0x1;
	s10 =	sld [smem:$0x3FB2];
	_ =	sdelay $0x3  }
0x34: {  	[smem:$0x3FB2] =	sst s10  }
0x35: {  	s10 =	sld [smem:$0x3FB1];
	_ =	sdelay $0x3  }
0x36: {  	p1 =	seq.s32 s10, $0x1;
	s10 =	sld [smem:$0x3FB2];
	_ =	sdelay $0x3  }
0x37: {  	[smem:$0x3FB2] =	sst s10  }
0x38: {  	s10 =	sld [smem:$0x3FB3]  }
0x39: {  	_ = 	snop;
	(pc) =	sbr.ind lr, $3  }
0x3a: {  	_ = 	snop  }
0x3b: {  	_ = 	snop  }
0x3c: {  	p2 =	seq.s32 s10, $0x1;
	s10 =	sld [smem:$0x3FB2]  }
0x3d: {  	_ =	shalt  }
0x3e: {  	_ =	shalt  }
0x3f: {  	_ =	shalt  }
0x40: {  	_ =	shalt  }
0x41: {  	_ =	shalt  }
0x42: {  	_ =	shalt  }
0x43: {  	_ =	shalt  }
0x44: {  	_ =	shalt  }
0x45: {  	_ =	shalt  }
0x46: {  	_ =	shalt  }
0x47: {  	_ =	shalt  }
0x48: {  	_ =	shalt  }
0x49: {  	_ =	shalt  }
0x4a: {  	_ =	shalt  }
0x4b: {  	_ =	shalt  }
0x4c: {  	_ =	shalt  }
0x4d: {  	_ =	shalt  }
0x4e: {  	_ =	shalt  }
0x4f: {  	_ =	shalt  }
0x50: {  	_ =	shalt  }
0x51: {  	_ =	shalt  }
0x52: {  	_ =	shalt  }
0x53: {  	_ =	shalt  }
0x54: {  	_ =	shalt  }
0x55: {  	_ =	shalt  }
0x56: {  	_ =	shalt  }
0x57: {  	_ =	shalt  }
0x58: {  	_ =	shalt  }
0x59: {  	_ =	shalt  }
0x5a: {  	_ =	shalt  }
0x5b: {  	_ =	shalt  }
0x5c: {  	_ =	shalt  }
0x5d: {  	_ =	shalt  }
0x5e: {  	_ =	shalt  }
0x5f: {  	_ =	shalt  }
0x60: {  	_ =	shalt  }
0x61: {  	_ =	shalt  }
0x62: {  	_ =	shalt  }
0x63: {  	_ =	shalt  }
0x64: {  	_ =	shalt  }
0x65: {  	_ =	shalt  }
0x66: {  	_ =	shalt  }
0x67: {  	_ =	shalt  }
0x68: {  	_ =	shalt  }
0x69: {  	_ =	shalt  }
0x6a: {  	_ =	shalt  }
0x6b: {  	_ =	shalt  }
0x6c: {  	_ =	shalt  }
0x6d: {  	_ =	shalt  }
0x6e: {  	_ =	shalt  }
0x6f: {  	_ =	shalt  }
0x70: {  	_ =	shalt  }
0x71: {  	_ =	shalt  }
0x72: {  	_ =	shalt  }
0x73: {  	_ =	shalt  }
0x74: {  	_ =	shalt  }
0x75: {  	_ =	shalt  }
0x76: {  	_ =	shalt  }
0x77: {  	_ =	shalt  }
0x78: {  	_ =	shalt  }
0x79: {  	_ =	shalt  }
0x7a: {  	_ =	shalt  }
0x7b: {  	_ =	shalt  }
0x7c: {  	_ =	shalt  }
0x7d: {  	_ =	shalt  }
0x7e: {  	_ =	shalt  }
0x7f: {  	_ =	shalt  }
0x80: {  	_ =	shalt  }
0x81: {  	_ =	shalt  }
0x82: {  	_ =	shalt  }
0x83: {  	_ =	shalt  }
0x84: {  	_ =	shalt  }
0x85: {  	_ =	shalt  }
0x86: {  	_ =	shalt  }
0x87: {  	_ =	shalt  }
.Lfunc_end0:
.L_simem_size_0:
called_computation_lowered:
.L_overlay_start_0:
0x88: {  	s2 =	sld [smem:$0x3FD9]  }
0x89: {  	s3 =	sld [smem:$0x3FFE];
	_ =	sdelay $0x1  }
0x8a: {  	s1 =	srdreg.scid  }
0x8b: {  	s0 =	sand.u32 $0x1, s1  }
0x8c: {  	s16 =	sshll.u32 s0, $0xA;
	s2 =	sadd.s32 s3, s2  }
0x8d: {  	s2 =	sadd.s32 s2, s16  }
0x8e: {  	[smem:$0x3FBE] =	sst s2  }
0x8f: {  	_ = 	snop  }
0x90: {  	(tm) =	ssettm $0x1  }
0x91: {  	s17 =	sld [smem:$0x3FFB];
	_ =	sdelay $0x3  }
0x92: {  	_ =	strace s17  }
0x93: {  	s2 =	sld [smem:$0x3FFC];
	_ =	sdelay $0x3  }
0x94: {  	_ =	strace s2  }
0x95: {  	s2 =	sld [smem:$0x3FFD];
	_ =	sdelay $0x3  }
0x96: {  	_ =	strace s2  }
0x97: {  	_ =	strace $0x8FFFFFFF  }
0x98: {  	s18 =	sld [smem:$0x3FDB];
	_ =	sdelay $0x1  }
0x99: {  	s19 =	simm.s32 $_scs_section_size  }
0x9a: {  	s4 =	simm.s32 $_size__tile_overlayer_lowered;
	s5 =	simm.s32 $_tile_overlayer_lowered  }
0x9b: {  	s22 =	simm.s32 $0x1BFF;
	s21 =	sshll.u32 s5, $0x1;
	s2 =	sadd.s32 s19, s18  }
0x9c: {  	s6 =	simm.s32 $0x0;
	s20 =	sshll.u32 s4, $0x1;
	s4 =	sadd.s32 s21, s2  }
0x9d: {  	[timem:s6], [sflag:s22] =	dma.local [hbm:s4], s20  }
0x9e: {  	_ =	swait.ge [sflag:s22], s20  }
0x9f: {  	s3 =	ssub.s32 $0x0, s20;
	[sflag:s22] =	ssyncset.done $0x0  }
0xa0: {  	[sflag:s22] =	ssyncadd.s32 s3;
	_ =	sdelay $0x1  }
0xa1: {  	s23 =	simm.s32 $0x1B8B  }
0xa2: {  	_ =	swait.ge [sflag:s23], $0x1  }
0xa3: {  	[sflag:s23] =	ssyncset.done $0x0  }
0xa4: {  	s25 =	simm.s32 $0x1B8E;
	s24 =	sld [smem:$0x3FFE];
	[sflag:s23] =	ssyncadd.s32 $0xFFFFFFFF  }
0xa5: {  	s26 =	simm.s32 $execute0_lowered;
	[smem:$0x3FD2] =	sst s25  }
0xa6: {  	s4 =	sshll.u32 s26, $0x1;
	_ =	strace $0x80000046;
	[dreg:$0x1] =	wrdreg $0xFFFFFFFF  }
0xa7: {  	s28 =	simm.s32 $_size_execute0_lowered;
	s2 =	sadd.s32 s2, s4;
	[dreg:$0x0] =	wrdreg $0x0  }
0xa8: {  	s4 =	sshll.u32 s28, $0x1;
	[dreg:$0x2] =	wrdreg s2  }
0xa9: {  	[dreg:$0x3] =	wrdreg s4  }
0xaa: {  	[dreg:$0x4] =	wrdreg $0xC0  }
0xab: {  	_ =	task [dreg:s6], $0x5FFFF  }
0xac: {  	[dreg:$0x1] =	wrdreg $0xFFFFFFFF  }
0xad: {  	[dreg:$0x0] =	wrdreg $0x60  }
0xae: {  	[dreg:$0x2] =	wrdreg s24  }
0xaf: {  	[dreg:$0x3] =	wrdreg $0x51200  }
0xb0: {  	[dreg:$0x4] =	wrdreg $0x53A00  }
0xb1: {  	[dreg:$0x5] =	wrdreg $0x9  }
0xb2: {  	_ =	task.clear_ibuf [dreg:s6], $0x6FFFF;
	_ =	strace $0x90000046  }
0xb3: {  	s29 =	simm.s32 $0x9;
	_ =	strace $0x80000048  }
0xb4: {  	_ =	swait.ge [sflag:s29], $0x1  }
0xb5: {  	[sflag:s29] =	ssyncadd.s32 $0xFFFFFFFF  }
0xb6: {  	_ =	strace $0x90000048  }
0xb7: {  	_ =	sfence  }
0xb8: {  	s30 =	sld [smem:$0x0];
	_ =	sdelay $0x2  }
0xb9: {  	s31 =	sshll.u32 s1, $0xD;
	s1 =	sshrl.u32 s1, $0x2  }
0xba: {  	s3 =	sand.u32 $0x4000, s31;
	s1 =	sadd.s32 s1, s30  }
0xbb: {  	s0 =	sor.u32 s3, s0;
	s1 =	sshll.u32 s1, $0x11  }
0xbc: {  	s0 =	sor.u32 s1, s0  }
0xbd: {  	s0 =	sadd.s32 $0x8F2B, s0  }
0xbe: {  	[sflag:s0] =	ssyncadd.remote.s32 $0x1  }
0xbf: {  	_ =	sfence.sel $0xFFFF  }
0xc0: {  	[dreg:$0x0] =	wrdreg $0xFFFFFFFF;
	(pc) =	sbr.abs _section_cstart, $3  }
0xc1: {  	[dreg:$0x1] =	wrdreg $0xFFFFFFFF  }
0xc2: {  	_ =	task.clear_ibuf [dreg:s6], $0x2FFFF;
	_ =	strace $0x9FFFFFFF  }
0xc3: {  	(tm) =	ssettm $0x7FFFFFFF  }
tec
execute0_lowered:
.L_overlay_start_1:
0x0: {  	(tag) =	ssettag $0x1  }
0x1: {  	s0 =	rddreg [dreg:$0x0]  }
0x2: {  	s2 =	rddreg [dreg:$0x1]  }
0x3: {  	s1 =	srdreg.scid;
	s3 =	rddreg [dreg:$0x2]  }
0x4: {  	s4 =	stileid.u32;
	s8 =	simm.s32 $0x0;
	s12 =	simm.s32 $0x4EA0  }
0x5: {  	s13 =	simm.s32 $0xD;
	s15 =	simm.s32 $0x10;
	s17 =	simm.s32 $0x4E20  }
0x6: {  	s19 =	simm.s32 $0x80;
	s20 =	simm.s32 $0x1;
	s21 =	simm.s32 $0x7  }
0x7: {  	s22 =	simm.s32 $0x2;
	s23 =	simm.s32 $0x8;
	s28 =	simm.s32 $0xA  }
0x8: {  	s29 =	simm.s32 $0x5;
	s30 =	simm.s32 $0xB;
	s31 =	simm.s32 $0x6  }
0x9: {  	s14 =	simm.s32 $0x0;
	s1 =	sand.u32 $0x1, s1;
	s6 =	smul.u32 $0x280, s4  }
0xa: {  	[smem:$0x7FF] =	sst s8;
	s5 =	sshll.u32 s1, $0x4;
	s7 =	smul.u32 $0x2800, s1  }
0xb: {  	_ =	strace $0x80000047;
	s1 =	ssub.s32 $0x2, s1;
	s5 =	sor.u32 s4, s5  }
0xc: {  	s26 =	sshrl.u32 s1, $0x1;
	s5 =	smul.u32 $0x4E2, s5;
	s7 =	sadd.s32 s6, s7  }
0xd: {  	s1 =	ssub.s32 s1, s26;
	s26 =	simm.s32 $0x4;
	s25 =	sshrl.u32 s7, $0x3  }
0xe: {  	s11 =	smax.u32 s1, $0x1;
	s24 =	sadd.s32 s5, s0;
	s0 =	sadd.s32 s25, s0  }
0xf: {  	s5 =	sadd.s32 s6, s2;
	s6 =	sadd.s32 s6, s3;
	s25 =	simm.s32 $0x9  }
0x10: {  	s7 =	sadd.s32 $0xBA00, s24;
	s8 =	sadd.s32 $0x1C00, s24;
	s9 =	sadd.s32 $0x15800, s0  }
0x11: {  	v0 =	vimm.f32 $0.0e+00;
	v1 =	vimm.f32 $1.000000000e+00;
	s10 =	sadd.s32 $0x16200, s0;
	s24 =	simm.s32 $0x3;
	s0 =	simm.s32 $0xC  }
.LBB2_1:
0x12: {  	[tilespmem:$0x4EA0] =	vst v0  }
0x13: {  	[tilespmem:$0x4EB0] =	vst v0  }
0x14: {  	[tilespmem:$0x4EC0] =	vst v0  }
0x15: {  	[tilespmem:$0x4ED0] =	vst v0  }
0x16: {  	[tilespmem:$0x4EE0] =	vst v0  }
0x17: {  	[tilespmem:$0x4EF0] =	vst v0  }
0x18: {  	[tilespmem:$0x4F00] =	vst v0  }
0x19: {  	[tilespmem:$0x4F10] =	vst v0  }
0x1a: {  	[tilespmem:$0x4F20] =	vst v0  }
0x1b: {  	[tilespmem:$0x4F30] =	vst v0  }
0x1c: {  	[tilespmem:$0x4F40] =	vst v0  }
0x1d: {  	[tilespmem:$0x4F50] =	vst v0  }
0x1e: {  	[tilespmem:$0x4F60] =	vst v0  }
0x1f: {  	[tilespmem:$0x4F70] =	vst v0  }
0x20: {  	[tilespmem:$0x4F80] =	vst v0  }
0x21: {  	[tilespmem:$0x4F90] =	vst v0  }
0x22: {  	[tilespmem:$0x4FA0] =	vst v0  }
0x23: {  	[tilespmem:$0x4FB0] =	vst v0  }
0x24: {  	[tilespmem:$0x4FC0] =	vst v0  }
0x25: {  	[tilespmem:$0x4FD0] =	vst v0  }
0x26: {  	[tilespmem:$0x4FE0] =	vst v0  }
0x27: {  	[tilespmem:$0x4FF0] =	vst v0  }
0x28: {  	[tilespmem:$0x5000] =	vst v0  }
0x29: {  	[tilespmem:$0x5010] =	vst v0  }
0x2a: {  	[tilespmem:$0x5020] =	vst v0  }
0x2b: {  	[tilespmem:$0x5030] =	vst v0  }
0x2c: {  	[tilespmem:$0x5040] =	vst v0  }
0x2d: {  	[tilespmem:$0x5050] =	vst v0  }
0x2e: {  	[tilespmem:$0x5060] =	vst v0  }
0x2f: {  	[tilespmem:$0x5070] =	vst v0  }
0x30: {  	[tilespmem:$0x5080] =	vst v0  }
0x31: {  	[tilespmem:$0x5090] =	vst v0  }
0x32: {  	[tilespmem:$0x50A0] =	vst v0  }
0x33: {  	[tilespmem:$0x50B0] =	vst v0  }
0x34: {  	[tilespmem:$0x50C0] =	vst v0  }
0x35: {  	[tilespmem:$0x50D0] =	vst v0  }
0x36: {  	[tilespmem:$0x50E0] =	vst v0  }
0x37: {  	[tilespmem:$0x50F0] =	vst v0  }
0x38: {  	[tilespmem:$0x5100] =	vst v0  }
0x39: {  	[tilespmem:$0x5110] =	vst v0  }
0x3a: {  	[tilespmem:$0x4E20] =	vst v1  }
0x3b: {  	[tilespmem:$0x4E30] =	vst v1  }
0x3c: {  	[tilespmem:$0x4E40] =	vst v1  }
0x3d: {  	[tilespmem:$0x4E50] =	vst v1  }
0x3e: {  	[tilespmem:$0x4E60] =	vst v1  }
0x3f: {  	[tilespmem:$0x4E70] =	vst v1  }
0x40: {  	[tilespmem:$0x4E80] =	vst v1  }
0x41: {  	[tilespmem:$0x4E90] =	vst v1  }
0x42: {  	[spmem:s5] =	stream.linear.scatter [tilespmem:s12], [sflag:$0xD], $0x280, $0x38;
	[tilespmem:$0x5620] =	vst v63  }
0x43: {  	_ =	swait.ge [sflag:s13], $0x280  }
0x44: {  	[sflag:s13] =	ssyncset.done $0x0  }
0x45: {  	[sflag:s13] =	ssyncadd.s32 $0xFFFFFD80  }
0x46: {  	[spmem:s6] =	stream.linear.scatter [tilespmem:s12], [sflag:$0xD], $0x280, $0x38;
	[tilespmem:$0x5620] =	vst v63  }
0x47: {  	_ =	swait.ge [sflag:s13], $0x280  }
0x48: {  	[sflag:s13] =	ssyncset.done $0x0  }
0x49: {  	s1 =	simm.s32 $0x0;
	[sflag:s13] =	ssyncadd.s32 $0xFFFFFD80  }
0x4a: {  	[tilespmem:s1], [sflag:$0xD] =	stream.linear.gather [hbm4b:s7+s1], $0x2710, $0x38;
	[tilespmem:$0x5620] =	vst v63  }
0x4b: {  	_ =	swait.ge [sflag:s13], $0x2710  }
0x4c: {  	[sflag:s13] =	ssyncset.done $0x0  }
0x4d: {  	s4 =	simm.s32 $0x2710;
	[sflag:s13] =	ssyncadd.s32 $0xFFFFD8F0  }
0x4e: {  	[tilespmem:s4], [sflag:$0xD] =	stream.linear.gather [hbm4b:s8+s1], $0x2710, $0x38;
	[tilespmem:$0x5620] =	vst v63  }
0x4f: {  	_ =	swait.ge [sflag:s13], $0x2710  }
0x50: {  	[sflag:s13] =	ssyncset.done $0x0  }
0x51: {  	[sflag:s13] =	ssyncadd.s32 $0xFFFFD8F0  }
0x52: {  	s16 =	simm.s32 $0x2700;
	[bflag:$0x0] =	sbarrier.arrive $0xFFFF  }
0x53: {  	[spmem:s2] =	stream.indirect.scatter.add.f32 [tilespmem:s17], [sflag:$0xD], $0x1, s16, s15, $0xb8;
	[tilespmem:$0x5620] =	vst v63  }
0x54: {  	_ =	swait.ge [sflag:s13], $0x10  }
0x55: {  	[sflag:s13] =	ssyncset.done $0x0  }
0x56: {  	s18 =	simm.s32 $0x4E10;
	[sflag:s13] =	ssyncadd.s32 $0xFFFFFFF0  }
0x57: {  	[spmem:s3] =	stream.indirect.scatter.add.f32 [tilespmem:s17], [sflag:$0xD], $0x1, s18, s15, $0xb8;
	[tilespmem:$0x5620] =	vst v63  }
0x58: {  	_ =	swait.ge [sflag:s13], $0x10  }
0x59: {  	[sflag:s13] =	ssyncset.done $0x0  }
0x5a: {  	s4 =	simm.s32 $0x0;
	[sflag:s13] =	ssyncadd.s32 $0xFFFFFFF0  }
0x5b: {  	[spmem:s2] =	stream.indirect.scatter.add.f32 [tilespmem:s17], [sflag:$0x1], $0x1, s4, s19, $0xb8;
	[tilespmem:$0x5620] =	vst v63  }
0x5c: {  	s16 =	simm.s32 $0x2710  }
0x5d: {  	[spmem:s3] =	stream.indirect.scatter.add.f32 [tilespmem:s17], [sflag:$0x7], $0x1, s16, s19, $0xb8;
	[tilespmem:$0x5620] =	vst v63  }
0x5e: {  	s18 =	simm.s32 $0x80  }
0x5f: {  	[spmem:s2] =	stream.indirect.scatter.add.f32 [tilespmem:s17], [sflag:$0x2], $0x1, s18, s19, $0xb8;
	[tilespmem:$0x5620] =	vst v63  }
0x60: {  	s4 =	simm.s32 $0x2790  }
0x61: {  	[spmem:s3] =	stream.indirect.scatter.add.f32 [tilespmem:s17], [sflag:$0x8], $0x1, s4, s19, $0xb8;
	[tilespmem:$0x5620] =	vst v63  }
0x62: {  	s16 =	simm.s32 $0x100  }
0x63: {  	[spmem:s2] =	stream.indirect.scatter.add.f32 [tilespmem:s17], [sflag:$0x3], $0x1, s16, s19, $0xb8;
	[tilespmem:$0x5620] =	vst v63  }
0x64: {  	s18 =	simm.s32 $0x2810  }
0x65: {  	[spmem:s3] =	stream.indirect.scatter.add.f32 [tilespmem:s17], [sflag:$0x9], $0x1, s18, s19, $0xb8;
	[tilespmem:$0x5620] =	vst v63  }
0x66: {  	s4 =	simm.s32 $0x180  }
0x67: {  	[spmem:s2] =	stream.indirect.scatter.add.f32 [tilespmem:s17], [sflag:$0x4], $0x1, s4, s19, $0xb8;
	[tilespmem:$0x5620] =	vst v63  }
0x68: {  	s16 =	simm.s32 $0x2890  }
0x69: {  	[spmem:s3] =	stream.indirect.scatter.add.f32 [tilespmem:s17], [sflag:$0xA], $0x1, s16, s19, $0xb8;
	[tilespmem:$0x5620] =	vst v63  }
0x6a: {  	s18 =	simm.s32 $0x200  }
0x6b: {  	[spmem:s2] =	stream.indirect.scatter.add.f32 [tilespmem:s17], [sflag:$0x5], $0x1, s18, s19, $0xb8;
	[tilespmem:$0x5620] =	vst v63  }
0x6c: {  	s4 =	simm.s32 $0x2910  }
0x6d: {  	[spmem:s3] =	stream.indirect.scatter.add.f32 [tilespmem:s17], [sflag:$0xB], $0x1, s4, s19, $0xb8;
	[tilespmem:$0x5620] =	vst v63  }
0x6e: {  	s16 =	simm.s32 $0x280  }
0x6f: {  	[spmem:s2] =	stream.indirect.scatter.add.f32 [tilespmem:s17], [sflag:$0x6], $0x1, s16, s19, $0xb8;
	[tilespmem:$0x5620] =	vst v63  }
0x70: {  	s18 =	simm.s32 $0x2990  }
0x71: {  	[spmem:s3] =	stream.indirect.scatter.add.f32 [tilespmem:s17], [sflag:$0xC], $0x1, s18, s19, $0xb8;
	[tilespmem:$0x5620] =	vst v63  }
0x72: {  	_ =	swait.ge [sflag:s20], $0x80  }
0x73: {  	[sflag:s20] =	ssyncset.done $0x0  }
0x74: {  	[sflag:s20] =	ssyncadd.s32 $0xFFFFFF80  }
0x75: {  	_ =	swait.ge [sflag:s21], $0x80  }
0x76: {  	[sflag:s21] =	ssyncset.done $0x0  }
0x77: {  	[sflag:s21] =	ssyncadd.s32 $0xFFFFFF80  }
0x78: {  	_ =	swait.ge [sflag:s22], $0x80  }
0x79: {  	[sflag:s22] =	ssyncset.done $0x0  }
0x7a: {  	[sflag:s22] =	ssyncadd.s32 $0xFFFFFF80  }
0x7b: {  	_ =	swait.ge [sflag:s23], $0x80  }
0x7c: {  	[sflag:s23] =	ssyncset.done $0x0  }
0x7d: {  	[sflag:s23] =	ssyncadd.s32 $0xFFFFFF80  }
0x7e: {  	_ =	swait.ge [sflag:s24], $0x80  }
0x7f: {  	[sflag:s24] =	ssyncset.done $0x0  }
0x80: {  	[sflag:s24] =	ssyncadd.s32 $0xFFFFFF80  }
0x81: {  	_ =	swait.ge [sflag:s25], $0x80  }
0x82: {  	[sflag:s25] =	ssyncset.done $0x0  }
0x83: {  	[sflag:s25] =	ssyncadd.s32 $0xFFFFFF80  }
0x84: {  	_ =	swait.ge [sflag:s26], $0x80  }
0x85: {  	[sflag:s26] =	ssyncset.done $0x0  }
0x86: {  	[sflag:s26] =	ssyncadd.s32 $0xFFFFFF80  }
0x87: {  	_ =	swait.ge [sflag:s28], $0x80  }
0x88: {  	[sflag:s28] =	ssyncset.done $0x0  }
0x89: {  	[sflag:s28] =	ssyncadd.s32 $0xFFFFFF80  }
0x8a: {  	_ =	swait.ge [sflag:s29], $0x80  }
0x8b: {  	[sflag:s29] =	ssyncset.done $0x0  }
0x8c: {  	[sflag:s29] =	ssyncadd.s32 $0xFFFFFF80  }
0x8d: {  	_ =	swait.ge [sflag:s30], $0x80  }
0x8e: {  	[sflag:s30] =	ssyncset.done $0x0  }
0x8f: {  	[sflag:s30] =	ssyncadd.s32 $0xFFFFFF80  }
0x90: {  	_ =	swait.ge [sflag:s31], $0x80  }
0x91: {  	[sflag:s31] =	ssyncset.done $0x0  }
0x92: {  	[sflag:s31] =	ssyncadd.s32 $0xFFFFFF80  }
0x93: {  	_ =	swait.ge [sflag:s0], $0x80  }
0x94: {  	s1 =	simm.s32 $0x1800;
	s16 =	simm.s32 $0xC00;
	[sflag:s0] =	ssyncset.done $0x0  }
.LBB2_2:
0x95: {  	s4 =	sshra.s32 s16, $0x2  }
0x96: {  	[sflag:s0] =	ssyncadd.s32 $0xFFFFFF80;
	s16 =	smov.u32 s1;
	s18 =	sadd.s32 $0xC00, s1  }
0x97: {  	[spmem:s2] =	stream.indirect.scatter.add.f32 [tilespmem:s17], [sflag:$0x1], $0x1, s4, s19, $0xb8;
	[tilespmem:$0x5620] =	vst v63  }
0x98: {  	p0 =	sne.s32 s1, $0x9000;
	s1 =	sadd.s32 $0x2710, s4  }
0x99: {  	[spmem:s3] =	stream.indirect.scatter.add.f32 [tilespmem:s17], [sflag:$0x7], $0x1, s1, s19, $0xb8;
	[tilespmem:$0x5620] =	vst v63  }
0x9a: {  	s1 =	sadd.s32 $0x80, s4  }
0x9b: {  	[spmem:s2] =	stream.indirect.scatter.add.f32 [tilespmem:s17], [sflag:$0x2], $0x1, s1, s19, $0xb8;
	[tilespmem:$0x5620] =	vst v63  }
0x9c: {  	s1 =	sadd.s32 $0x2790, s4  }
0x9d: {  	[spmem:s3] =	stream.indirect.scatter.add.f32 [tilespmem:s17], [sflag:$0x8], $0x1, s1, s19, $0xb8;
	[tilespmem:$0x5620] =	vst v63  }
0x9e: {  	s1 =	sadd.s32 $0x100, s4  }
0x9f: {  	[spmem:s2] =	stream.indirect.scatter.add.f32 [tilespmem:s17], [sflag:$0x3], $0x1, s1, s19, $0xb8;
	[tilespmem:$0x5620] =	vst v63  }
0xa0: {  	s1 =	sadd.s32 $0x2810, s4  }
0xa1: {  	[spmem:s3] =	stream.indirect.scatter.add.f32 [tilespmem:s17], [sflag:$0x9], $0x1, s1, s19, $0xb8;
	[tilespmem:$0x5620] =	vst v63  }
0xa2: {  	s1 =	sadd.s32 $0x180, s4  }
0xa3: {  	[spmem:s2] =	stream.indirect.scatter.add.f32 [tilespmem:s17], [sflag:$0x4], $0x1, s1, s19, $0xb8;
	[tilespmem:$0x5620] =	vst v63  }
0xa4: {  	s1 =	sadd.s32 $0x2890, s4  }
0xa5: {  	[spmem:s3] =	stream.indirect.scatter.add.f32 [tilespmem:s17], [sflag:$0xA], $0x1, s1, s19, $0xb8;
	[tilespmem:$0x5620] =	vst v63  }
0xa6: {  	s1 =	sadd.s32 $0x200, s4  }
0xa7: {  	[spmem:s2] =	stream.indirect.scatter.add.f32 [tilespmem:s17], [sflag:$0x5], $0x1, s1, s19, $0xb8;
	[tilespmem:$0x5620] =	vst v63  }
0xa8: {  	s1 =	sadd.s32 $0x2910, s4  }
0xa9: {  	[spmem:s3] =	stream.indirect.scatter.add.f32 [tilespmem:s17], [sflag:$0xB], $0x1, s1, s19, $0xb8;
	[tilespmem:$0x5620] =	vst v63  }
0xaa: {  	s1 =	sadd.s32 $0x280, s4  }
0xab: {  	[spmem:s2] =	stream.indirect.scatter.add.f32 [tilespmem:s17], [sflag:$0x6], $0x1, s1, s19, $0xb8;
	[tilespmem:$0x5620] =	vst v63  }
0xac: {  	s1 =	sadd.s32 $0x2990, s4  }
0xad: {  	[spmem:s3] =	stream.indirect.scatter.add.f32 [tilespmem:s17], [sflag:$0xC], $0x1, s1, s19, $0xb8;
	[tilespmem:$0x5620] =	vst v63  }
0xae: {  	_ =	swait.ge [sflag:s20], $0x80  }
0xaf: {  	[sflag:s20] =	ssyncset.done $0x0  }
0xb0: {  	[sflag:s20] =	ssyncadd.s32 $0xFFFFFF80  }
0xb1: {  	_ =	swait.ge [sflag:s21], $0x80  }
0xb2: {  	[sflag:s21] =	ssyncset.done $0x0  }
0xb3: {  	[sflag:s21] =	ssyncadd.s32 $0xFFFFFF80  }
0xb4: {  	_ =	swait.ge [sflag:s22], $0x80  }
0xb5: {  	[sflag:s22] =	ssyncset.done $0x0  }
0xb6: {  	[sflag:s22] =	ssyncadd.s32 $0xFFFFFF80  }
0xb7: {  	_ =	swait.ge [sflag:s23], $0x80  }
0xb8: {  	[sflag:s23] =	ssyncset.done $0x0  }
0xb9: {  	[sflag:s23] =	ssyncadd.s32 $0xFFFFFF80  }
0xba: {  	_ =	swait.ge [sflag:s24], $0x80  }
0xbb: {  	[sflag:s24] =	ssyncset.done $0x0  }
0xbc: {  	[sflag:s24] =	ssyncadd.s32 $0xFFFFFF80  }
0xbd: {  	_ =	swait.ge [sflag:s25], $0x80  }
0xbe: {  	[sflag:s25] =	ssyncset.done $0x0  }
0xbf: {  	[sflag:s25] =	ssyncadd.s32 $0xFFFFFF80  }
0xc0: {  	_ =	swait.ge [sflag:s26], $0x80  }
0xc1: {  	[sflag:s26] =	ssyncset.done $0x0  }
0xc2: {  	[sflag:s26] =	ssyncadd.s32 $0xFFFFFF80  }
0xc3: {  	_ =	swait.ge [sflag:s28], $0x80  }
0xc4: {  	[sflag:s28] =	ssyncset.done $0x0  }
0xc5: {  	[sflag:s28] =	ssyncadd.s32 $0xFFFFFF80  }
0xc6: {  	_ =	swait.ge [sflag:s29], $0x80  }
0xc7: {  	[sflag:s29] =	ssyncset.done $0x0  }
0xc8: {  	[sflag:s29] =	ssyncadd.s32 $0xFFFFFF80  }
0xc9: {  	_ =	swait.ge [sflag:s30], $0x80  }
0xca: {  	[sflag:s30] =	ssyncset.done $0x0  }
0xcb: {  	[sflag:s30] =	ssyncadd.s32 $0xFFFFFF80  }
.Ltmp0:
0xcc: {  	_ =	swait.ge [sflag:s31], $0x80;
	(pc) =	sbr.rel @p0 .LBB2_2-.Ltmp0, $4  }
0xcd: {  	[sflag:s31] =	ssyncset.done $0x0  }
0xce: {  	[sflag:s31] =	ssyncadd.s32 $0xFFFFFF80  }
0xcf: {  	_ =	swait.ge [sflag:s0], $0x80  }
0xd0: {  	s1 =	smov.u32 s18;
	[sflag:s0] =	ssyncset.done $0x0  }
0xd1: {  	s1 =	sshra.s32 s16, $0x2;
	[sflag:s0] =	ssyncadd.s32 $0xFFFFFF80  }
0xd2: {  	[spmem:s2] =	stream.indirect.scatter.add.f32 [tilespmem:s17], [sflag:$0x1], $0x1, s1, s19, $0xb8;
	[tilespmem:$0x5620] =	vst v63  }
0xd3: {  	s4 =	sadd.s32 $0x2710, s1  }
0xd4: {  	[spmem:s3] =	stream.indirect.scatter.add.f32 [tilespmem:s17], [sflag:$0x7], $0x1, s4, s19, $0xb8;
	[tilespmem:$0x5620] =	vst v63  }
0xd5: {  	s18 =	sadd.s32 $0x80, s1  }
0xd6: {  	[spmem:s2] =	stream.indirect.scatter.add.f32 [tilespmem:s17], [sflag:$0x2], $0x1, s18, s19, $0xb8;
	[tilespmem:$0x5620] =	vst v63  }
0xd7: {  	s16 =	sadd.s32 $0x2790, s1  }
0xd8: {  	[spmem:s3] =	stream.indirect.scatter.add.f32 [tilespmem:s17], [sflag:$0x8], $0x1, s16, s19, $0xb8;
	[tilespmem:$0x5620] =	vst v63  }
0xd9: {  	s18 =	sadd.s32 $0x100, s1  }
0xda: {  	[spmem:s2] =	stream.indirect.scatter.add.f32 [tilespmem:s17], [sflag:$0x3], $0x1, s18, s19, $0xb8;
	[tilespmem:$0x5620] =	vst v63  }
0xdb: {  	s16 =	sadd.s32 $0x2810, s1  }
0xdc: {  	[spmem:s3] =	stream.indirect.scatter.add.f32 [tilespmem:s17], [sflag:$0x9], $0x1, s16, s19, $0xb8;
	[tilespmem:$0x5620] =	vst v63  }
0xdd: {  	s18 =	sadd.s32 $0x180, s1  }
0xde: {  	[spmem:s2] =	stream.indirect.scatter.add.f32 [tilespmem:s17], [sflag:$0x4], $0x1, s18, s19, $0xb8;
	[tilespmem:$0x5620] =	vst v63  }
0xdf: {  	s16 =	sadd.s32 $0x2890, s1  }
0xe0: {  	[spmem:s3] =	stream.indirect.scatter.add.f32 [tilespmem:s17], [sflag:$0xA], $0x1, s16, s19, $0xb8;
	[tilespmem:$0x5620] =	vst v63  }
0xe1: {  	s18 =	sadd.s32 $0x200, s1  }
0xe2: {  	[spmem:s2] =	stream.indirect.scatter.add.f32 [tilespmem:s17], [sflag:$0x5], $0x1, s18, s19, $0xb8;
	[tilespmem:$0x5620] =	vst v63  }
0xe3: {  	s16 =	sadd.s32 $0x2910, s1  }
0xe4: {  	[spmem:s3] =	stream.indirect.scatter.add.f32 [tilespmem:s17], [sflag:$0xB], $0x1, s16, s19, $0xb8;
	[tilespmem:$0x5620] =	vst v63  }
0xe5: {  	s18 =	sadd.s32 $0x280, s1  }
0xe6: {  	[spmem:s2] =	stream.indirect.scatter.add.f32 [tilespmem:s17], [sflag:$0x6], $0x1, s18, s19, $0xb8;
	[tilespmem:$0x5620] =	vst v63  }
0xe7: {  	s1 =	sadd.s32 $0x2990, s1  }
0xe8: {  	[spmem:s3] =	stream.indirect.scatter.add.f32 [tilespmem:s17], [sflag:$0xC], $0x1, s1, s19, $0xb8;
	[tilespmem:$0x5620] =	vst v63  }
0xe9: {  	_ =	swait.ge [sflag:s20], $0x80  }
0xea: {  	[sflag:s20] =	ssyncset.done $0x0  }
0xeb: {  	[sflag:s20] =	ssyncadd.s32 $0xFFFFFF80  }
0xec: {  	_ =	swait.ge [sflag:s21], $0x80  }
0xed: {  	[sflag:s21] =	ssyncset.done $0x0  }
0xee: {  	[sflag:s21] =	ssyncadd.s32 $0xFFFFFF80  }
0xef: {  	_ =	swait.ge [sflag:s22], $0x80  }
0xf0: {  	[sflag:s22] =	ssyncset.done $0x0  }
0xf1: {  	[sflag:s22] =	ssyncadd.s32 $0xFFFFFF80  }
0xf2: {  	_ =	swait.ge [sflag:s23], $0x80  }
0xf3: {  	[sflag:s23] =	ssyncset.done $0x0  }
0xf4: {  	[sflag:s23] =	ssyncadd.s32 $0xFFFFFF80  }
0xf5: {  	_ =	swait.ge [sflag:s24], $0x80  }
0xf6: {  	[sflag:s24] =	ssyncset.done $0x0  }
0xf7: {  	[sflag:s24] =	ssyncadd.s32 $0xFFFFFF80  }
0xf8: {  	_ =	swait.ge [sflag:s25], $0x80  }
0xf9: {  	[sflag:s25] =	ssyncset.done $0x0  }
0xfa: {  	[sflag:s25] =	ssyncadd.s32 $0xFFFFFF80  }
0xfb: {  	_ =	swait.ge [sflag:s26], $0x80  }
0xfc: {  	[sflag:s26] =	ssyncset.done $0x0  }
0xfd: {  	[sflag:s26] =	ssyncadd.s32 $0xFFFFFF80  }
0xfe: {  	_ =	swait.ge [sflag:s28], $0x80  }
0xff: {  	[sflag:s28] =	ssyncset.done $0x0  }
0x100: {  	[sflag:s28] =	ssyncadd.s32 $0xFFFFFF80  }
0x101: {  	_ =	swait.ge [sflag:s29], $0x80  }
0x102: {  	[sflag:s29] =	ssyncset.done $0x0  }
0x103: {  	[sflag:s29] =	ssyncadd.s32 $0xFFFFFF80  }
0x104: {  	_ =	swait.ge [sflag:s30], $0x80  }
0x105: {  	[sflag:s30] =	ssyncset.done $0x0  }
0x106: {  	[sflag:s30] =	ssyncadd.s32 $0xFFFFFF80  }
0x107: {  	_ =	swait.ge [sflag:s31], $0x80  }
0x108: {  	[sflag:s31] =	ssyncset.done $0x0  }
0x109: {  	[sflag:s31] =	ssyncadd.s32 $0xFFFFFF80  }
0x10a: {  	_ =	swait.ge [sflag:s0], $0x80  }
0x10b: {  	s4 =	stileid.u32;
	[sflag:s0] =	ssyncset.done $0x0  }
0x10c: {  	s1 =	sshll.u32 s4, $0x6;
	[sflag:s0] =	ssyncadd.s32 $0xFFFFFF80  }
0x10d: {  	s16 =	sshrl.u32 s5, $0x3;
	s1 =	sor.u32 $0x1C0D, s1;
	[bflag:$0x0] =	sbarrier.arrive $0xFFFF  }
0x10e: {  	[hbm:s9], [sflag:s1] =	dma.local [spmem:s16], $0x50  }
0x10f: {  	s14 =	sadd.s32 $0x1, s14;
	_ =	swait.ge [sflag:s13], $0x50  }
0x110: {  	p0 =	sne.s32 s14, s11;
	[sflag:s13] =	ssyncset.done $0x0  }
.Ltmp1:
0x111: {  	s18 =	sshrl.u32 s6, $0x3;
	[sflag:s13] =	ssyncadd.s32 $0xFFFFFFB0;
	(pc) =	sbr.rel @p0 .LBB2_1-.Ltmp1, $4  }
0x112: {  	[hbm:s10], [sflag:s1] =	dma.local [spmem:s18], $0x50  }
0x113: {  	_ =	swait.ge [sflag:s13], $0x50  }
0x114: {  	[sflag:s13] =	ssyncset.done $0x0  }
0x115: {  	[sflag:s13] =	ssyncadd.s32 $0xFFFFFFB0  }
0x116: {  	_ =	sfence.sel $0x180000  }
0x117: {  	[bflag:$0x0] =	sbarrier.arrive $0xFFFF  }
0x118: {  	_ =	strace $0x90000047  }
0x119: {  	s0 =	stileid.u32;
	[bflag:$0x2] =	sbarrier.arrive $0xFFFF  }
0x11a: {  	p0 =	sne.s32 s0, $0x0;
	s0 =	rddreg [dreg:$0x3]  }
0x11b: {  	s0 =	sadd.s32 @!p0 $0x100000, s0  }
0x11c: {  	[sflag:s0] =	ssyncadd.tile.s32 @!p0 $0x1;
	_ =	shalt  }
.Lfunc_end2:
_tile_overlayer_lowered:
.L_overlay_start_2:
0x11d: {  	(tag) =	ssettag $0x2  }
0x11e: {  	s0 =	rddreg [dreg:$0x0];
	s2 =	stileid.u32  }
0x11f: {  	s1 =	rddreg [dreg:$0x1];
	p0 =	sne.s32 s2, $0x0  }
0x120: {  	s3 =	rddreg [dreg:$0x2];
	[bflag:$0x3] =	sbarrier.arrive $0xFFFF;
	s2 =	simm.s32 @!p0 $0x1C0D  }
0x121: {  	[timem:s3], [sflag:s2] =	dma.local @!p0 [hbm:s0], s1  }
0x122: {  	s0 =	simm.s32 @!p0 $0xD  }
0x123: {  	_ =	swait.ge @!p0 [sflag:s0], s1  }
0x124: {  	s1 =	ssub.s32 @!p0 $0x0, s1;
	[sflag:s0] =	ssyncset.done @!p0 $0x0  }
0x125: {  	[sflag:s0] =	ssyncadd.s32 @!p0 s1  }
0x126: {  	[bflag:$0x3] =	sbarrier.arrive $0xFFFF  }
0x127: {  	_ =	shalt  }

</sc_bundles>
